<compile_context>
chip_gen: v7x
topology: tpu7x:2x2x1
jax: 0.10.2.dev20260603
libtpu: 0.0.44.dev20260713+nightly
codegen_flags: <defaults>
</compile_context>

<pallas_src>
import functools

import jax
import jax.numpy as jnp
from jax import lax
from jax.experimental import pallas as pl
from jax.experimental.pallas import tpu as pltpu
from jax.experimental.pallas import tpu_sc as plsc

_PRE = 5
_NCLS = 4
_TOT = 77
_SUF = _TOT - _PRE - _NCLS
_L = 128
_NCHUNK = 4


def _make_sc_gather(V, B):
    info = plsc.get_sparse_core_info()
    NC, NS, L = info.num_cores, info.num_subcores, info.num_lanes
    NW = NC * NS
    assert B % (8 * NW) == 0 and L == 16
    bw = B // NW
    n_r = _NCLS * _NCHUNK

    mesh = plsc.VectorSubcoreMesh(core_axis_name="c", subcore_axis_name="s")

    @functools.partial(
        pl.kernel,
        mesh=mesh,
        out_type=jax.ShapeDtypeStruct((_NCLS, _NCHUNK, B, _L), jnp.float32),
        scratch_types=[
            pltpu.VMEM((bw,), jnp.int32),
            pltpu.VMEM((bw,), jnp.int32),
            pltpu.VMEM((n_r, bw), jnp.int32),
            pltpu.VMEM((n_r, bw, _L), jnp.float32),
            pltpu.SemaphoreType.DMA,
        ],
    )
    def gather_kernel(table_hbm, idx_hbm, out_hbm, lbl_v, lbl16_v, idx_v,
                      rows_v, sem):
        wid = lax.axis_index("s") * NC + lax.axis_index("c")
        base = wid * bw
        pltpu.sync_copy(idx_hbm.at[pl.ds(base, bw)], lbl_v)
        for j0 in range(0, bw, L):
            lbl16_v[pl.ds(j0, L)] = lbl_v[pl.ds(j0, L)] * (_NCLS * _NCHUNK)
        for t in range(_NCLS):
            for c in range(_NCHUNK):
                r = t * _NCHUNK + c
                for j0 in range(0, bw, L):
                    idx_v[r, pl.ds(j0, L)] = (
                        lbl16_v[pl.ds(j0, L)] + (c * _NCLS + t)
                    )
        copies = []
        for r in range(n_r):
            copies.append(
                pltpu.async_copy(table_hbm.at[idx_v.at[r]], rows_v.at[r], sem)
            )
        for d in copies:
            d.wait()
        for t in range(_NCLS):
            for c in range(_NCHUNK):
                r = t * _NCHUNK + c
                pltpu.sync_copy(
                    rows_v.at[r], out_hbm.at[t, c, pl.ds(base, bw), :]
                )

    return gather_kernel


def _presuf_body(pre_ref, suf_ref, out_ref, *, B, D):
    t = pl.program_id(0)

    @pl.when(t < _PRE)
    def _():
        out_ref[0] = jnp.broadcast_to(pre_ref[0], (B, D))

    @pl.when(t >= _PRE)
    def _():
        out_ref[0] = jnp.broadcast_to(suf_ref[0], (B, D))


def _tc_presuf(pre3, suf3, B):
    D = _NCHUNK * _L
    body = functools.partial(_presuf_body, B=B, D=D)
    return pl.pallas_call(
        body,
        grid=(_TOT - _NCLS,),
        in_specs=[
            pl.BlockSpec((1, 1, D), lambda t: (jnp.clip(t, 0, _PRE - 1), 0, 0)),
            pl.BlockSpec(
                (1, 1, D), lambda t: (jnp.clip(t - _PRE, 0, _SUF - 1), 0, 0)
            ),
        ],
        out_specs=pl.BlockSpec(
            (1, B, D),
            lambda t: (jnp.where(t < _PRE, t, t + _NCLS), 0, 0),
        ),
        out_shape=jax.ShapeDtypeStruct((_TOT, B, D), jnp.float32),
    )(pre3, suf3)


def _cls_body(al_ref, cls_ref, out_ref):
    for c in range(_NCHUNK):
        out_ref[0, :, c * _L:(c + 1) * _L] = cls_ref[0, c]


def _tc_fill_cls(out_tm, gathered):
    B = gathered.shape[2]
    D = _NCHUNK * _L
    return pl.pallas_call(
        _cls_body,
        grid=(_NCLS,),
        in_specs=[
            pl.BlockSpec(memory_space=pl.ANY),
            pl.BlockSpec((1, _NCHUNK, B, _L), lambda t: (t, 0, 0, 0)),
        ],
        out_specs=pl.BlockSpec((1, B, D), lambda t: (t + _PRE, 0, 0)),
        out_shape=jax.ShapeDtypeStruct((_TOT, B, D), jnp.float32),
        input_output_aliases={0: 0},
    )(out_tm, gathered)


@jax.jit
def kernel(label, cls_ctx, prefix_base, suffix_base):
    B = label.shape[0]
    V, C, D = cls_ctx.shape
    table_sc = (
        cls_ctx.reshape(V, C, D // _L, _L)
        .transpose(0, 2, 1, 3)
        .reshape(V * C * (D // _L), _L)
    )
    idx = label.astype(jnp.int32)
    gathered = _make_sc_gather(V, B)(table_sc, idx)
    pre3 = prefix_base.reshape(_PRE, 1, D)
    suf3 = suffix_base.reshape(_SUF, 1, D)
    out_tm = _tc_presuf(pre3, suf3, B)
    out_tm = _tc_fill_cls(out_tm, gathered)
    return out_tm.transpose(1, 0, 2)

# --- scband reference (transcript-rebuilt; emitter-appended) ---
"""Pipeline reference for scband-build-transformer-84464826843589 (READ-ONLY COPY).

The authoritative reference and input builder live on the scoring server;
editing this copy changes nothing except your own understanding.
"""

import jax, jax.numpy as jnp
import numpy as np

# PromptLearner (prompt_mode='base') faithful forward:
#   prompts = cat([prefix_base.expand(B), cls_ctx[label], suffix_base.expand(B)], dim=1)
# base text 'A photo of a X X X X person.' -> CLIP tokens: [SOT, a, photo, of, a, X,X,X,X, person, ., EOT, pad...]
# prefix length = 5 (tokens before first X), ctx = 4 learned tokens per ID, suffix = 77 - 5 - 4 = 68

NUM_CLASS = 100000
CTX_DIM = 512
N_CLS_CTX = 4
PREFIX_LEN = 5
TOTAL_LEN = 77
SUFFIX_LEN = TOTAL_LEN - PREFIX_LEN - N_CLS_CTX  # 68
BATCH = 1024


def setup_inputs(seed: int = 0) -> dict:
    key = jax.random.key(seed)
    k1, k2, k3, k4 = jax.random.split(key, 4)
    label = jax.random.randint(k1, (BATCH,), 0, NUM_CLASS).astype(jnp.int64)
    # learned per-class context vectors (nn.Parameter initialized normal std=0.02)
    cls_ctx = jax.random.normal(k2, (NUM_CLASS, N_CLS_CTX, CTX_DIM), dtype=jnp.float32) * 0.02
    # frozen token-embedding slices (registered buffers)
    prefix_base = jax.random.normal(k3, (1, PREFIX_LEN, CTX_DIM), dtype=jnp.float32)
    suffix_base = jax.random.normal(k4, (1, SUFFIX_LEN, CTX_DIM), dtype=jnp.float32)
    return {"label": label, "cls_ctx": cls_ctx, "prefix_base": prefix_base, "suffix_base": suffix_base}


def reference(label, cls_ctx, prefix_base, suffix_base):
    b = label.shape[0]
    # embedding gather: per-ID learned context tokens
    cls = jnp.take(cls_ctx, label, axis=0)  # [B, 4, 512]
    pre = jnp.broadcast_to(prefix_base, (b, prefix_base.shape[1], prefix_base.shape[2]))
    suf = jnp.broadcast_to(suffix_base, (b, suffix_base.shape[1], suffix_base.shape[2]))
    prompts = jnp.concatenate([pre, cls, suf], axis=1)  # [B, 77, 512]
    return prompts

if __name__ == "__main__":
    import jax
    _d = setup_inputs()
    print(jax.jit(kernel)(*tuple(_d.values())))

</pallas_src>

<mosaic_0001>
#map = affine_map<(d0, d1) -> (0, 0)>
#map1 = affine_map<(d0, d1) -> (0)>
#map2 = affine_map<(d0, d1) -> (0, 0, 0, 0)>
module attributes {stable_mosaic.version = 14 : i64} {
  func.func @gather_kernel(%arg0: i32, %arg1: i32, %arg2: memref<1600000x128xf32, #tpu.memory_space<hbm>>, %arg3: memref<1024xi32, #tpu.memory_space<hbm>>, %arg4: memref<4x4x1024x128xf32, #tpu.memory_space<hbm>>, %arg5: memref<32xi32, #tpu.memory_space<vmem>>, %arg6: memref<32xi32, #tpu.memory_space<vmem>>, %arg7: memref<16x32xi32, #tpu.memory_space<vmem>>, %arg8: memref<16x32x128xf32, #tpu.memory_space<vmem>>, %arg9: memref<!tpu.dma_semaphore, #tpu.memory_space<semaphore_mem>>) attributes {dimension_semantics = [#tpu.dimension_semantics<core_parallel>, #tpu.dimension_semantics<subcore_parallel>], iteration_bounds = array<i64: 2, 16>, scalar_prefetch = 0 : i64, scratch_operands = 5 : i64, tpu.core_type = #tpu.core_type<sc_vector_subcore>, window_params = [{transform_indices = #map}, {transform_indices = #map1}, {transform_indices = #map2}]} {
    %mul3A = arith.constant 2 : i32
    %mul3A_0 = arith.muli %arg1, %mul3A : i32
    %add3A = arith.addi %mul3A_0, %arg0 : i32
    %mul3A_1 = arith.constant 32 : i32
    %mul3A_2 = arith.muli %add3A, %mul3A_1 : i32
    "tpu.region"() ({
      %run_scoped3A_834 = tpu.sem_alloc : memref<!tpu.dma_semaphore, #tpu.memory_space<semaphore_mem>>
      %dma_start3A_835 = tpu.memref_slice %arg3[%mul3A_2] : memref<1024xi32, #tpu.memory_space<hbm>> -> memref<32xi32, #tpu.memory_space<hbm>>
      %dma_start3A_836 = tpu.memref_slice %arg3[%mul3A_2] : memref<1024xi32, #tpu.memory_space<hbm>> -> memref<32xi32, #tpu.memory_space<hbm>>
      tpu.enqueue_dma source(%dma_start3A_836 : memref<32xi32, #tpu.memory_space<hbm>>) target(%arg5 : memref<32xi32, #tpu.memory_space<vmem>>) target_semaphore(%run_scoped3A_834 : memref<!tpu.dma_semaphore, #tpu.memory_space<semaphore_mem>>)
      %dma_wait3A_837 = tpu.memref_slice %arg3[%mul3A_2] : memref<1024xi32, #tpu.memory_space<hbm>> -> memref<32xi32, #tpu.memory_space<hbm>>
      %dma_wait3A_838 = tpu.memref_slice %arg3[%mul3A_2] : memref<1024xi32, #tpu.memory_space<hbm>> -> memref<32xi32, #tpu.memory_space<hbm>>
      tpu.wait_dma2 semaphore(%run_scoped3A_834 : memref<!tpu.dma_semaphore, #tpu.memory_space<semaphore_mem>>) src(%dma_wait3A_838 : memref<32xi32, #tpu.memory_space<hbm>>) dst(%arg5 : memref<32xi32, #tpu.memory_space<vmem>>)
      tpu.yield
    }) : () -> ()
    %get3A = arith.constant 0 : index
    %get3A_3 = tpu.vector_load %arg5[%get3A] {strides = array<i32>} : memref<32xi32, #tpu.memory_space<vmem>>, vector<16xi32>,
    %get3A_4 = vector.shape_cast %get3A_3 : vector<16xi32> to vector<16xi32>
    %mul3A_5 = arith.constant 16 : i32
    %mul3A_6 = vector.broadcast %mul3A_5 : i32 to vector<16xi32>
    %mul3A_7 = arith.muli %get3A_4, %mul3A_6 : vector<16xi32>
    %swap3A = arith.constant 0 : index
    %swap3A_8 = tpu.vector_load %arg6[%swap3A] {strides = array<i32>} : memref<32xi32, #tpu.memory_space<vmem>>, vector<16xi32>,
    %swap3A_9 = vector.shape_cast %swap3A_8 : vector<16xi32> to vector<16xi32>
    %swap3A_10 = vector.shape_cast %mul3A_7 : vector<16xi32> to vector<16xi32>
    tpu.vector_store %arg6[%swap3A], %swap3A_10 {strides = array<i32>} : memref<32xi32, #tpu.memory_space<vmem>>, vector<16xi32>,
    %get3A_11 = arith.constant 16 : index
    %get3A_12 = tpu.vector_load %arg5[%get3A_11] {strides = array<i32>} : memref<32xi32, #tpu.memory_space<vmem>>, vector<16xi32>,
    %get3A_13 = vector.shape_cast %get3A_12 : vector<16xi32> to vector<16xi32>
    %mul3A_14 = arith.constant 16 : i32
    %mul3A_15 = vector.broadcast %mul3A_14 : i32 to vector<16xi32>
    %mul3A_16 = arith.muli %get3A_13, %mul3A_15 : vector<16xi32>
    %swap3A_17 = arith.constant 16 : index
    %swap3A_18 = tpu.vector_load %arg6[%swap3A_17] {strides = array<i32>} : memref<32xi32, #tpu.memory_space<vmem>>, vector<16xi32>,
    %swap3A_19 = vector.shape_cast %swap3A_18 : vector<16xi32> to vector<16xi32>
    %swap3A_20 = vector.shape_cast %mul3A_16 : vector<16xi32> to vector<16xi32>
    tpu.vector_store %arg6[%swap3A_17], %swap3A_20 {strides = array<i32>} : memref<32xi32, #tpu.memory_space<vmem>>, vector<16xi32>,
    %get3A_21 = arith.constant 0 : index
    %get3A_22 = tpu.vector_load %arg6[%get3A_21] {strides = array<i32>} : memref<32xi32, #tpu.memory_space<vmem>>, vector<16xi32>,
    %get3A_23 = vector.shape_cast %get3A_22 : vector<16xi32> to vector<16xi32>
    %add3A_24 = arith.constant 0 : i32
    %add3A_25 = vector.broadcast %add3A_24 : i32 to vector<16xi32>
    %add3A_26 = arith.addi %get3A_23, %add3A_25 : vector<16xi32>
    %swap3A_27 = arith.constant 0 : i32
    %swap3A_28 = arith.index_cast %swap3A_27 : i32 to index
    %swap3A_29 = arith.constant 0 : index
    %swap3A_30 = tpu.vector_load %arg7[%swap3A_28, %swap3A_29] {strides = array<i32>} : memref<16x32xi32, #tpu.memory_space<vmem>>, vector<1x16xi32>,
    %swap3A_31 = vector.shape_cast %swap3A_30 : vector<1x16xi32> to vector<16xi32>
    %swap3A_32 = vector.shape_cast %add3A_26 : vector<16xi32> to vector<1x16xi32>
    tpu.vector_store %arg7[%swap3A_28, %swap3A_29], %swap3A_32 {strides = array<i32>} : memref<16x32xi32, #tpu.memory_space<vmem>>, vector<1x16xi32>,
    %get3A_33 = arith.constant 16 : index
    %get3A_34 = tpu.vector_load %arg6[%get3A_33] {strides = array<i32>} : memref<32xi32, #tpu.memory_space<vmem>>, vector<16xi32>,
    %get3A_35 = vector.shape_cast %get3A_34 : vector<16xi32> to vector<16xi32>
    %add3A_36 = arith.constant 0 : i32
    %add3A_37 = vector.broadcast %add3A_36 : i32 to vector<16xi32>
    %add3A_38 = arith.addi %get3A_35, %add3A_37 : vector<16xi32>
    %swap3A_39 = arith.constant 0 : i32
    %swap3A_40 = arith.index_cast %swap3A_39 : i32 to index
    %swap3A_41 = arith.constant 16 : index
    %swap3A_42 = tpu.vector_load %arg7[%swap3A_40, %swap3A_41] {strides = array<i32>} : memref<16x32xi32, #tpu.memory_space<vmem>>, vector<1x16xi32>,
    %swap3A_43 = vector.shape_cast %swap3A_42 : vector<1x16xi32> to vector<16xi32>
    %swap3A_44 = vector.shape_cast %add3A_38 : vector<16xi32> to vector<1x16xi32>
    tpu.vector_store %arg7[%swap3A_40, %swap3A_41], %swap3A_44 {strides = array<i32>} : memref<16x32xi32, #tpu.memory_space<vmem>>, vector<1x16xi32>,
    %get3A_45 = arith.constant 0 : index
    %get3A_46 = tpu.vector_load %arg6[%get3A_45] {strides = array<i32>} : memref<32xi32, #tpu.memory_space<vmem>>, vector<16xi32>,
    %get3A_47 = vector.shape_cast %get3A_46 : vector<16xi32> to vector<16xi32>
    %add3A_48 = arith.constant 4 : i32
    %add3A_49 = vector.broadcast %add3A_48 : i32 to vector<16xi32>
    %add3A_50 = arith.addi %get3A_47, %add3A_49 : vector<16xi32>
    %swap3A_51 = arith.constant 1 : i32
    %swap3A_52 = arith.index_cast %swap3A_51 : i32 to index
    %swap3A_53 = arith.constant 0 : index
    %swap3A_54 = tpu.vector_load %arg7[%swap3A_52, %swap3A_53] {strides = array<i32>} : memref<16x32xi32, #tpu.memory_space<vmem>>, vector<1x16xi32>,
    %swap3A_55 = vector.shape_cast %swap3A_54 : vector<1x16xi32> to vector<16xi32>
    %swap3A_56 = vector.shape_cast %add3A_50 : vector<16xi32> to vector<1x16xi32>
    tpu.vector_store %arg7[%swap3A_52, %swap3A_53], %swap3A_56 {strides = array<i32>} : memref<16x32xi32, #tpu.memory_space<vmem>>, vector<1x16xi32>,
    %get3A_57 = arith.constant 16 : index
    %get3A_58 = tpu.vector_load %arg6[%get3A_57] {strides = array<i32>} : memref<32xi32, #tpu.memory_space<vmem>>, vector<16xi32>,
    %get3A_59 = vector.shape_cast %get3A_58 : vector<16xi32> to vector<16xi32>
    %add3A_60 = arith.constant 4 : i32
    %add3A_61 = vector.broadcast %add3A_60 : i32 to vector<16xi32>
    %add3A_62 = arith.addi %get3A_59, %add3A_61 : vector<16xi32>
    %swap3A_63 = arith.constant 1 : i32
    %swap3A_64 = arith.index_cast %swap3A_63 : i32 to index
    %swap3A_65 = arith.constant 16 : index
    %swap3A_66 = tpu.vector_load %arg7[%swap3A_64, %swap3A_65] {strides = array<i32>} : memref<16x32xi32, #tpu.memory_space<vmem>>, vector<1x16xi32>,
    %swap3A_67 = vector.shape_cast %swap3A_66 : vector<1x16xi32> to vector<16xi32>
    %swap3A_68 = vector.shape_cast %add3A_62 : vector<16xi32> to vector<1x16xi32>
    tpu.vector_store %arg7[%swap3A_64, %swap3A_65], %swap3A_68 {strides = array<i32>} : memref<16x32xi32, #tpu.memory_space<vmem>>, vector<1x16xi32>,
    %get3A_69 = arith.constant 0 : index
    %get3A_70 = tpu.vector_load %arg6[%get3A_69] {strides = array<i32>} : memref<32xi32, #tpu.memory_space<vmem>>, vector<16xi32>,
    %get3A_71 = vector.shape_cast %get3A_70 : vector<16xi32> to vector<16xi32>
    %add3A_72 = arith.constant 8 : i32
    %add3A_73 = vector.broadcast %add3A_72 : i32 to vector<16xi32>
    %add3A_74 = arith.addi %get3A_71, %add3A_73 : vector<16xi32>
    %swap3A_75 = arith.constant 2 : i32
    %swap3A_76 = arith.index_cast %swap3A_75 : i32 to index
    %swap3A_77 = arith.constant 0 : index
    %swap3A_78 = tpu.vector_load %arg7[%swap3A_76, %swap3A_77] {strides = array<i32>} : memref<16x32xi32, #tpu.memory_space<vmem>>, vector<1x16xi32>,
    %swap3A_79 = vector.shape_cast %swap3A_78 : vector<1x16xi32> to vector<16xi32>
    %swap3A_80 = vector.shape_cast %add3A_74 : vector<16xi32> to vector<1x16xi32>
    tpu.vector_store %arg7[%swap3A_76, %swap3A_77], %swap3A_80 {strides = array<i32>} : memref<16x32xi32, #tpu.memory_space<vmem>>, vector<1x16xi32>,
    %get3A_81 = arith.constant 16 : index
    %get3A_82 = tpu.vector_load %arg6[%get3A_81] {strides = array<i32>} : memref<32xi32, #tpu.memory_space<vmem>>, vector<16xi32>,
    %get3A_83 = vector.shape_cast %get3A_82 : vector<16xi32> to vector<16xi32>
    %add3A_84 = arith.constant 8 : i32
    %add3A_85 = vector.broadcast %add3A_84 : i32 to vector<16xi32>
    %add3A_86 = arith.addi %get3A_83, %add3A_85 : vector<16xi32>
    %swap3A_87 = arith.constant 2 : i32
    %swap3A_88 = arith.index_cast %swap3A_87 : i32 to index
    %swap3A_89 = arith.constant 16 : index
    %swap3A_90 = tpu.vector_load %arg7[%swap3A_88, %swap3A_89] {strides = array<i32>} : memref<16x32xi32, #tpu.memory_space<vmem>>, vector<1x16xi32>,
    %swap3A_91 = vector.shape_cast %swap3A_90 : vector<1x16xi32> to vector<16xi32>
    %swap3A_92 = vector.shape_cast %add3A_86 : vector<16xi32> to vector<1x16xi32>
    tpu.vector_store %arg7[%swap3A_88, %swap3A_89], %swap3A_92 {strides = array<i32>} : memref<16x32xi32, #tpu.memory_space<vmem>>, vector<1x16xi32>,
    %get3A_93 = arith.constant 0 : index
    %get3A_94 = tpu.vector_load %arg6[%get3A_93] {strides = array<i32>} : memref<32xi32, #tpu.memory_space<vmem>>, vector<16xi32>,
    %get3A_95 = vector.shape_cast %get3A_94 : vector<16xi32> to vector<16xi32>
    %add3A_96 = arith.constant 12 : i32
    %add3A_97 = vector.broadcast %add3A_96 : i32 to vector<16xi32>
    %add3A_98 = arith.addi %get3A_95, %add3A_97 : vector<16xi32>
    %swap3A_99 = arith.constant 3 : i32
    %swap3A_100 = arith.index_cast %swap3A_99 : i32 to index
    %swap3A_101 = arith.constant 0 : index
    %swap3A_102 = tpu.vector_load %arg7[%swap3A_100, %swap3A_101] {strides = array<i32>} : memref<16x32xi32, #tpu.memory_space<vmem>>, vector<1x16xi32>,
    %swap3A_103 = vector.shape_cast %swap3A_102 : vector<1x16xi32> to vector<16xi32>
    %swap3A_104 = vector.shape_cast %add3A_98 : vector<16xi32> to vector<1x16xi32>
    tpu.vector_store %arg7[%swap3A_100, %swap3A_101], %swap3A_104 {strides = array<i32>} : memref<16x32xi32, #tpu.memory_space<vmem>>, vector<1x16xi32>,
    %get3A_105 = arith.constant 16 : index
    %get3A_106 = tpu.vector_load %arg6[%get3A_105] {strides = array<i32>} : memref<32xi32, #tpu.memory_space<vmem>>, vector<16xi32>,
    %get3A_107 = vector.shape_cast %get3A_106 : vector<16xi32> to vector<16xi32>
    %add3A_108 = arith.constant 12 : i32
    %add3A_109 = vector.broadcast %add3A_108 : i32 to vector<16xi32>
    %add3A_110 = arith.addi %get3A_107, %add3A_109 : vector<16xi32>
    %swap3A_111 = arith.constant 3 : i32
    %swap3A_112 = arith.index_cast %swap3A_111 : i32 to index
    %swap3A_113 = arith.constant 16 : index
    %swap3A_114 = tpu.vector_load %arg7[%swap3A_112, %swap3A_113] {strides = array<i32>} : memref<16x32xi32, #tpu.memory_space<vmem>>, vector<1x16xi32>,
    %swap3A_115 = vector.shape_cast %swap3A_114 : vector<1x16xi32> to vector<16xi32>
    %swap3A_116 = vector.shape_cast %add3A_110 : vector<16xi32> to vector<1x16xi32>
    tpu.vector_store %arg7[%swap3A_112, %swap3A_113], %swap3A_116 {strides = array<i32>} : memref<16x32xi32, #tpu.memory_space<vmem>>, vector<1x16xi32>,
    %get3A_117 = arith.constant 0 : index
    %get3A_118 = tpu.vector_load %arg6[%get3A_117] {strides = array<i32>} : memref<32xi32, #tpu.memory_space<vmem>>, vector<16xi32>,
    %get3A_119 = vector.shape_cast %get3A_118 : vector<16xi32> to vector<16xi32>
    %add3A_120 = arith.constant 1 : i32
    %add3A_121 = vector.broadcast %add3A_120 : i32 to vector<16xi32>
    %add3A_122 = arith.addi %get3A_119, %add3A_121 : vector<16xi32>
    %swap3A_123 = arith.constant 4 : i32
    %swap3A_124 = arith.index_cast %swap3A_123 : i32 to index
    %swap3A_125 = arith.constant 0 : index
    %swap3A_126 = tpu.vector_load %arg7[%swap3A_124, %swap3A_125] {strides = array<i32>} : memref<16x32xi32, #tpu.memory_space<vmem>>, vector<1x16xi32>,
    %swap3A_127 = vector.shape_cast %swap3A_126 : vector<1x16xi32> to vector<16xi32>
    %swap3A_128 = vector.shape_cast %add3A_122 : vector<16xi32> to vector<1x16xi32>
    tpu.vector_store %arg7[%swap3A_124, %swap3A_125], %swap3A_128 {strides = array<i32>} : memref<16x32xi32, #tpu.memory_space<vmem>>, vector<1x16xi32>,
    %get3A_129 = arith.constant 16 : index
    %get3A_130 = tpu.vector_load %arg6[%get3A_129] {strides = array<i32>} : memref<32xi32, #tpu.memory_space<vmem>>, vector<16xi32>,
    %get3A_131 = vector.shape_cast %get3A_130 : vector<16xi32> to vector<16xi32>
    %add3A_132 = arith.constant 1 : i32
    %add3A_133 = vector.broadcast %add3A_132 : i32 to vector<16xi32>
    %add3A_134 = arith.addi %get3A_131, %add3A_133 : vector<16xi32>
    %swap3A_135 = arith.constant 4 : i32
    %swap3A_136 = arith.index_cast %swap3A_135 : i32 to index
    %swap3A_137 = arith.constant 16 : index
    %swap3A_138 = tpu.vector_load %arg7[%swap3A_136, %swap3A_137] {strides = array<i32>} : memref<16x32xi32, #tpu.memory_space<vmem>>, vector<1x16xi32>,
    %swap3A_139 = vector.shape_cast %swap3A_138 : vector<1x16xi32> to vector<16xi32>
    %swap3A_140 = vector.shape_cast %add3A_134 : vector<16xi32> to vector<1x16xi32>
    tpu.vector_store %arg7[%swap3A_136, %swap3A_137], %swap3A_140 {strides = array<i32>} : memref<16x32xi32, #tpu.memory_space<vmem>>, vector<1x16xi32>,
    %get3A_141 = arith.constant 0 : index
    %get3A_142 = tpu.vector_load %arg6[%get3A_141] {strides = array<i32>} : memref<32xi32, #tpu.memory_space<vmem>>, vector<16xi32>,
    %get3A_143 = vector.shape_cast %get3A_142 : vector<16xi32> to vector<16xi32>
    %add3A_144 = arith.constant 5 : i32
    %add3A_145 = vector.broadcast %add3A_144 : i32 to vector<16xi32>
    %add3A_146 = arith.addi %get3A_143, %add3A_145 : vector<16xi32>
    %swap3A_147 = arith.constant 5 : i32
    %swap3A_148 = arith.index_cast %swap3A_147 : i32 to index
    %swap3A_149 = arith.constant 0 : index
    %swap3A_150 = tpu.vector_load %arg7[%swap3A_148, %swap3A_149] {strides = array<i32>} : memref<16x32xi32, #tpu.memory_space<vmem>>, vector<1x16xi32>,
    %swap3A_151 = vector.shape_cast %swap3A_150 : vector<1x16xi32> to vector<16xi32>
    %swap3A_152 = vector.shape_cast %add3A_146 : vector<16xi32> to vector<1x16xi32>
    tpu.vector_store %arg7[%swap3A_148, %swap3A_149], %swap3A_152 {strides = array<i32>} : memref<16x32xi32, #tpu.memory_space<vmem>>, vector<1x16xi32>,
    %get3A_153 = arith.constant 16 : index
    %get3A_154 = tpu.vector_load %arg6[%get3A_153] {strides = array<i32>} : memref<32xi32, #tpu.memory_space<vmem>>, vector<16xi32>,
    %get3A_155 = vector.shape_cast %get3A_154 : vector<16xi32> to vector<16xi32>
    %add3A_156 = arith.constant 5 : i32
    %add3A_157 = vector.broadcast %add3A_156 : i32 to vector<16xi32>
    %add3A_158 = arith.addi %get3A_155, %add3A_157 : vector<16xi32>
    %swap3A_159 = arith.constant 5 : i32
    %swap3A_160 = arith.index_cast %swap3A_159 : i32 to index
    %swap3A_161 = arith.constant 16 : index
    %swap3A_162 = tpu.vector_load %arg7[%swap3A_160, %swap3A_161] {strides = array<i32>} : memref<16x32xi32, #tpu.memory_space<vmem>>, vector<1x16xi32>,
    %swap3A_163 = vector.shape_cast %swap3A_162 : vector<1x16xi32> to vector<16xi32>
    %swap3A_164 = vector.shape_cast %add3A_158 : vector<16xi32> to vector<1x16xi32>
    tpu.vector_store %arg7[%swap3A_160, %swap3A_161], %swap3A_164 {strides = array<i32>} : memref<16x32xi32, #tpu.memory_space<vmem>>, vector<1x16xi32>,
    %get3A_165 = arith.constant 0 : index
    %get3A_166 = tpu.vector_load %arg6[%get3A_165] {strides = array<i32>} : memref<32xi32, #tpu.memory_space<vmem>>, vector<16xi32>,
    %get3A_167 = vector.shape_cast %get3A_166 : vector<16xi32> to vector<16xi32>
    %add3A_168 = arith.constant 9 : i32
    %add3A_169 = vector.broadcast %add3A_168 : i32 to vector<16xi32>
    %add3A_170 = arith.addi %get3A_167, %add3A_169 : vector<16xi32>
    %swap3A_171 = arith.constant 6 : i32
    %swap3A_172 = arith.index_cast %swap3A_171 : i32 to index
    %swap3A_173 = arith.constant 0 : index
    %swap3A_174 = tpu.vector_load %arg7[%swap3A_172, %swap3A_173] {strides = array<i32>} : memref<16x32xi32, #tpu.memory_space<vmem>>, vector<1x16xi32>,
    %swap3A_175 = vector.shape_cast %swap3A_174 : vector<1x16xi32> to vector<16xi32>
    %swap3A_176 = vector.shape_cast %add3A_170 : vector<16xi32> to vector<1x16xi32>
    tpu.vector_store %arg7[%swap3A_172, %swap3A_173], %swap3A_176 {strides = array<i32>} : memref<16x32xi32, #tpu.memory_space<vmem>>, vector<1x16xi32>,
    %get3A_177 = arith.constant 16 : index
    %get3A_178 = tpu.vector_load %arg6[%get3A_177] {strides = array<i32>} : memref<32xi32, #tpu.memory_space<vmem>>, vector<16xi32>,
    %get3A_179 = vector.shape_cast %get3A_178 : vector<16xi32> to vector<16xi32>
    %add3A_180 = arith.constant 9 : i32
    %add3A_181 = vector.broadcast %add3A_180 : i32 to vector<16xi32>
    %add3A_182 = arith.addi %get3A_179, %add3A_181 : vector<16xi32>
    %swap3A_183 = arith.constant 6 : i32
    %swap3A_184 = arith.index_cast %swap3A_183 : i32 to index
    %swap3A_185 = arith.constant 16 : index
    %swap3A_186 = tpu.vector_load %arg7[%swap3A_184, %swap3A_185] {strides = array<i32>} : memref<16x32xi32, #tpu.memory_space<vmem>>, vector<1x16xi32>,
    %swap3A_187 = vector.shape_cast %swap3A_186 : vector<1x16xi32> to vector<16xi32>
    %swap3A_188 = vector.shape_cast %add3A_182 : vector<16xi32> to vector<1x16xi32>
    tpu.vector_store %arg7[%swap3A_184, %swap3A_185], %swap3A_188 {strides = array<i32>} : memref<16x32xi32, #tpu.memory_space<vmem>>, vector<1x16xi32>,
    %get3A_189 = arith.constant 0 : index
    %get3A_190 = tpu.vector_load %arg6[%get3A_189] {strides = array<i32>} : memref<32xi32, #tpu.memory_space<vmem>>, vector<16xi32>,
    %get3A_191 = vector.shape_cast %get3A_190 : vector<16xi32> to vector<16xi32>
    %add3A_192 = arith.constant 13 : i32
    %add3A_193 = vector.broadcast %add3A_192 : i32 to vector<16xi32>
    %add3A_194 = arith.addi %get3A_191, %add3A_193 : vector<16xi32>
    %swap3A_195 = arith.constant 7 : i32
    %swap3A_196 = arith.index_cast %swap3A_195 : i32 to index
    %swap3A_197 = arith.constant 0 : index
    %swap3A_198 = tpu.vector_load %arg7[%swap3A_196, %swap3A_197] {strides = array<i32>} : memref<16x32xi32, #tpu.memory_space<vmem>>, vector<1x16xi32>,
    %swap3A_199 = vector.shape_cast %swap3A_198 : vector<1x16xi32> to vector<16xi32>
    %swap3A_200 = vector.shape_cast %add3A_194 : vector<16xi32> to vector<1x16xi32>
    tpu.vector_store %arg7[%swap3A_196, %swap3A_197], %swap3A_200 {strides = array<i32>} : memref<16x32xi32, #tpu.memory_space<vmem>>, vector<1x16xi32>,
    %get3A_201 = arith.constant 16 : index
    %get3A_202 = tpu.vector_load %arg6[%get3A_201] {strides = array<i32>} : memref<32xi32, #tpu.memory_space<vmem>>, vector<16xi32>,
    %get3A_203 = vector.shape_cast %get3A_202 : vector<16xi32> to vector<16xi32>
    %add3A_204 = arith.constant 13 : i32
    %add3A_205 = vector.broadcast %add3A_204 : i32 to vector<16xi32>
    %add3A_206 = arith.addi %get3A_203, %add3A_205 : vector<16xi32>
    %swap3A_207 = arith.constant 7 : i32
    %swap3A_208 = arith.index_cast %swap3A_207 : i32 to index
    %swap3A_209 = arith.constant 16 : index
    %swap3A_210 = tpu.vector_load %arg7[%swap3A_208, %swap3A_209] {strides = array<i32>} : memref<16x32xi32, #tpu.memory_space<vmem>>, vector<1x16xi32>,
    %swap3A_211 = vector.shape_cast %swap3A_210 : vector<1x16xi32> to vector<16xi32>
    %swap3A_212 = vector.shape_cast %add3A_206 : vector<16xi32> to vector<1x16xi32>
    tpu.vector_store %arg7[%swap3A_208, %swap3A_209], %swap3A_212 {strides = array<i32>} : memref<16x32xi32, #tpu.memory_space<vmem>>, vector<1x16xi32>,
    %get3A_213 = arith.constant 0 : index
    %get3A_214 = tpu.vector_load %arg6[%get3A_213] {strides = array<i32>} : memref<32xi32, #tpu.memory_space<vmem>>, vector<16xi32>,
    %get3A_215 = vector.shape_cast %get3A_214 : vector<16xi32> to vector<16xi32>
    %add3A_216 = arith.constant 2 : i32
    %add3A_217 = vector.broadcast %add3A_216 : i32 to vector<16xi32>
    %add3A_218 = arith.addi %get3A_215, %add3A_217 : vector<16xi32>
    %swap3A_219 = arith.constant 8 : i32
    %swap3A_220 = arith.index_cast %swap3A_219 : i32 to index
    %swap3A_221 = arith.constant 0 : index
    %swap3A_222 = tpu.vector_load %arg7[%swap3A_220, %swap3A_221] {strides = array<i32>} : memref<16x32xi32, #tpu.memory_space<vmem>>, vector<1x16xi32>,
    %swap3A_223 = vector.shape_cast %swap3A_222 : vector<1x16xi32> to vector<16xi32>
    %swap3A_224 = vector.shape_cast %add3A_218 : vector<16xi32> to vector<1x16xi32>
    tpu.vector_store %arg7[%swap3A_220, %swap3A_221], %swap3A_224 {strides = array<i32>} : memref<16x32xi32, #tpu.memory_space<vmem>>, vector<1x16xi32>,
    %get3A_225 = arith.constant 16 : index
    %get3A_226 = tpu.vector_load %arg6[%get3A_225] {strides = array<i32>} : memref<32xi32, #tpu.memory_space<vmem>>, vector<16xi32>,
    %get3A_227 = vector.shape_cast %get3A_226 : vector<16xi32> to vector<16xi32>
    %add3A_228 = arith.constant 2 : i32
    %add3A_229 = vector.broadcast %add3A_228 : i32 to vector<16xi32>
    %add3A_230 = arith.addi %get3A_227, %add3A_229 : vector<16xi32>
    %swap3A_231 = arith.constant 8 : i32
    %swap3A_232 = arith.index_cast %swap3A_231 : i32 to index
    %swap3A_233 = arith.constant 16 : index
    %swap3A_234 = tpu.vector_load %arg7[%swap3A_232, %swap3A_233] {strides = array<i32>} : memref<16x32xi32, #tpu.memory_space<vmem>>, vector<1x16xi32>,
    %swap3A_235 = vector.shape_cast %swap3A_234 : vector<1x16xi32> to vector<16xi32>
    %swap3A_236 = vector.shape_cast %add3A_230 : vector<16xi32> to vector<1x16xi32>
    tpu.vector_store %arg7[%swap3A_232, %swap3A_233], %swap3A_236 {strides = array<i32>} : memref<16x32xi32, #tpu.memory_space<vmem>>, vector<1x16xi32>,
    %get3A_237 = arith.constant 0 : index
    %get3A_238 = tpu.vector_load %arg6[%get3A_237] {strides = array<i32>} : memref<32xi32, #tpu.memory_space<vmem>>, vector<16xi32>,
    %get3A_239 = vector.shape_cast %get3A_238 : vector<16xi32> to vector<16xi32>
    %add3A_240 = arith.constant 6 : i32
    %add3A_241 = vector.broadcast %add3A_240 : i32 to vector<16xi32>
    %add3A_242 = arith.addi %get3A_239, %add3A_241 : vector<16xi32>
    %swap3A_243 = arith.constant 9 : i32
    %swap3A_244 = arith.index_cast %swap3A_243 : i32 to index
    %swap3A_245 = arith.constant 0 : index
    %swap3A_246 = tpu.vector_load %arg7[%swap3A_244, %swap3A_245] {strides = array<i32>} : memref<16x32xi32, #tpu.memory_space<vmem>>, vector<1x16xi32>,
    %swap3A_247 = vector.shape_cast %swap3A_246 : vector<1x16xi32> to vector<16xi32>
    %swap3A_248 = vector.shape_cast %add3A_242 : vector<16xi32> to vector<1x16xi32>
    tpu.vector_store %arg7[%swap3A_244, %swap3A_245], %swap3A_248 {strides = array<i32>} : memref<16x32xi32, #tpu.memory_space<vmem>>, vector<1x16xi32>,
    %get3A_249 = arith.constant 16 : index
    %get3A_250 = tpu.vector_load %arg6[%get3A_249] {strides = array<i32>} : memref<32xi32, #tpu.memory_space<vmem>>, vector<16xi32>,
    %get3A_251 = vector.shape_cast %get3A_250 : vector<16xi32> to vector<16xi32>
    %add3A_252 = arith.constant 6 : i32
    %add3A_253 = vector.broadcast %add3A_252 : i32 to vector<16xi32>
    %add3A_254 = arith.addi %get3A_251, %add3A_253 : vector<16xi32>
    %swap3A_255 = arith.constant 9 : i32
    %swap3A_256 = arith.index_cast %swap3A_255 : i32 to index
    %swap3A_257 = arith.constant 16 : index
    %swap3A_258 = tpu.vector_load %arg7[%swap3A_256, %swap3A_257] {strides = array<i32>} : memref<16x32xi32, #tpu.memory_space<vmem>>, vector<1x16xi32>,
    %swap3A_259 = vector.shape_cast %swap3A_258 : vector<1x16xi32> to vector<16xi32>
    %swap3A_260 = vector.shape_cast %add3A_254 : vector<16xi32> to vector<1x16xi32>
    tpu.vector_store %arg7[%swap3A_256, %swap3A_257], %swap3A_260 {strides = array<i32>} : memref<16x32xi32, #tpu.memory_space<vmem>>, vector<1x16xi32>,
    %get3A_261 = arith.constant 0 : index
    %get3A_262 = tpu.vector_load %arg6[%get3A_261] {strides = array<i32>} : memref<32xi32, #tpu.memory_space<vmem>>, vector<16xi32>,
    %get3A_263 = vector.shape_cast %get3A_262 : vector<16xi32> to vector<16xi32>
    %add3A_264 = arith.constant 10 : i32
    %add3A_265 = vector.broadcast %add3A_264 : i32 to vector<16xi32>
    %add3A_266 = arith.addi %get3A_263, %add3A_265 : vector<16xi32>
    %swap3A_267 = arith.constant 10 : i32
    %swap3A_268 = arith.index_cast %swap3A_267 : i32 to index
    %swap3A_269 = arith.constant 0 : index
    %swap3A_270 = tpu.vector_load %arg7[%swap3A_268, %swap3A_269] {strides = array<i32>} : memref<16x32xi32, #tpu.memory_space<vmem>>, vector<1x16xi32>,
    %swap3A_271 = vector.shape_cast %swap3A_270 : vector<1x16xi32> to vector<16xi32>
    %swap3A_272 = vector.shape_cast %add3A_266 : vector<16xi32> to vector<1x16xi32>
    tpu.vector_store %arg7[%swap3A_268, %swap3A_269], %swap3A_272 {strides = array<i32>} : memref<16x32xi32, #tpu.memory_space<vmem>>, vector<1x16xi32>,
    %get3A_273 = arith.constant 16 : index
    %get3A_274 = tpu.vector_load %arg6[%get3A_273] {strides = array<i32>} : memref<32xi32, #tpu.memory_space<vmem>>, vector<16xi32>,
    %get3A_275 = vector.shape_cast %get3A_274 : vector<16xi32> to vector<16xi32>
    %add3A_276 = arith.constant 10 : i32
    %add3A_277 = vector.broadcast %add3A_276 : i32 to vector<16xi32>
    %add3A_278 = arith.addi %get3A_275, %add3A_277 : vector<16xi32>
    %swap3A_279 = arith.constant 10 : i32
    %swap3A_280 = arith.index_cast %swap3A_279 : i32 to index
    %swap3A_281 = arith.constant 16 : index
    %swap3A_282 = tpu.vector_load %arg7[%swap3A_280, %swap3A_281] {strides = array<i32>} : memref<16x32xi32, #tpu.memory_space<vmem>>, vector<1x16xi32>,
    %swap3A_283 = vector.shape_cast %swap3A_282 : vector<1x16xi32> to vector<16xi32>
    %swap3A_284 = vector.shape_cast %add3A_278 : vector<16xi32> to vector<1x16xi32>
    tpu.vector_store %arg7[%swap3A_280, %swap3A_281], %swap3A_284 {strides = array<i32>} : memref<16x32xi32, #tpu.memory_space<vmem>>, vector<1x16xi32>,
    %get3A_285 = arith.constant 0 : index
    %get3A_286 = tpu.vector_load %arg6[%get3A_285] {strides = array<i32>} : memref<32xi32, #tpu.memory_space<vmem>>, vector<16xi32>,
    %get3A_287 = vector.shape_cast %get3A_286 : vector<16xi32> to vector<16xi32>
    %add3A_288 = arith.constant 14 : i32
    %add3A_289 = vector.broadcast %add3A_288 : i32 to vector<16xi32>
    %add3A_290 = arith.addi %get3A_287, %add3A_289 : vector<16xi32>
    %swap3A_291 = arith.constant 11 : i32
    %swap3A_292 = arith.index_cast %swap3A_291 : i32 to index
    %swap3A_293 = arith.constant 0 : index
    %swap3A_294 = tpu.vector_load %arg7[%swap3A_292, %swap3A_293] {strides = array<i32>} : memref<16x32xi32, #tpu.memory_space<vmem>>, vector<1x16xi32>,
    %swap3A_295 = vector.shape_cast %swap3A_294 : vector<1x16xi32> to vector<16xi32>
    %swap3A_296 = vector.shape_cast %add3A_290 : vector<16xi32> to vector<1x16xi32>
    tpu.vector_store %arg7[%swap3A_292, %swap3A_293], %swap3A_296 {strides = array<i32>} : memref<16x32xi32, #tpu.memory_space<vmem>>, vector<1x16xi32>,
    %get3A_297 = arith.constant 16 : index
    %get3A_298 = tpu.vector_load %arg6[%get3A_297] {strides = array<i32>} : memref<32xi32, #tpu.memory_space<vmem>>, vector<16xi32>,
    %get3A_299 = vector.shape_cast %get3A_298 : vector<16xi32> to vector<16xi32>
    %add3A_300 = arith.constant 14 : i32
    %add3A_301 = vector.broadcast %add3A_300 : i32 to vector<16xi32>
    %add3A_302 = arith.addi %get3A_299, %add3A_301 : vector<16xi32>
    %swap3A_303 = arith.constant 11 : i32
    %swap3A_304 = arith.index_cast %swap3A_303 : i32 to index
    %swap3A_305 = arith.constant 16 : index
    %swap3A_306 = tpu.vector_load %arg7[%swap3A_304, %swap3A_305] {strides = array<i32>} : memref<16x32xi32, #tpu.memory_space<vmem>>, vector<1x16xi32>,
    %swap3A_307 = vector.shape_cast %swap3A_306 : vector<1x16xi32> to vector<16xi32>
    %swap3A_308 = vector.shape_cast %add3A_302 : vector<16xi32> to vector<1x16xi32>
    tpu.vector_store %arg7[%swap3A_304, %swap3A_305], %swap3A_308 {strides = array<i32>} : memref<16x32xi32, #tpu.memory_space<vmem>>, vector<1x16xi32>,
    %get3A_309 = arith.constant 0 : index
    %get3A_310 = tpu.vector_load %arg6[%get3A_309] {strides = array<i32>} : memref<32xi32, #tpu.memory_space<vmem>>, vector<16xi32>,
    %get3A_311 = vector.shape_cast %get3A_310 : vector<16xi32> to vector<16xi32>
    %add3A_312 = arith.constant 3 : i32
    %add3A_313 = vector.broadcast %add3A_312 : i32 to vector<16xi32>
    %add3A_314 = arith.addi %get3A_311, %add3A_313 : vector<16xi32>
    %swap3A_315 = arith.constant 12 : i32
    %swap3A_316 = arith.index_cast %swap3A_315 : i32 to index
    %swap3A_317 = arith.constant 0 : index
    %swap3A_318 = tpu.vector_load %arg7[%swap3A_316, %swap3A_317] {strides = array<i32>} : memref<16x32xi32, #tpu.memory_space<vmem>>, vector<1x16xi32>,
    %swap3A_319 = vector.shape_cast %swap3A_318 : vector<1x16xi32> to vector<16xi32>
    %swap3A_320 = vector.shape_cast %add3A_314 : vector<16xi32> to vector<1x16xi32>
    tpu.vector_store %arg7[%swap3A_316, %swap3A_317], %swap3A_320 {strides = array<i32>} : memref<16x32xi32, #tpu.memory_space<vmem>>, vector<1x16xi32>,
    %get3A_321 = arith.constant 16 : index
    %get3A_322 = tpu.vector_load %arg6[%get3A_321] {strides = array<i32>} : memref<32xi32, #tpu.memory_space<vmem>>, vector<16xi32>,
    %get3A_323 = vector.shape_cast %get3A_322 : vector<16xi32> to vector<16xi32>
    %add3A_324 = arith.constant 3 : i32
    %add3A_325 = vector.broadcast %add3A_324 : i32 to vector<16xi32>
    %add3A_326 = arith.addi %get3A_323, %add3A_325 : vector<16xi32>
    %swap3A_327 = arith.constant 12 : i32
    %swap3A_328 = arith.index_cast %swap3A_327 : i32 to index
    %swap3A_329 = arith.constant 16 : index
    %swap3A_330 = tpu.vector_load %arg7[%swap3A_328, %swap3A_329] {strides = array<i32>} : memref<16x32xi32, #tpu.memory_space<vmem>>, vector<1x16xi32>,
    %swap3A_331 = vector.shape_cast %swap3A_330 : vector<1x16xi32> to vector<16xi32>
    %swap3A_332 = vector.shape_cast %add3A_326 : vector<16xi32> to vector<1x16xi32>
    tpu.vector_store %arg7[%swap3A_328, %swap3A_329], %swap3A_332 {strides = array<i32>} : memref<16x32xi32, #tpu.memory_space<vmem>>, vector<1x16xi32>,
    %get3A_333 = arith.constant 0 : index
    %get3A_334 = tpu.vector_load %arg6[%get3A_333] {strides = array<i32>} : memref<32xi32, #tpu.memory_space<vmem>>, vector<16xi32>,
    %get3A_335 = vector.shape_cast %get3A_334 : vector<16xi32> to vector<16xi32>
    %add3A_336 = arith.constant 7 : i32
    %add3A_337 = vector.broadcast %add3A_336 : i32 to vector<16xi32>
    %add3A_338 = arith.addi %get3A_335, %add3A_337 : vector<16xi32>
    %swap3A_339 = arith.constant 13 : i32
    %swap3A_340 = arith.index_cast %swap3A_339 : i32 to index
    %swap3A_341 = arith.constant 0 : index
    %swap3A_342 = tpu.vector_load %arg7[%swap3A_340, %swap3A_341] {strides = array<i32>} : memref<16x32xi32, #tpu.memory_space<vmem>>, vector<1x16xi32>,
    %swap3A_343 = vector.shape_cast %swap3A_342 : vector<1x16xi32> to vector<16xi32>
    %swap3A_344 = vector.shape_cast %add3A_338 : vector<16xi32> to vector<1x16xi32>
    tpu.vector_store %arg7[%swap3A_340, %swap3A_341], %swap3A_344 {strides = array<i32>} : memref<16x32xi32, #tpu.memory_space<vmem>>, vector<1x16xi32>,
    %get3A_345 = arith.constant 16 : index
    %get3A_346 = tpu.vector_load %arg6[%get3A_345] {strides = array<i32>} : memref<32xi32, #tpu.memory_space<vmem>>, vector<16xi32>,
    %get3A_347 = vector.shape_cast %get3A_346 : vector<16xi32> to vector<16xi32>
    %add3A_348 = arith.constant 7 : i32
    %add3A_349 = vector.broadcast %add3A_348 : i32 to vector<16xi32>
    %add3A_350 = arith.addi %get3A_347, %add3A_349 : vector<16xi32>
    %swap3A_351 = arith.constant 13 : i32
    %swap3A_352 = arith.index_cast %swap3A_351 : i32 to index
    %swap3A_353 = arith.constant 16 : index
    %swap3A_354 = tpu.vector_load %arg7[%swap3A_352, %swap3A_353] {strides = array<i32>} : memref<16x32xi32, #tpu.memory_space<vmem>>, vector<1x16xi32>,
    %swap3A_355 = vector.shape_cast %swap3A_354 : vector<1x16xi32> to vector<16xi32>
    %swap3A_356 = vector.shape_cast %add3A_350 : vector<16xi32> to vector<1x16xi32>
    tpu.vector_store %arg7[%swap3A_352, %swap3A_353], %swap3A_356 {strides = array<i32>} : memref<16x32xi32, #tpu.memory_space<vmem>>, vector<1x16xi32>,
    %get3A_357 = arith.constant 0 : index
    %get3A_358 = tpu.vector_load %arg6[%get3A_357] {strides = array<i32>} : memref<32xi32, #tpu.memory_space<vmem>>, vector<16xi32>,
    %get3A_359 = vector.shape_cast %get3A_358 : vector<16xi32> to vector<16xi32>
    %add3A_360 = arith.constant 11 : i32
    %add3A_361 = vector.broadcast %add3A_360 : i32 to vector<16xi32>
    %add3A_362 = arith.addi %get3A_359, %add3A_361 : vector<16xi32>
    %swap3A_363 = arith.constant 14 : i32
    %swap3A_364 = arith.index_cast %swap3A_363 : i32 to index
    %swap3A_365 = arith.constant 0 : index
    %swap3A_366 = tpu.vector_load %arg7[%swap3A_364, %swap3A_365] {strides = array<i32>} : memref<16x32xi32, #tpu.memory_space<vmem>>, vector<1x16xi32>,
    %swap3A_367 = vector.shape_cast %swap3A_366 : vector<1x16xi32> to vector<16xi32>
    %swap3A_368 = vector.shape_cast %add3A_362 : vector<16xi32> to vector<1x16xi32>
    tpu.vector_store %arg7[%swap3A_364, %swap3A_365], %swap3A_368 {strides = array<i32>} : memref<16x32xi32, #tpu.memory_space<vmem>>, vector<1x16xi32>,
    %get3A_369 = arith.constant 16 : index
    %get3A_370 = tpu.vector_load %arg6[%get3A_369] {strides = array<i32>} : memref<32xi32, #tpu.memory_space<vmem>>, vector<16xi32>,
    %get3A_371 = vector.shape_cast %get3A_370 : vector<16xi32> to vector<16xi32>
    %add3A_372 = arith.constant 11 : i32
    %add3A_373 = vector.broadcast %add3A_372 : i32 to vector<16xi32>
    %add3A_374 = arith.addi %get3A_371, %add3A_373 : vector<16xi32>
    %swap3A_375 = arith.constant 14 : i32
    %swap3A_376 = arith.index_cast %swap3A_375 : i32 to index
    %swap3A_377 = arith.constant 16 : index
    %swap3A_378 = tpu.vector_load %arg7[%swap3A_376, %swap3A_377] {strides = array<i32>} : memref<16x32xi32, #tpu.memory_space<vmem>>, vector<1x16xi32>,
    %swap3A_379 = vector.shape_cast %swap3A_378 : vector<1x16xi32> to vector<16xi32>
    %swap3A_380 = vector.shape_cast %add3A_374 : vector<16xi32> to vector<1x16xi32>
    tpu.vector_store %arg7[%swap3A_376, %swap3A_377], %swap3A_380 {strides = array<i32>} : memref<16x32xi32, #tpu.memory_space<vmem>>, vector<1x16xi32>,
    %get3A_381 = arith.constant 0 : index
    %get3A_382 = tpu.vector_load %arg6[%get3A_381] {strides = array<i32>} : memref<32xi32, #tpu.memory_space<vmem>>, vector<16xi32>,
    %get3A_383 = vector.shape_cast %get3A_382 : vector<16xi32> to vector<16xi32>
    %add3A_384 = arith.constant 15 : i32
    %add3A_385 = vector.broadcast %add3A_384 : i32 to vector<16xi32>
    %add3A_386 = arith.addi %get3A_383, %add3A_385 : vector<16xi32>
    %swap3A_387 = arith.constant 15 : i32
    %swap3A_388 = arith.index_cast %swap3A_387 : i32 to index
    %swap3A_389 = arith.constant 0 : index
    %swap3A_390 = tpu.vector_load %arg7[%swap3A_388, %swap3A_389] {strides = array<i32>} : memref<16x32xi32, #tpu.memory_space<vmem>>, vector<1x16xi32>,
    %swap3A_391 = vector.shape_cast %swap3A_390 : vector<1x16xi32> to vector<16xi32>
    %swap3A_392 = vector.shape_cast %add3A_386 : vector<16xi32> to vector<1x16xi32>
    tpu.vector_store %arg7[%swap3A_388, %swap3A_389], %swap3A_392 {strides = array<i32>} : memref<16x32xi32, #tpu.memory_space<vmem>>, vector<1x16xi32>,
    %get3A_393 = arith.constant 16 : index
    %get3A_394 = tpu.vector_load %arg6[%get3A_393] {strides = array<i32>} : memref<32xi32, #tpu.memory_space<vmem>>, vector<16xi32>,
    %get3A_395 = vector.shape_cast %get3A_394 : vector<16xi32> to vector<16xi32>
    %add3A_396 = arith.constant 15 : i32
    %add3A_397 = vector.broadcast %add3A_396 : i32 to vector<16xi32>
    %add3A_398 = arith.addi %get3A_395, %add3A_397 : vector<16xi32>
    %swap3A_399 = arith.constant 15 : i32
    %swap3A_400 = arith.index_cast %swap3A_399 : i32 to index
    %swap3A_401 = arith.constant 16 : index
    %swap3A_402 = tpu.vector_load %arg7[%swap3A_400, %swap3A_401] {strides = array<i32>} : memref<16x32xi32, #tpu.memory_space<vmem>>, vector<1x16xi32>,
    %swap3A_403 = vector.shape_cast %swap3A_402 : vector<1x16xi32> to vector<16xi32>
    %swap3A_404 = vector.shape_cast %add3A_398 : vector<16xi32> to vector<1x16xi32>
    tpu.vector_store %arg7[%swap3A_400, %swap3A_401], %swap3A_404 {strides = array<i32>} : memref<16x32xi32, #tpu.memory_space<vmem>>, vector<1x16xi32>,
    %dma_start3A = arith.constant 0 : i32
    %dma_start3A_405 = arith.constant 0 : i32
    %dma_start3A_406 = arith.constant 0 : i32
    %dma_start3A_407 = arith.constant 0 : i32
    %dma_start3A_408 = tpu.memref_slice %arg8[%dma_start3A_405, %dma_start3A_406, %dma_start3A_407] : memref<16x32x128xf32, #tpu.memory_space<vmem>> -> memref<1x32x128xf32, #tpu.memory_space<vmem>>
    %dma_start3A_409 = tpu.memref_squeeze %dma_start3A_408 : memref<1x32x128xf32, #tpu.memory_space<vmem>> -> memref<32x128xf32, #tpu.memory_space<vmem>>
    %dma_start3A_410 = arith.constant 0 : i32
    %dma_start3A_411 = tpu.memref_slice %arg7[%dma_start3A, %dma_start3A_410] : memref<16x32xi32, #tpu.memory_space<vmem>> -> memref<1x32xi32, #tpu.memory_space<vmem>>
    %dma_start3A_412 = tpu.memref_squeeze %dma_start3A_411 : memref<1x32xi32, #tpu.memory_space<vmem>> -> memref<32xi32, #tpu.memory_space<vmem>>
    %dma_start3A_413 = arith.constant 0 : i32
    %dma_start3A_414 = arith.constant 0 : i32
    %dma_start3A_415 = tpu.memref_slice %arg2[%dma_start3A_413, %dma_start3A_414] : memref<1600000x128xf32, #tpu.memory_space<hbm>> -> memref<1600000x128xf32, #tpu.memory_space<hbm>>
    tpu.enqueue_indirect_dma source(%dma_start3A_415 : memref<1600000x128xf32, #tpu.memory_space<hbm>>) target(%dma_start3A_409 : memref<32x128xf32, #tpu.memory_space<vmem>>) offsets(%dma_start3A_412 : memref<32xi32, #tpu.memory_space<vmem>>) semaphore(%arg9 : memref<!tpu.dma_semaphore, #tpu.memory_space<semaphore_mem>>)
    %dma_start3A_416 = arith.constant 1 : i32
    %dma_start3A_417 = arith.constant 1 : i32
    %dma_start3A_418 = arith.constant 0 : i32
    %dma_start3A_419 = arith.constant 0 : i32
    %dma_start3A_420 = tpu.memref_slice %arg8[%dma_start3A_417, %dma_start3A_418, %dma_start3A_419] : memref<16x32x128xf32, #tpu.memory_space<vmem>> -> memref<1x32x128xf32, #tpu.memory_space<vmem>>
    %dma_start3A_421 = tpu.memref_squeeze %dma_start3A_420 : memref<1x32x128xf32, #tpu.memory_space<vmem>> -> memref<32x128xf32, #tpu.memory_space<vmem>>
    %dma_start3A_422 = arith.constant 0 : i32
    %dma_start3A_423 = tpu.memref_slice %arg7[%dma_start3A_416, %dma_start3A_422] : memref<16x32xi32, #tpu.memory_space<vmem>> -> memref<1x32xi32, #tpu.memory_space<vmem>>
    %dma_start3A_424 = tpu.memref_squeeze %dma_start3A_423 : memref<1x32xi32, #tpu.memory_space<vmem>> -> memref<32xi32, #tpu.memory_space<vmem>>
    %dma_start3A_425 = arith.constant 0 : i32
    %dma_start3A_426 = arith.constant 0 : i32
    %dma_start3A_427 = tpu.memref_slice %arg2[%dma_start3A_425, %dma_start3A_426] : memref<1600000x128xf32, #tpu.memory_space<hbm>> -> memref<1600000x128xf32, #tpu.memory_space<hbm>>
    tpu.enqueue_indirect_dma source(%dma_start3A_427 : memref<1600000x128xf32, #tpu.memory_space<hbm>>) target(%dma_start3A_421 : memref<32x128xf32, #tpu.memory_space<vmem>>) offsets(%dma_start3A_424 : memref<32xi32, #tpu.memory_space<vmem>>) semaphore(%arg9 : memref<!tpu.dma_semaphore, #tpu.memory_space<semaphore_mem>>)
    %dma_start3A_428 = arith.constant 2 : i32
    %dma_start3A_429 = arith.constant 2 : i32
    %dma_start3A_430 = arith.constant 0 : i32
    %dma_start3A_431 = arith.constant 0 : i32
    %dma_start3A_432 = tpu.memref_slice %arg8[%dma_start3A_429, %dma_start3A_430, %dma_start3A_431] : memref<16x32x128xf32, #tpu.memory_space<vmem>> -> memref<1x32x128xf32, #tpu.memory_space<vmem>>
    %dma_start3A_433 = tpu.memref_squeeze %dma_start3A_432 : memref<1x32x128xf32, #tpu.memory_space<vmem>> -> memref<32x128xf32, #tpu.memory_space<vmem>>
    %dma_start3A_434 = arith.constant 0 : i32
    %dma_start3A_435 = tpu.memref_slice %arg7[%dma_start3A_428, %dma_start3A_434] : memref<16x32xi32, #tpu.memory_space<vmem>> -> memref<1x32xi32, #tpu.memory_space<vmem>>
    %dma_start3A_436 = tpu.memref_squeeze %dma_start3A_435 : memref<1x32xi32, #tpu.memory_space<vmem>> -> memref<32xi32, #tpu.memory_space<vmem>>
    %dma_start3A_437 = arith.constant 0 : i32
    %dma_start3A_438 = arith.constant 0 : i32
    %dma_start3A_439 = tpu.memref_slice %arg2[%dma_start3A_437, %dma_start3A_438] : memref<1600000x128xf32, #tpu.memory_space<hbm>> -> memref<1600000x128xf32, #tpu.memory_space<hbm>>
    tpu.enqueue_indirect_dma source(%dma_start3A_439 : memref<1600000x128xf32, #tpu.memory_space<hbm>>) target(%dma_start3A_433 : memref<32x128xf32, #tpu.memory_space<vmem>>) offsets(%dma_start3A_436 : memref<32xi32, #tpu.memory_space<vmem>>) semaphore(%arg9 : memref<!tpu.dma_semaphore, #tpu.memory_space<semaphore_mem>>)
    %dma_start3A_440 = arith.constant 3 : i32
    %dma_start3A_441 = arith.constant 3 : i32
    %dma_start3A_442 = arith.constant 0 : i32
    %dma_start3A_443 = arith.constant 0 : i32
    %dma_start3A_444 = tpu.memref_slice %arg8[%dma_start3A_441, %dma_start3A_442, %dma_start3A_443] : memref<16x32x128xf32, #tpu.memory_space<vmem>> -> memref<1x32x128xf32, #tpu.memory_space<vmem>>
    %dma_start3A_445 = tpu.memref_squeeze %dma_start3A_444 : memref<1x32x128xf32, #tpu.memory_space<vmem>> -> memref<32x128xf32, #tpu.memory_space<vmem>>
    %dma_start3A_446 = arith.constant 0 : i32
    %dma_start3A_447 = tpu.memref_slice %arg7[%dma_start3A_440, %dma_start3A_446] : memref<16x32xi32, #tpu.memory_space<vmem>> -> memref<1x32xi32, #tpu.memory_space<vmem>>
    %dma_start3A_448 = tpu.memref_squeeze %dma_start3A_447 : memref<1x32xi32, #tpu.memory_space<vmem>> -> memref<32xi32, #tpu.memory_space<vmem>>
    %dma_start3A_449 = arith.constant 0 : i32
    %dma_start3A_450 = arith.constant 0 : i32
    %dma_start3A_451 = tpu.memref_slice %arg2[%dma_start3A_449, %dma_start3A_450] : memref<1600000x128xf32, #tpu.memory_space<hbm>> -> memref<1600000x128xf32, #tpu.memory_space<hbm>>
    tpu.enqueue_indirect_dma source(%dma_start3A_451 : memref<1600000x128xf32, #tpu.memory_space<hbm>>) target(%dma_start3A_445 : memref<32x128xf32, #tpu.memory_space<vmem>>) offsets(%dma_start3A_448 : memref<32xi32, #tpu.memory_space<vmem>>) semaphore(%arg9 : memref<!tpu.dma_semaphore, #tpu.memory_space<semaphore_mem>>)
    %dma_start3A_452 = arith.constant 4 : i32
    %dma_start3A_453 = arith.constant 4 : i32
    %dma_start3A_454 = arith.constant 0 : i32
    %dma_start3A_455 = arith.constant 0 : i32
    %dma_start3A_456 = tpu.memref_slice %arg8[%dma_start3A_453, %dma_start3A_454, %dma_start3A_455] : memref<16x32x128xf32, #tpu.memory_space<vmem>> -> memref<1x32x128xf32, #tpu.memory_space<vmem>>
    %dma_start3A_457 = tpu.memref_squeeze %dma_start3A_456 : memref<1x32x128xf32, #tpu.memory_space<vmem>> -> memref<32x128xf32, #tpu.memory_space<vmem>>
    %dma_start3A_458 = arith.constant 0 : i32
    %dma_start3A_459 = tpu.memref_slice %arg7[%dma_start3A_452, %dma_start3A_458] : memref<16x32xi32, #tpu.memory_space<vmem>> -> memref<1x32xi32, #tpu.memory_space<vmem>>
    %dma_start3A_460 = tpu.memref_squeeze %dma_start3A_459 : memref<1x32xi32, #tpu.memory_space<vmem>> -> memref<32xi32, #tpu.memory_space<vmem>>
    %dma_start3A_461 = arith.constant 0 : i32
    %dma_start3A_462 = arith.constant 0 : i32
    %dma_start3A_463 = tpu.memref_slice %arg2[%dma_start3A_461, %dma_start3A_462] : memref<1600000x128xf32, #tpu.memory_space<hbm>> -> memref<1600000x128xf32, #tpu.memory_space<hbm>>
    tpu.enqueue_indirect_dma source(%dma_start3A_463 : memref<1600000x128xf32, #tpu.memory_space<hbm>>) target(%dma_start3A_457 : memref<32x128xf32, #tpu.memory_space<vmem>>) offsets(%dma_start3A_460 : memref<32xi32, #tpu.memory_space<vmem>>) semaphore(%arg9 : memref<!tpu.dma_semaphore, #tpu.memory_space<semaphore_mem>>)
    %dma_start3A_464 = arith.constant 5 : i32
    %dma_start3A_465 = arith.constant 5 : i32
    %dma_start3A_466 = arith.constant 0 : i32
    %dma_start3A_467 = arith.constant 0 : i32
    %dma_start3A_468 = tpu.memref_slice %arg8[%dma_start3A_465, %dma_start3A_466, %dma_start3A_467] : memref<16x32x128xf32, #tpu.memory_space<vmem>> -> memref<1x32x128xf32, #tpu.memory_space<vmem>>
    %dma_start3A_469 = tpu.memref_squeeze %dma_start3A_468 : memref<1x32x128xf32, #tpu.memory_space<vmem>> -> memref<32x128xf32, #tpu.memory_space<vmem>>
    %dma_start3A_470 = arith.constant 0 : i32
    %dma_start3A_471 = tpu.memref_slice %arg7[%dma_start3A_464, %dma_start3A_470] : memref<16x32xi32, #tpu.memory_space<vmem>> -> memref<1x32xi32, #tpu.memory_space<vmem>>
    %dma_start3A_472 = tpu.memref_squeeze %dma_start3A_471 : memref<1x32xi32, #tpu.memory_space<vmem>> -> memref<32xi32, #tpu.memory_space<vmem>>
    %dma_start3A_473 = arith.constant 0 : i32
    %dma_start3A_474 = arith.constant 0 : i32
    %dma_start3A_475 = tpu.memref_slice %arg2[%dma_start3A_473, %dma_start3A_474] : memref<1600000x128xf32, #tpu.memory_space<hbm>> -> memref<1600000x128xf32, #tpu.memory_space<hbm>>
    tpu.enqueue_indirect_dma source(%dma_start3A_475 : memref<1600000x128xf32, #tpu.memory_space<hbm>>) target(%dma_start3A_469 : memref<32x128xf32, #tpu.memory_space<vmem>>) offsets(%dma_start3A_472 : memref<32xi32, #tpu.memory_space<vmem>>) semaphore(%arg9 : memref<!tpu.dma_semaphore, #tpu.memory_space<semaphore_mem>>)
    %dma_start3A_476 = arith.constant 6 : i32
    %dma_start3A_477 = arith.constant 6 : i32
    %dma_start3A_478 = arith.constant 0 : i32
    %dma_start3A_479 = arith.constant 0 : i32
    %dma_start3A_480 = tpu.memref_slice %arg8[%dma_start3A_477, %dma_start3A_478, %dma_start3A_479] : memref<16x32x128xf32, #tpu.memory_space<vmem>> -> memref<1x32x128xf32, #tpu.memory_space<vmem>>
    %dma_start3A_481 = tpu.memref_squeeze %dma_start3A_480 : memref<1x32x128xf32, #tpu.memory_space<vmem>> -> memref<32x128xf32, #tpu.memory_space<vmem>>
    %dma_start3A_482 = arith.constant 0 : i32
    %dma_start3A_483 = tpu.memref_slice %arg7[%dma_start3A_476, %dma_start3A_482] : memref<16x32xi32, #tpu.memory_space<vmem>> -> memref<1x32xi32, #tpu.memory_space<vmem>>
    %dma_start3A_484 = tpu.memref_squeeze %dma_start3A_483 : memref<1x32xi32, #tpu.memory_space<vmem>> -> memref<32xi32, #tpu.memory_space<vmem>>
    %dma_start3A_485 = arith.constant 0 : i32
    %dma_start3A_486 = arith.constant 0 : i32
    %dma_start3A_487 = tpu.memref_slice %arg2[%dma_start3A_485, %dma_start3A_486] : memref<1600000x128xf32, #tpu.memory_space<hbm>> -> memref<1600000x128xf32, #tpu.memory_space<hbm>>
    tpu.enqueue_indirect_dma source(%dma_start3A_487 : memref<1600000x128xf32, #tpu.memory_space<hbm>>) target(%dma_start3A_481 : memref<32x128xf32, #tpu.memory_space<vmem>>) offsets(%dma_start3A_484 : memref<32xi32, #tpu.memory_space<vmem>>) semaphore(%arg9 : memref<!tpu.dma_semaphore, #tpu.memory_space<semaphore_mem>>)
    %dma_start3A_488 = arith.constant 7 : i32
    %dma_start3A_489 = arith.constant 7 : i32
    %dma_start3A_490 = arith.constant 0 : i32
    %dma_start3A_491 = arith.constant 0 : i32
    %dma_start3A_492 = tpu.memref_slice %arg8[%dma_start3A_489, %dma_start3A_490, %dma_start3A_491] : memref<16x32x128xf32, #tpu.memory_space<vmem>> -> memref<1x32x128xf32, #tpu.memory_space<vmem>>
    %dma_start3A_493 = tpu.memref_squeeze %dma_start3A_492 : memref<1x32x128xf32, #tpu.memory_space<vmem>> -> memref<32x128xf32, #tpu.memory_space<vmem>>
    %dma_start3A_494 = arith.constant 0 : i32
    %dma_start3A_495 = tpu.memref_slice %arg7[%dma_start3A_488, %dma_start3A_494] : memref<16x32xi32, #tpu.memory_space<vmem>> -> memref<1x32xi32, #tpu.memory_space<vmem>>
    %dma_start3A_496 = tpu.memref_squeeze %dma_start3A_495 : memref<1x32xi32, #tpu.memory_space<vmem>> -> memref<32xi32, #tpu.memory_space<vmem>>
    %dma_start3A_497 = arith.constant 0 : i32
    %dma_start3A_498 = arith.constant 0 : i32
    %dma_start3A_499 = tpu.memref_slice %arg2[%dma_start3A_497, %dma_start3A_498] : memref<1600000x128xf32, #tpu.memory_space<hbm>> -> memref<1600000x128xf32, #tpu.memory_space<hbm>>
    tpu.enqueue_indirect_dma source(%dma_start3A_499 : memref<1600000x128xf32, #tpu.memory_space<hbm>>) target(%dma_start3A_493 : memref<32x128xf32, #tpu.memory_space<vmem>>) offsets(%dma_start3A_496 : memref<32xi32, #tpu.memory_space<vmem>>) semaphore(%arg9 : memref<!tpu.dma_semaphore, #tpu.memory_space<semaphore_mem>>)
    %dma_start3A_500 = arith.constant 8 : i32
    %dma_start3A_501 = arith.constant 8 : i32
    %dma_start3A_502 = arith.constant 0 : i32
    %dma_start3A_503 = arith.constant 0 : i32
    %dma_start3A_504 = tpu.memref_slice %arg8[%dma_start3A_501, %dma_start3A_502, %dma_start3A_503] : memref<16x32x128xf32, #tpu.memory_space<vmem>> -> memref<1x32x128xf32, #tpu.memory_space<vmem>>
    %dma_start3A_505 = tpu.memref_squeeze %dma_start3A_504 : memref<1x32x128xf32, #tpu.memory_space<vmem>> -> memref<32x128xf32, #tpu.memory_space<vmem>>
    %dma_start3A_506 = arith.constant 0 : i32
    %dma_start3A_507 = tpu.memref_slice %arg7[%dma_start3A_500, %dma_start3A_506] : memref<16x32xi32, #tpu.memory_space<vmem>> -> memref<1x32xi32, #tpu.memory_space<vmem>>
    %dma_start3A_508 = tpu.memref_squeeze %dma_start3A_507 : memref<1x32xi32, #tpu.memory_space<vmem>> -> memref<32xi32, #tpu.memory_space<vmem>>
    %dma_start3A_509 = arith.constant 0 : i32
    %dma_start3A_510 = arith.constant 0 : i32
    %dma_start3A_511 = tpu.memref_slice %arg2[%dma_start3A_509, %dma_start3A_510] : memref<1600000x128xf32, #tpu.memory_space<hbm>> -> memref<1600000x128xf32, #tpu.memory_space<hbm>>
    tpu.enqueue_indirect_dma source(%dma_start3A_511 : memref<1600000x128xf32, #tpu.memory_space<hbm>>) target(%dma_start3A_505 : memref<32x128xf32, #tpu.memory_space<vmem>>) offsets(%dma_start3A_508 : memref<32xi32, #tpu.memory_space<vmem>>) semaphore(%arg9 : memref<!tpu.dma_semaphore, #tpu.memory_space<semaphore_mem>>)
    %dma_start3A_512 = arith.constant 9 : i32
    %dma_start3A_513 = arith.constant 9 : i32
    %dma_start3A_514 = arith.constant 0 : i32
    %dma_start3A_515 = arith.constant 0 : i32
    %dma_start3A_516 = tpu.memref_slice %arg8[%dma_start3A_513, %dma_start3A_514, %dma_start3A_515] : memref<16x32x128xf32, #tpu.memory_space<vmem>> -> memref<1x32x128xf32, #tpu.memory_space<vmem>>
    %dma_start3A_517 = tpu.memref_squeeze %dma_start3A_516 : memref<1x32x128xf32, #tpu.memory_space<vmem>> -> memref<32x128xf32, #tpu.memory_space<vmem>>
    %dma_start3A_518 = arith.constant 0 : i32
    %dma_start3A_519 = tpu.memref_slice %arg7[%dma_start3A_512, %dma_start3A_518] : memref<16x32xi32, #tpu.memory_space<vmem>> -> memref<1x32xi32, #tpu.memory_space<vmem>>
    %dma_start3A_520 = tpu.memref_squeeze %dma_start3A_519 : memref<1x32xi32, #tpu.memory_space<vmem>> -> memref<32xi32, #tpu.memory_space<vmem>>
    %dma_start3A_521 = arith.constant 0 : i32
    %dma_start3A_522 = arith.constant 0 : i32
    %dma_start3A_523 = tpu.memref_slice %arg2[%dma_start3A_521, %dma_start3A_522] : memref<1600000x128xf32, #tpu.memory_space<hbm>> -> memref<1600000x128xf32, #tpu.memory_space<hbm>>
    tpu.enqueue_indirect_dma source(%dma_start3A_523 : memref<1600000x128xf32, #tpu.memory_space<hbm>>) target(%dma_start3A_517 : memref<32x128xf32, #tpu.memory_space<vmem>>) offsets(%dma_start3A_520 : memref<32xi32, #tpu.memory_space<vmem>>) semaphore(%arg9 : memref<!tpu.dma_semaphore, #tpu.memory_space<semaphore_mem>>)
    %dma_start3A_524 = arith.constant 10 : i32
    %dma_start3A_525 = arith.constant 10 : i32
    %dma_start3A_526 = arith.constant 0 : i32
    %dma_start3A_527 = arith.constant 0 : i32
    %dma_start3A_528 = tpu.memref_slice %arg8[%dma_start3A_525, %dma_start3A_526, %dma_start3A_527] : memref<16x32x128xf32, #tpu.memory_space<vmem>> -> memref<1x32x128xf32, #tpu.memory_space<vmem>>
    %dma_start3A_529 = tpu.memref_squeeze %dma_start3A_528 : memref<1x32x128xf32, #tpu.memory_space<vmem>> -> memref<32x128xf32, #tpu.memory_space<vmem>>
    %dma_start3A_530 = arith.constant 0 : i32
    %dma_start3A_531 = tpu.memref_slice %arg7[%dma_start3A_524, %dma_start3A_530] : memref<16x32xi32, #tpu.memory_space<vmem>> -> memref<1x32xi32, #tpu.memory_space<vmem>>
    %dma_start3A_532 = tpu.memref_squeeze %dma_start3A_531 : memref<1x32xi32, #tpu.memory_space<vmem>> -> memref<32xi32, #tpu.memory_space<vmem>>
    %dma_start3A_533 = arith.constant 0 : i32
    %dma_start3A_534 = arith.constant 0 : i32
    %dma_start3A_535 = tpu.memref_slice %arg2[%dma_start3A_533, %dma_start3A_534] : memref<1600000x128xf32, #tpu.memory_space<hbm>> -> memref<1600000x128xf32, #tpu.memory_space<hbm>>
    tpu.enqueue_indirect_dma source(%dma_start3A_535 : memref<1600000x128xf32, #tpu.memory_space<hbm>>) target(%dma_start3A_529 : memref<32x128xf32, #tpu.memory_space<vmem>>) offsets(%dma_start3A_532 : memref<32xi32, #tpu.memory_space<vmem>>) semaphore(%arg9 : memref<!tpu.dma_semaphore, #tpu.memory_space<semaphore_mem>>)
    %dma_start3A_536 = arith.constant 11 : i32
    %dma_start3A_537 = arith.constant 11 : i32
    %dma_start3A_538 = arith.constant 0 : i32
    %dma_start3A_539 = arith.constant 0 : i32
    %dma_start3A_540 = tpu.memref_slice %arg8[%dma_start3A_537, %dma_start3A_538, %dma_start3A_539] : memref<16x32x128xf32, #tpu.memory_space<vmem>> -> memref<1x32x128xf32, #tpu.memory_space<vmem>>
    %dma_start3A_541 = tpu.memref_squeeze %dma_start3A_540 : memref<1x32x128xf32, #tpu.memory_space<vmem>> -> memref<32x128xf32, #tpu.memory_space<vmem>>
    %dma_start3A_542 = arith.constant 0 : i32
    %dma_start3A_543 = tpu.memref_slice %arg7[%dma_start3A_536, %dma_start3A_542] : memref<16x32xi32, #tpu.memory_space<vmem>> -> memref<1x32xi32, #tpu.memory_space<vmem>>
    %dma_start3A_544 = tpu.memref_squeeze %dma_start3A_543 : memref<1x32xi32, #tpu.memory_space<vmem>> -> memref<32xi32, #tpu.memory_space<vmem>>
    %dma_start3A_545 = arith.constant 0 : i32
    %dma_start3A_546 = arith.constant 0 : i32
    %dma_start3A_547 = tpu.memref_slice %arg2[%dma_start3A_545, %dma_start3A_546] : memref<1600000x128xf32, #tpu.memory_space<hbm>> -> memref<1600000x128xf32, #tpu.memory_space<hbm>>
    tpu.enqueue_indirect_dma source(%dma_start3A_547 : memref<1600000x128xf32, #tpu.memory_space<hbm>>) target(%dma_start3A_541 : memref<32x128xf32, #tpu.memory_space<vmem>>) offsets(%dma_start3A_544 : memref<32xi32, #tpu.memory_space<vmem>>) semaphore(%arg9 : memref<!tpu.dma_semaphore, #tpu.memory_space<semaphore_mem>>)
    %dma_start3A_548 = arith.constant 12 : i32
    %dma_start3A_549 = arith.constant 12 : i32
    %dma_start3A_550 = arith.constant 0 : i32
    %dma_start3A_551 = arith.constant 0 : i32
    %dma_start3A_552 = tpu.memref_slice %arg8[%dma_start3A_549, %dma_start3A_550, %dma_start3A_551] : memref<16x32x128xf32, #tpu.memory_space<vmem>> -> memref<1x32x128xf32, #tpu.memory_space<vmem>>
    %dma_start3A_553 = tpu.memref_squeeze %dma_start3A_552 : memref<1x32x128xf32, #tpu.memory_space<vmem>> -> memref<32x128xf32, #tpu.memory_space<vmem>>
    %dma_start3A_554 = arith.constant 0 : i32
    %dma_start3A_555 = tpu.memref_slice %arg7[%dma_start3A_548, %dma_start3A_554] : memref<16x32xi32, #tpu.memory_space<vmem>> -> memref<1x32xi32, #tpu.memory_space<vmem>>
    %dma_start3A_556 = tpu.memref_squeeze %dma_start3A_555 : memref<1x32xi32, #tpu.memory_space<vmem>> -> memref<32xi32, #tpu.memory_space<vmem>>
    %dma_start3A_557 = arith.constant 0 : i32
    %dma_start3A_558 = arith.constant 0 : i32
    %dma_start3A_559 = tpu.memref_slice %arg2[%dma_start3A_557, %dma_start3A_558] : memref<1600000x128xf32, #tpu.memory_space<hbm>> -> memref<1600000x128xf32, #tpu.memory_space<hbm>>
    tpu.enqueue_indirect_dma source(%dma_start3A_559 : memref<1600000x128xf32, #tpu.memory_space<hbm>>) target(%dma_start3A_553 : memref<32x128xf32, #tpu.memory_space<vmem>>) offsets(%dma_start3A_556 : memref<32xi32, #tpu.memory_space<vmem>>) semaphore(%arg9 : memref<!tpu.dma_semaphore, #tpu.memory_space<semaphore_mem>>)
    %dma_start3A_560 = arith.constant 13 : i32
    %dma_start3A_561 = arith.constant 13 : i32
    %dma_start3A_562 = arith.constant 0 : i32
    %dma_start3A_563 = arith.constant 0 : i32
    %dma_start3A_564 = tpu.memref_slice %arg8[%dma_start3A_561, %dma_start3A_562, %dma_start3A_563] : memref<16x32x128xf32, #tpu.memory_space<vmem>> -> memref<1x32x128xf32, #tpu.memory_space<vmem>>
    %dma_start3A_565 = tpu.memref_squeeze %dma_start3A_564 : memref<1x32x128xf32, #tpu.memory_space<vmem>> -> memref<32x128xf32, #tpu.memory_space<vmem>>
    %dma_start3A_566 = arith.constant 0 : i32
    %dma_start3A_567 = tpu.memref_slice %arg7[%dma_start3A_560, %dma_start3A_566] : memref<16x32xi32, #tpu.memory_space<vmem>> -> memref<1x32xi32, #tpu.memory_space<vmem>>
    %dma_start3A_568 = tpu.memref_squeeze %dma_start3A_567 : memref<1x32xi32, #tpu.memory_space<vmem>> -> memref<32xi32, #tpu.memory_space<vmem>>
    %dma_start3A_569 = arith.constant 0 : i32
    %dma_start3A_570 = arith.constant 0 : i32
    %dma_start3A_571 = tpu.memref_slice %arg2[%dma_start3A_569, %dma_start3A_570] : memref<1600000x128xf32, #tpu.memory_space<hbm>> -> memref<1600000x128xf32, #tpu.memory_space<hbm>>
    tpu.enqueue_indirect_dma source(%dma_start3A_571 : memref<1600000x128xf32, #tpu.memory_space<hbm>>) target(%dma_start3A_565 : memref<32x128xf32, #tpu.memory_space<vmem>>) offsets(%dma_start3A_568 : memref<32xi32, #tpu.memory_space<vmem>>) semaphore(%arg9 : memref<!tpu.dma_semaphore, #tpu.memory_space<semaphore_mem>>)
    %dma_start3A_572 = arith.constant 14 : i32
    %dma_start3A_573 = arith.constant 14 : i32
    %dma_start3A_574 = arith.constant 0 : i32
    %dma_start3A_575 = arith.constant 0 : i32
    %dma_start3A_576 = tpu.memref_slice %arg8[%dma_start3A_573, %dma_start3A_574, %dma_start3A_575] : memref<16x32x128xf32, #tpu.memory_space<vmem>> -> memref<1x32x128xf32, #tpu.memory_space<vmem>>
    %dma_start3A_577 = tpu.memref_squeeze %dma_start3A_576 : memref<1x32x128xf32, #tpu.memory_space<vmem>> -> memref<32x128xf32, #tpu.memory_space<vmem>>
    %dma_start3A_578 = arith.constant 0 : i32
    %dma_start3A_579 = tpu.memref_slice %arg7[%dma_start3A_572, %dma_start3A_578] : memref<16x32xi32, #tpu.memory_space<vmem>> -> memref<1x32xi32, #tpu.memory_space<vmem>>
    %dma_start3A_580 = tpu.memref_squeeze %dma_start3A_579 : memref<1x32xi32, #tpu.memory_space<vmem>> -> memref<32xi32, #tpu.memory_space<vmem>>
    %dma_start3A_581 = arith.constant 0 : i32
    %dma_start3A_582 = arith.constant 0 : i32
    %dma_start3A_583 = tpu.memref_slice %arg2[%dma_start3A_581, %dma_start3A_582] : memref<1600000x128xf32, #tpu.memory_space<hbm>> -> memref<1600000x128xf32, #tpu.memory_space<hbm>>
    tpu.enqueue_indirect_dma source(%dma_start3A_583 : memref<1600000x128xf32, #tpu.memory_space<hbm>>) target(%dma_start3A_577 : memref<32x128xf32, #tpu.memory_space<vmem>>) offsets(%dma_start3A_580 : memref<32xi32, #tpu.memory_space<vmem>>) semaphore(%arg9 : memref<!tpu.dma_semaphore, #tpu.memory_space<semaphore_mem>>)
    %dma_start3A_584 = arith.constant 15 : i32
    %dma_start3A_585 = arith.constant 15 : i32
    %dma_start3A_586 = arith.constant 0 : i32
    %dma_start3A_587 = arith.constant 0 : i32
    %dma_start3A_588 = tpu.memref_slice %arg8[%dma_start3A_585, %dma_start3A_586, %dma_start3A_587] : memref<16x32x128xf32, #tpu.memory_space<vmem>> -> memref<1x32x128xf32, #tpu.memory_space<vmem>>
    %dma_start3A_589 = tpu.memref_squeeze %dma_start3A_588 : memref<1x32x128xf32, #tpu.memory_space<vmem>> -> memref<32x128xf32, #tpu.memory_space<vmem>>
    %dma_start3A_590 = arith.constant 0 : i32
    %dma_start3A_591 = tpu.memref_slice %arg7[%dma_start3A_584, %dma_start3A_590] : memref<16x32xi32, #tpu.memory_space<vmem>> -> memref<1x32xi32, #tpu.memory_space<vmem>>
    %dma_start3A_592 = tpu.memref_squeeze %dma_start3A_591 : memref<1x32xi32, #tpu.memory_space<vmem>> -> memref<32xi32, #tpu.memory_space<vmem>>
    %dma_start3A_593 = arith.constant 0 : i32
    %dma_start3A_594 = arith.constant 0 : i32
    %dma_start3A_595 = tpu.memref_slice %arg2[%dma_start3A_593, %dma_start3A_594] : memref<1600000x128xf32, #tpu.memory_space<hbm>> -> memref<1600000x128xf32, #tpu.memory_space<hbm>>
    tpu.enqueue_indirect_dma source(%dma_start3A_595 : memref<1600000x128xf32, #tpu.memory_space<hbm>>) target(%dma_start3A_589 : memref<32x128xf32, #tpu.memory_space<vmem>>) offsets(%dma_start3A_592 : memref<32xi32, #tpu.memory_space<vmem>>) semaphore(%arg9 : memref<!tpu.dma_semaphore, #tpu.memory_space<semaphore_mem>>)
    %dma_wait3A = arith.constant 0 : i32
    %dma_wait3A_596 = arith.constant 0 : i32
    %dma_wait3A_597 = arith.constant 0 : i32
    %dma_wait3A_598 = arith.constant 0 : i32
    %dma_wait3A_599 = tpu.memref_slice %arg8[%dma_wait3A_596, %dma_wait3A_597, %dma_wait3A_598] : memref<16x32x128xf32, #tpu.memory_space<vmem>> -> memref<1x32x128xf32, #tpu.memory_space<vmem>>
    %dma_wait3A_600 = tpu.memref_squeeze %dma_wait3A_599 : memref<1x32x128xf32, #tpu.memory_space<vmem>> -> memref<32x128xf32, #tpu.memory_space<vmem>>
    %dma_wait3A_601 = arith.constant 0 : i32
    %dma_wait3A_602 = tpu.memref_slice %arg7[%dma_wait3A, %dma_wait3A_601] : memref<16x32xi32, #tpu.memory_space<vmem>> -> memref<1x32xi32, #tpu.memory_space<vmem>>
    %dma_wait3A_603 = tpu.memref_squeeze %dma_wait3A_602 : memref<1x32xi32, #tpu.memory_space<vmem>> -> memref<32xi32, #tpu.memory_space<vmem>>
    %dma_wait3A_604 = arith.constant 0 : i32
    %dma_wait3A_605 = arith.constant 0 : i32
    %dma_wait3A_606 = tpu.memref_slice %arg2[%dma_wait3A_604, %dma_wait3A_605] : memref<1600000x128xf32, #tpu.memory_space<hbm>> -> memref<1600000x128xf32, #tpu.memory_space<hbm>>
    tpu.wait_indirect_dma semaphore(%arg9 : memref<!tpu.dma_semaphore, #tpu.memory_space<semaphore_mem>>) src(%dma_wait3A_606 : memref<1600000x128xf32, #tpu.memory_space<hbm>>) dst(%dma_wait3A_600 : memref<32x128xf32, #tpu.memory_space<vmem>>)
    %dma_wait3A_607 = arith.constant 1 : i32
    %dma_wait3A_608 = arith.constant 1 : i32
    %dma_wait3A_609 = arith.constant 0 : i32
    %dma_wait3A_610 = arith.constant 0 : i32
    %dma_wait3A_611 = tpu.memref_slice %arg8[%dma_wait3A_608, %dma_wait3A_609, %dma_wait3A_610] : memref<16x32x128xf32, #tpu.memory_space<vmem>> -> memref<1x32x128xf32, #tpu.memory_space<vmem>>
    %dma_wait3A_612 = tpu.memref_squeeze %dma_wait3A_611 : memref<1x32x128xf32, #tpu.memory_space<vmem>> -> memref<32x128xf32, #tpu.memory_space<vmem>>
    %dma_wait3A_613 = arith.constant 0 : i32
    %dma_wait3A_614 = tpu.memref_slice %arg7[%dma_wait3A_607, %dma_wait3A_613] : memref<16x32xi32, #tpu.memory_space<vmem>> -> memref<1x32xi32, #tpu.memory_space<vmem>>
    %dma_wait3A_615 = tpu.memref_squeeze %dma_wait3A_614 : memref<1x32xi32, #tpu.memory_space<vmem>> -> memref<32xi32, #tpu.memory_space<vmem>>
    %dma_wait3A_616 = arith.constant 0 : i32
    %dma_wait3A_617 = arith.constant 0 : i32
    %dma_wait3A_618 = tpu.memref_slice %arg2[%dma_wait3A_616, %dma_wait3A_617] : memref<1600000x128xf32, #tpu.memory_space<hbm>> -> memref<1600000x128xf32, #tpu.memory_space<hbm>>
    tpu.wait_indirect_dma semaphore(%arg9 : memref<!tpu.dma_semaphore, #tpu.memory_space<semaphore_mem>>) src(%dma_wait3A_618 : memref<1600000x128xf32, #tpu.memory_space<hbm>>) dst(%dma_wait3A_612 : memref<32x128xf32, #tpu.memory_space<vmem>>)
    %dma_wait3A_619 = arith.constant 2 : i32
    %dma_wait3A_620 = arith.constant 2 : i32
    %dma_wait3A_621 = arith.constant 0 : i32
    %dma_wait3A_622 = arith.constant 0 : i32
    %dma_wait3A_623 = tpu.memref_slice %arg8[%dma_wait3A_620, %dma_wait3A_621, %dma_wait3A_622] : memref<16x32x128xf32, #tpu.memory_space<vmem>> -> memref<1x32x128xf32, #tpu.memory_space<vmem>>
    %dma_wait3A_624 = tpu.memref_squeeze %dma_wait3A_623 : memref<1x32x128xf32, #tpu.memory_space<vmem>> -> memref<32x128xf32, #tpu.memory_space<vmem>>
    %dma_wait3A_625 = arith.constant 0 : i32
    %dma_wait3A_626 = tpu.memref_slice %arg7[%dma_wait3A_619, %dma_wait3A_625] : memref<16x32xi32, #tpu.memory_space<vmem>> -> memref<1x32xi32, #tpu.memory_space<vmem>>
    %dma_wait3A_627 = tpu.memref_squeeze %dma_wait3A_626 : memref<1x32xi32, #tpu.memory_space<vmem>> -> memref<32xi32, #tpu.memory_space<vmem>>
    %dma_wait3A_628 = arith.constant 0 : i32
    %dma_wait3A_629 = arith.constant 0 : i32
    %dma_wait3A_630 = tpu.memref_slice %arg2[%dma_wait3A_628, %dma_wait3A_629] : memref<1600000x128xf32, #tpu.memory_space<hbm>> -> memref<1600000x128xf32, #tpu.memory_space<hbm>>
    tpu.wait_indirect_dma semaphore(%arg9 : memref<!tpu.dma_semaphore, #tpu.memory_space<semaphore_mem>>) src(%dma_wait3A_630 : memref<1600000x128xf32, #tpu.memory_space<hbm>>) dst(%dma_wait3A_624 : memref<32x128xf32, #tpu.memory_space<vmem>>)
    %dma_wait3A_631 = arith.constant 3 : i32
    %dma_wait3A_632 = arith.constant 3 : i32
    %dma_wait3A_633 = arith.constant 0 : i32
    %dma_wait3A_634 = arith.constant 0 : i32
    %dma_wait3A_635 = tpu.memref_slice %arg8[%dma_wait3A_632, %dma_wait3A_633, %dma_wait3A_634] : memref<16x32x128xf32, #tpu.memory_space<vmem>> -> memref<1x32x128xf32, #tpu.memory_space<vmem>>
    %dma_wait3A_636 = tpu.memref_squeeze %dma_wait3A_635 : memref<1x32x128xf32, #tpu.memory_space<vmem>> -> memref<32x128xf32, #tpu.memory_space<vmem>>
    %dma_wait3A_637 = arith.constant 0 : i32
    %dma_wait3A_638 = tpu.memref_slice %arg7[%dma_wait3A_631, %dma_wait3A_637] : memref<16x32xi32, #tpu.memory_space<vmem>> -> memref<1x32xi32, #tpu.memory_space<vmem>>
    %dma_wait3A_639 = tpu.memref_squeeze %dma_wait3A_638 : memref<1x32xi32, #tpu.memory_space<vmem>> -> memref<32xi32, #tpu.memory_space<vmem>>
    %dma_wait3A_640 = arith.constant 0 : i32
    %dma_wait3A_641 = arith.constant 0 : i32
    %dma_wait3A_642 = tpu.memref_slice %arg2[%dma_wait3A_640, %dma_wait3A_641] : memref<1600000x128xf32, #tpu.memory_space<hbm>> -> memref<1600000x128xf32, #tpu.memory_space<hbm>>
    tpu.wait_indirect_dma semaphore(%arg9 : memref<!tpu.dma_semaphore, #tpu.memory_space<semaphore_mem>>) src(%dma_wait3A_642 : memref<1600000x128xf32, #tpu.memory_space<hbm>>) dst(%dma_wait3A_636 : memref<32x128xf32, #tpu.memory_space<vmem>>)
    %dma_wait3A_643 = arith.constant 4 : i32
    %dma_wait3A_644 = arith.constant 4 : i32
    %dma_wait3A_645 = arith.constant 0 : i32
    %dma_wait3A_646 = arith.constant 0 : i32
    %dma_wait3A_647 = tpu.memref_slice %arg8[%dma_wait3A_644, %dma_wait3A_645, %dma_wait3A_646] : memref<16x32x128xf32, #tpu.memory_space<vmem>> -> memref<1x32x128xf32, #tpu.memory_space<vmem>>
    %dma_wait3A_648 = tpu.memref_squeeze %dma_wait3A_647 : memref<1x32x128xf32, #tpu.memory_space<vmem>> -> memref<32x128xf32, #tpu.memory_space<vmem>>
    %dma_wait3A_649 = arith.constant 0 : i32
    %dma_wait3A_650 = tpu.memref_slice %arg7[%dma_wait3A_643, %dma_wait3A_649] : memref<16x32xi32, #tpu.memory_space<vmem>> -> memref<1x32xi32, #tpu.memory_space<vmem>>
    %dma_wait3A_651 = tpu.memref_squeeze %dma_wait3A_650 : memref<1x32xi32, #tpu.memory_space<vmem>> -> memref<32xi32, #tpu.memory_space<vmem>>
    %dma_wait3A_652 = arith.constant 0 : i32
    %dma_wait3A_653 = arith.constant 0 : i32
    %dma_wait3A_654 = tpu.memref_slice %arg2[%dma_wait3A_652, %dma_wait3A_653] : memref<1600000x128xf32, #tpu.memory_space<hbm>> -> memref<1600000x128xf32, #tpu.memory_space<hbm>>
    tpu.wait_indirect_dma semaphore(%arg9 : memref<!tpu.dma_semaphore, #tpu.memory_space<semaphore_mem>>) src(%dma_wait3A_654 : memref<1600000x128xf32, #tpu.memory_space<hbm>>) dst(%dma_wait3A_648 : memref<32x128xf32, #tpu.memory_space<vmem>>)
    %dma_wait3A_655 = arith.constant 5 : i32
    %dma_wait3A_656 = arith.constant 5 : i32
    %dma_wait3A_657 = arith.constant 0 : i32
    %dma_wait3A_658 = arith.constant 0 : i32
    %dma_wait3A_659 = tpu.memref_slice %arg8[%dma_wait3A_656, %dma_wait3A_657, %dma_wait3A_658] : memref<16x32x128xf32, #tpu.memory_space<vmem>> -> memref<1x32x128xf32, #tpu.memory_space<vmem>>
    %dma_wait3A_660 = tpu.memref_squeeze %dma_wait3A_659 : memref<1x32x128xf32, #tpu.memory_space<vmem>> -> memref<32x128xf32, #tpu.memory_space<vmem>>
    %dma_wait3A_661 = arith.constant 0 : i32
    %dma_wait3A_662 = tpu.memref_slice %arg7[%dma_wait3A_655, %dma_wait3A_661] : memref<16x32xi32, #tpu.memory_space<vmem>> -> memref<1x32xi32, #tpu.memory_space<vmem>>
    %dma_wait3A_663 = tpu.memref_squeeze %dma_wait3A_662 : memref<1x32xi32, #tpu.memory_space<vmem>> -> memref<32xi32, #tpu.memory_space<vmem>>
    %dma_wait3A_664 = arith.constant 0 : i32
    %dma_wait3A_665 = arith.constant 0 : i32
    %dma_wait3A_666 = tpu.memref_slice %arg2[%dma_wait3A_664, %dma_wait3A_665] : memref<1600000x128xf32, #tpu.memory_space<hbm>> -> memref<1600000x128xf32, #tpu.memory_space<hbm>>
    tpu.wait_indirect_dma semaphore(%arg9 : memref<!tpu.dma_semaphore, #tpu.memory_space<semaphore_mem>>) src(%dma_wait3A_666 : memref<1600000x128xf32, #tpu.memory_space<hbm>>) dst(%dma_wait3A_660 : memref<32x128xf32, #tpu.memory_space<vmem>>)
    %dma_wait3A_667 = arith.constant 6 : i32
    %dma_wait3A_668 = arith.constant 6 : i32
    %dma_wait3A_669 = arith.constant 0 : i32
    %dma_wait3A_670 = arith.constant 0 : i32
    %dma_wait3A_671 = tpu.memref_slice %arg8[%dma_wait3A_668, %dma_wait3A_669, %dma_wait3A_670] : memref<16x32x128xf32, #tpu.memory_space<vmem>> -> memref<1x32x128xf32, #tpu.memory_space<vmem>>
    %dma_wait3A_672 = tpu.memref_squeeze %dma_wait3A_671 : memref<1x32x128xf32, #tpu.memory_space<vmem>> -> memref<32x128xf32, #tpu.memory_space<vmem>>
    %dma_wait3A_673 = arith.constant 0 : i32
    %dma_wait3A_674 = tpu.memref_slice %arg7[%dma_wait3A_667, %dma_wait3A_673] : memref<16x32xi32, #tpu.memory_space<vmem>> -> memref<1x32xi32, #tpu.memory_space<vmem>>
    %dma_wait3A_675 = tpu.memref_squeeze %dma_wait3A_674 : memref<1x32xi32, #tpu.memory_space<vmem>> -> memref<32xi32, #tpu.memory_space<vmem>>
    %dma_wait3A_676 = arith.constant 0 : i32
    %dma_wait3A_677 = arith.constant 0 : i32
    %dma_wait3A_678 = tpu.memref_slice %arg2[%dma_wait3A_676, %dma_wait3A_677] : memref<1600000x128xf32, #tpu.memory_space<hbm>> -> memref<1600000x128xf32, #tpu.memory_space<hbm>>
    tpu.wait_indirect_dma semaphore(%arg9 : memref<!tpu.dma_semaphore, #tpu.memory_space<semaphore_mem>>) src(%dma_wait3A_678 : memref<1600000x128xf32, #tpu.memory_space<hbm>>) dst(%dma_wait3A_672 : memref<32x128xf32, #tpu.memory_space<vmem>>)
    %dma_wait3A_679 = arith.constant 7 : i32
    %dma_wait3A_680 = arith.constant 7 : i32
    %dma_wait3A_681 = arith.constant 0 : i32
    %dma_wait3A_682 = arith.constant 0 : i32
    %dma_wait3A_683 = tpu.memref_slice %arg8[%dma_wait3A_680, %dma_wait3A_681, %dma_wait3A_682] : memref<16x32x128xf32, #tpu.memory_space<vmem>> -> memref<1x32x128xf32, #tpu.memory_space<vmem>>
    %dma_wait3A_684 = tpu.memref_squeeze %dma_wait3A_683 : memref<1x32x128xf32, #tpu.memory_space<vmem>> -> memref<32x128xf32, #tpu.memory_space<vmem>>
    %dma_wait3A_685 = arith.constant 0 : i32
    %dma_wait3A_686 = tpu.memref_slice %arg7[%dma_wait3A_679, %dma_wait3A_685] : memref<16x32xi32, #tpu.memory_space<vmem>> -> memref<1x32xi32, #tpu.memory_space<vmem>>
    %dma_wait3A_687 = tpu.memref_squeeze %dma_wait3A_686 : memref<1x32xi32, #tpu.memory_space<vmem>> -> memref<32xi32, #tpu.memory_space<vmem>>
    %dma_wait3A_688 = arith.constant 0 : i32
    %dma_wait3A_689 = arith.constant 0 : i32
    %dma_wait3A_690 = tpu.memref_slice %arg2[%dma_wait3A_688, %dma_wait3A_689] : memref<1600000x128xf32, #tpu.memory_space<hbm>> -> memref<1600000x128xf32, #tpu.memory_space<hbm>>
    tpu.wait_indirect_dma semaphore(%arg9 : memref<!tpu.dma_semaphore, #tpu.memory_space<semaphore_mem>>) src(%dma_wait3A_690 : memref<1600000x128xf32, #tpu.memory_space<hbm>>) dst(%dma_wait3A_684 : memref<32x128xf32, #tpu.memory_space<vmem>>)
    %dma_wait3A_691 = arith.constant 8 : i32
    %dma_wait3A_692 = arith.constant 8 : i32
    %dma_wait3A_693 = arith.constant 0 : i32
    %dma_wait3A_694 = arith.constant 0 : i32
    %dma_wait3A_695 = tpu.memref_slice %arg8[%dma_wait3A_692, %dma_wait3A_693, %dma_wait3A_694] : memref<16x32x128xf32, #tpu.memory_space<vmem>> -> memref<1x32x128xf32, #tpu.memory_space<vmem>>
    %dma_wait3A_696 = tpu.memref_squeeze %dma_wait3A_695 : memref<1x32x128xf32, #tpu.memory_space<vmem>> -> memref<32x128xf32, #tpu.memory_space<vmem>>
    %dma_wait3A_697 = arith.constant 0 : i32
    %dma_wait3A_698 = tpu.memref_slice %arg7[%dma_wait3A_691, %dma_wait3A_697] : memref<16x32xi32, #tpu.memory_space<vmem>> -> memref<1x32xi32, #tpu.memory_space<vmem>>
    %dma_wait3A_699 = tpu.memref_squeeze %dma_wait3A_698 : memref<1x32xi32, #tpu.memory_space<vmem>> -> memref<32xi32, #tpu.memory_space<vmem>>
    %dma_wait3A_700 = arith.constant 0 : i32
    %dma_wait3A_701 = arith.constant 0 : i32
    %dma_wait3A_702 = tpu.memref_slice %arg2[%dma_wait3A_700, %dma_wait3A_701] : memref<1600000x128xf32, #tpu.memory_space<hbm>> -> memref<1600000x128xf32, #tpu.memory_space<hbm>>
    tpu.wait_indirect_dma semaphore(%arg9 : memref<!tpu.dma_semaphore, #tpu.memory_space<semaphore_mem>>) src(%dma_wait3A_702 : memref<1600000x128xf32, #tpu.memory_space<hbm>>) dst(%dma_wait3A_696 : memref<32x128xf32, #tpu.memory_space<vmem>>)
    %dma_wait3A_703 = arith.constant 9 : i32
    %dma_wait3A_704 = arith.constant 9 : i32
    %dma_wait3A_705 = arith.constant 0 : i32
    %dma_wait3A_706 = arith.constant 0 : i32
    %dma_wait3A_707 = tpu.memref_slice %arg8[%dma_wait3A_704, %dma_wait3A_705, %dma_wait3A_706] : memref<16x32x128xf32, #tpu.memory_space<vmem>> -> memref<1x32x128xf32, #tpu.memory_space<vmem>>
    %dma_wait3A_708 = tpu.memref_squeeze %dma_wait3A_707 : memref<1x32x128xf32, #tpu.memory_space<vmem>> -> memref<32x128xf32, #tpu.memory_space<vmem>>
    %dma_wait3A_709 = arith.constant 0 : i32
    %dma_wait3A_710 = tpu.memref_slice %arg7[%dma_wait3A_703, %dma_wait3A_709] : memref<16x32xi32, #tpu.memory_space<vmem>> -> memref<1x32xi32, #tpu.memory_space<vmem>>
    %dma_wait3A_711 = tpu.memref_squeeze %dma_wait3A_710 : memref<1x32xi32, #tpu.memory_space<vmem>> -> memref<32xi32, #tpu.memory_space<vmem>>
    %dma_wait3A_712 = arith.constant 0 : i32
    %dma_wait3A_713 = arith.constant 0 : i32
    %dma_wait3A_714 = tpu.memref_slice %arg2[%dma_wait3A_712, %dma_wait3A_713] : memref<1600000x128xf32, #tpu.memory_space<hbm>> -> memref<1600000x128xf32, #tpu.memory_space<hbm>>
    tpu.wait_indirect_dma semaphore(%arg9 : memref<!tpu.dma_semaphore, #tpu.memory_space<semaphore_mem>>) src(%dma_wait3A_714 : memref<1600000x128xf32, #tpu.memory_space<hbm>>) dst(%dma_wait3A_708 : memref<32x128xf32, #tpu.memory_space<vmem>>)
    %dma_wait3A_715 = arith.constant 10 : i32
    %dma_wait3A_716 = arith.constant 10 : i32
    %dma_wait3A_717 = arith.constant 0 : i32
    %dma_wait3A_718 = arith.constant 0 : i32
    %dma_wait3A_719 = tpu.memref_slice %arg8[%dma_wait3A_716, %dma_wait3A_717, %dma_wait3A_718] : memref<16x32x128xf32, #tpu.memory_space<vmem>> -> memref<1x32x128xf32, #tpu.memory_space<vmem>>
    %dma_wait3A_720 = tpu.memref_squeeze %dma_wait3A_719 : memref<1x32x128xf32, #tpu.memory_space<vmem>> -> memref<32x128xf32, #tpu.memory_space<vmem>>
    %dma_wait3A_721 = arith.constant 0 : i32
    %dma_wait3A_722 = tpu.memref_slice %arg7[%dma_wait3A_715, %dma_wait3A_721] : memref<16x32xi32, #tpu.memory_space<vmem>> -> memref<1x32xi32, #tpu.memory_space<vmem>>
    %dma_wait3A_723 = tpu.memref_squeeze %dma_wait3A_722 : memref<1x32xi32, #tpu.memory_space<vmem>> -> memref<32xi32, #tpu.memory_space<vmem>>
    %dma_wait3A_724 = arith.constant 0 : i32
    %dma_wait3A_725 = arith.constant 0 : i32
    %dma_wait3A_726 = tpu.memref_slice %arg2[%dma_wait3A_724, %dma_wait3A_725] : memref<1600000x128xf32, #tpu.memory_space<hbm>> -> memref<1600000x128xf32, #tpu.memory_space<hbm>>
    tpu.wait_indirect_dma semaphore(%arg9 : memref<!tpu.dma_semaphore, #tpu.memory_space<semaphore_mem>>) src(%dma_wait3A_726 : memref<1600000x128xf32, #tpu.memory_space<hbm>>) dst(%dma_wait3A_720 : memref<32x128xf32, #tpu.memory_space<vmem>>)
    %dma_wait3A_727 = arith.constant 11 : i32
    %dma_wait3A_728 = arith.constant 11 : i32
    %dma_wait3A_729 = arith.constant 0 : i32
    %dma_wait3A_730 = arith.constant 0 : i32
    %dma_wait3A_731 = tpu.memref_slice %arg8[%dma_wait3A_728, %dma_wait3A_729, %dma_wait3A_730] : memref<16x32x128xf32, #tpu.memory_space<vmem>> -> memref<1x32x128xf32, #tpu.memory_space<vmem>>
    %dma_wait3A_732 = tpu.memref_squeeze %dma_wait3A_731 : memref<1x32x128xf32, #tpu.memory_space<vmem>> -> memref<32x128xf32, #tpu.memory_space<vmem>>
    %dma_wait3A_733 = arith.constant 0 : i32
    %dma_wait3A_734 = tpu.memref_slice %arg7[%dma_wait3A_727, %dma_wait3A_733] : memref<16x32xi32, #tpu.memory_space<vmem>> -> memref<1x32xi32, #tpu.memory_space<vmem>>
    %dma_wait3A_735 = tpu.memref_squeeze %dma_wait3A_734 : memref<1x32xi32, #tpu.memory_space<vmem>> -> memref<32xi32, #tpu.memory_space<vmem>>
    %dma_wait3A_736 = arith.constant 0 : i32
    %dma_wait3A_737 = arith.constant 0 : i32
    %dma_wait3A_738 = tpu.memref_slice %arg2[%dma_wait3A_736, %dma_wait3A_737] : memref<1600000x128xf32, #tpu.memory_space<hbm>> -> memref<1600000x128xf32, #tpu.memory_space<hbm>>
    tpu.wait_indirect_dma semaphore(%arg9 : memref<!tpu.dma_semaphore, #tpu.memory_space<semaphore_mem>>) src(%dma_wait3A_738 : memref<1600000x128xf32, #tpu.memory_space<hbm>>) dst(%dma_wait3A_732 : memref<32x128xf32, #tpu.memory_space<vmem>>)
    %dma_wait3A_739 = arith.constant 12 : i32
    %dma_wait3A_740 = arith.constant 12 : i32
    %dma_wait3A_741 = arith.constant 0 : i32
    %dma_wait3A_742 = arith.constant 0 : i32
    %dma_wait3A_743 = tpu.memref_slice %arg8[%dma_wait3A_740, %dma_wait3A_741, %dma_wait3A_742] : memref<16x32x128xf32, #tpu.memory_space<vmem>> -> memref<1x32x128xf32, #tpu.memory_space<vmem>>
    %dma_wait3A_744 = tpu.memref_squeeze %dma_wait3A_743 : memref<1x32x128xf32, #tpu.memory_space<vmem>> -> memref<32x128xf32, #tpu.memory_space<vmem>>
    %dma_wait3A_745 = arith.constant 0 : i32
    %dma_wait3A_746 = tpu.memref_slice %arg7[%dma_wait3A_739, %dma_wait3A_745] : memref<16x32xi32, #tpu.memory_space<vmem>> -> memref<1x32xi32, #tpu.memory_space<vmem>>
    %dma_wait3A_747 = tpu.memref_squeeze %dma_wait3A_746 : memref<1x32xi32, #tpu.memory_space<vmem>> -> memref<32xi32, #tpu.memory_space<vmem>>
    %dma_wait3A_748 = arith.constant 0 : i32
    %dma_wait3A_749 = arith.constant 0 : i32
    %dma_wait3A_750 = tpu.memref_slice %arg2[%dma_wait3A_748, %dma_wait3A_749] : memref<1600000x128xf32, #tpu.memory_space<hbm>> -> memref<1600000x128xf32, #tpu.memory_space<hbm>>
    tpu.wait_indirect_dma semaphore(%arg9 : memref<!tpu.dma_semaphore, #tpu.memory_space<semaphore_mem>>) src(%dma_wait3A_750 : memref<1600000x128xf32, #tpu.memory_space<hbm>>) dst(%dma_wait3A_744 : memref<32x128xf32, #tpu.memory_space<vmem>>)
    %dma_wait3A_751 = arith.constant 13 : i32
    %dma_wait3A_752 = arith.constant 13 : i32
    %dma_wait3A_753 = arith.constant 0 : i32
    %dma_wait3A_754 = arith.constant 0 : i32
    %dma_wait3A_755 = tpu.memref_slice %arg8[%dma_wait3A_752, %dma_wait3A_753, %dma_wait3A_754] : memref<16x32x128xf32, #tpu.memory_space<vmem>> -> memref<1x32x128xf32, #tpu.memory_space<vmem>>
    %dma_wait3A_756 = tpu.memref_squeeze %dma_wait3A_755 : memref<1x32x128xf32, #tpu.memory_space<vmem>> -> memref<32x128xf32, #tpu.memory_space<vmem>>
    %dma_wait3A_757 = arith.constant 0 : i32
    %dma_wait3A_758 = tpu.memref_slice %arg7[%dma_wait3A_751, %dma_wait3A_757] : memref<16x32xi32, #tpu.memory_space<vmem>> -> memref<1x32xi32, #tpu.memory_space<vmem>>
    %dma_wait3A_759 = tpu.memref_squeeze %dma_wait3A_758 : memref<1x32xi32, #tpu.memory_space<vmem>> -> memref<32xi32, #tpu.memory_space<vmem>>
    %dma_wait3A_760 = arith.constant 0 : i32
    %dma_wait3A_761 = arith.constant 0 : i32
    %dma_wait3A_762 = tpu.memref_slice %arg2[%dma_wait3A_760, %dma_wait3A_761] : memref<1600000x128xf32, #tpu.memory_space<hbm>> -> memref<1600000x128xf32, #tpu.memory_space<hbm>>
    tpu.wait_indirect_dma semaphore(%arg9 : memref<!tpu.dma_semaphore, #tpu.memory_space<semaphore_mem>>) src(%dma_wait3A_762 : memref<1600000x128xf32, #tpu.memory_space<hbm>>) dst(%dma_wait3A_756 : memref<32x128xf32, #tpu.memory_space<vmem>>)
    %dma_wait3A_763 = arith.constant 14 : i32
    %dma_wait3A_764 = arith.constant 14 : i32
    %dma_wait3A_765 = arith.constant 0 : i32
    %dma_wait3A_766 = arith.constant 0 : i32
    %dma_wait3A_767 = tpu.memref_slice %arg8[%dma_wait3A_764, %dma_wait3A_765, %dma_wait3A_766] : memref<16x32x128xf32, #tpu.memory_space<vmem>> -> memref<1x32x128xf32, #tpu.memory_space<vmem>>
    %dma_wait3A_768 = tpu.memref_squeeze %dma_wait3A_767 : memref<1x32x128xf32, #tpu.memory_space<vmem>> -> memref<32x128xf32, #tpu.memory_space<vmem>>
    %dma_wait3A_769 = arith.constant 0 : i32
    %dma_wait3A_770 = tpu.memref_slice %arg7[%dma_wait3A_763, %dma_wait3A_769] : memref<16x32xi32, #tpu.memory_space<vmem>> -> memref<1x32xi32, #tpu.memory_space<vmem>>
    %dma_wait3A_771 = tpu.memref_squeeze %dma_wait3A_770 : memref<1x32xi32, #tpu.memory_space<vmem>> -> memref<32xi32, #tpu.memory_space<vmem>>
    %dma_wait3A_772 = arith.constant 0 : i32
    %dma_wait3A_773 = arith.constant 0 : i32
    %dma_wait3A_774 = tpu.memref_slice %arg2[%dma_wait3A_772, %dma_wait3A_773] : memref<1600000x128xf32, #tpu.memory_space<hbm>> -> memref<1600000x128xf32, #tpu.memory_space<hbm>>
    tpu.wait_indirect_dma semaphore(%arg9 : memref<!tpu.dma_semaphore, #tpu.memory_space<semaphore_mem>>) src(%dma_wait3A_774 : memref<1600000x128xf32, #tpu.memory_space<hbm>>) dst(%dma_wait3A_768 : memref<32x128xf32, #tpu.memory_space<vmem>>)
    %dma_wait3A_775 = arith.constant 15 : i32
    %dma_wait3A_776 = arith.constant 15 : i32
    %dma_wait3A_777 = arith.constant 0 : i32
    %dma_wait3A_778 = arith.constant 0 : i32
    %dma_wait3A_779 = tpu.memref_slice %arg8[%dma_wait3A_776, %dma_wait3A_777, %dma_wait3A_778] : memref<16x32x128xf32, #tpu.memory_space<vmem>> -> memref<1x32x128xf32, #tpu.memory_space<vmem>>
    %dma_wait3A_780 = tpu.memref_squeeze %dma_wait3A_779 : memref<1x32x128xf32, #tpu.memory_space<vmem>> -> memref<32x128xf32, #tpu.memory_space<vmem>>
    %dma_wait3A_781 = arith.constant 0 : i32
    %dma_wait3A_782 = tpu.memref_slice %arg7[%dma_wait3A_775, %dma_wait3A_781] : memref<16x32xi32, #tpu.memory_space<vmem>> -> memref<1x32xi32, #tpu.memory_space<vmem>>
    %dma_wait3A_783 = tpu.memref_squeeze %dma_wait3A_782 : memref<1x32xi32, #tpu.memory_space<vmem>> -> memref<32xi32, #tpu.memory_space<vmem>>
    %dma_wait3A_784 = arith.constant 0 : i32
    %dma_wait3A_785 = arith.constant 0 : i32
    %dma_wait3A_786 = tpu.memref_slice %arg2[%dma_wait3A_784, %dma_wait3A_785] : memref<1600000x128xf32, #tpu.memory_space<hbm>> -> memref<1600000x128xf32, #tpu.memory_space<hbm>>
    tpu.wait_indirect_dma semaphore(%arg9 : memref<!tpu.dma_semaphore, #tpu.memory_space<semaphore_mem>>) src(%dma_wait3A_786 : memref<1600000x128xf32, #tpu.memory_space<hbm>>) dst(%dma_wait3A_780 : memref<32x128xf32, #tpu.memory_space<vmem>>)
    %run_scoped3A = arith.constant 0 : i32
    %run_scoped3A_787 = arith.constant 0 : i32
    %run_scoped3A_788 = arith.constant 0 : i32
    "tpu.region"() ({
      %run_scoped3A_834 = tpu.sem_alloc : memref<!tpu.dma_semaphore, #tpu.memory_space<semaphore_mem>>
      %dma_start3A_835 = arith.constant 0 : i32
      %dma_start3A_836 = arith.constant 0 : i32
      %dma_start3A_837 = tpu.memref_slice %arg8[%run_scoped3A, %dma_start3A_835, %dma_start3A_836] : memref<16x32x128xf32, #tpu.memory_space<vmem>> -> memref<1x32x128xf32, #tpu.memory_space<vmem>>
      %dma_start3A_838 = tpu.memref_squeeze %dma_start3A_837 : memref<1x32x128xf32, #tpu.memory_space<vmem>> -> memref<32x128xf32, #tpu.memory_space<vmem>>
      %dma_start3A_839 = arith.constant 0 : i32
      %dma_start3A_840 = tpu.memref_slice %arg4[%run_scoped3A_787, %run_scoped3A_788, %mul3A_2, %dma_start3A_839] : memref<4x4x1024x128xf32, #tpu.memory_space<hbm>> -> memref<1x1x32x128xf32, #tpu.memory_space<hbm>>
      %dma_start3A_841 = tpu.memref_squeeze %dma_start3A_840 : memref<1x1x32x128xf32, #tpu.memory_space<hbm>> -> memref<32x128xf32, #tpu.memory_space<hbm>>
      %dma_start3A_842 = arith.constant 0 : i32
      %dma_start3A_843 = tpu.memref_slice %arg4[%run_scoped3A_787, %run_scoped3A_788, %mul3A_2, %dma_start3A_842] : memref<4x4x1024x128xf32, #tpu.memory_space<hbm>> -> memref<1x1x32x128xf32, #tpu.memory_space<hbm>>
      %dma_start3A_844 = tpu.memref_squeeze %dma_start3A_843 : memref<1x1x32x128xf32, #tpu.memory_space<hbm>> -> memref<32x128xf32, #tpu.memory_space<hbm>>
      %dma_start3A_845 = arith.constant 0 : i32
      %dma_start3A_846 = arith.constant 0 : i32
      %dma_start3A_847 = tpu.memref_slice %arg8[%run_scoped3A, %dma_start3A_845, %dma_start3A_846] : memref<16x32x128xf32, #tpu.memory_space<vmem>> -> memref<1x32x128xf32, #tpu.memory_space<vmem>>
      %dma_start3A_848 = tpu.memref_squeeze %dma_start3A_847 : memref<1x32x128xf32, #tpu.memory_space<vmem>> -> memref<32x128xf32, #tpu.memory_space<vmem>>
      tpu.enqueue_dma source(%dma_start3A_848 : memref<32x128xf32, #tpu.memory_space<vmem>>) target(%dma_start3A_844 : memref<32x128xf32, #tpu.memory_space<hbm>>) target_semaphore(%run_scoped3A_834 : memref<!tpu.dma_semaphore, #tpu.memory_space<semaphore_mem>>)
      %dma_wait3A_849 = arith.constant 0 : i32
      %dma_wait3A_850 = arith.constant 0 : i32
      %dma_wait3A_851 = tpu.memref_slice %arg8[%run_scoped3A, %dma_wait3A_849, %dma_wait3A_850] : memref<16x32x128xf32, #tpu.memory_space<vmem>> -> memref<1x32x128xf32, #tpu.memory_space<vmem>>
      %dma_wait3A_852 = tpu.memref_squeeze %dma_wait3A_851 : memref<1x32x128xf32, #tpu.memory_space<vmem>> -> memref<32x128xf32, #tpu.memory_space<vmem>>
      %dma_wait3A_853 = arith.constant 0 : i32
      %dma_wait3A_854 = tpu.memref_slice %arg4[%run_scoped3A_787, %run_scoped3A_788, %mul3A_2, %dma_wait3A_853] : memref<4x4x1024x128xf32, #tpu.memory_space<hbm>> -> memref<1x1x32x128xf32, #tpu.memory_space<hbm>>
      %dma_wait3A_855 = tpu.memref_squeeze %dma_wait3A_854 : memref<1x1x32x128xf32, #tpu.memory_space<hbm>> -> memref<32x128xf32, #tpu.memory_space<hbm>>
      %dma_wait3A_856 = arith.constant 0 : i32
      %dma_wait3A_857 = tpu.memref_slice %arg4[%run_scoped3A_787, %run_scoped3A_788, %mul3A_2, %dma_wait3A_856] : memref<4x4x1024x128xf32, #tpu.memory_space<hbm>> -> memref<1x1x32x128xf32, #tpu.memory_space<hbm>>
      %dma_wait3A_858 = tpu.memref_squeeze %dma_wait3A_857 : memref<1x1x32x128xf32, #tpu.memory_space<hbm>> -> memref<32x128xf32, #tpu.memory_space<hbm>>
      %dma_wait3A_859 = arith.constant 0 : i32
      %dma_wait3A_860 = arith.constant 0 : i32
      %dma_wait3A_861 = tpu.memref_slice %arg8[%run_scoped3A, %dma_wait3A_859, %dma_wait3A_860] : memref<16x32x128xf32, #tpu.memory_space<vmem>> -> memref<1x32x128xf32, #tpu.memory_space<vmem>>
      %dma_wait3A_862 = tpu.memref_squeeze %dma_wait3A_861 : memref<1x32x128xf32, #tpu.memory_space<vmem>> -> memref<32x128xf32, #tpu.memory_space<vmem>>
      tpu.wait_dma2 semaphore(%run_scoped3A_834 : memref<!tpu.dma_semaphore, #tpu.memory_space<semaphore_mem>>) src(%dma_wait3A_862 : memref<32x128xf32, #tpu.memory_space<vmem>>) dst(%dma_wait3A_858 : memref<32x128xf32, #tpu.memory_space<hbm>>)
      tpu.yield
    }) : () -> ()
    %run_scoped3A_789 = arith.constant 1 : i32
    %run_scoped3A_790 = arith.constant 0 : i32
    %run_scoped3A_791 = arith.constant 1 : i32
    "tpu.region"() ({
      %run_scoped3A_834 = tpu.sem_alloc : memref<!tpu.dma_semaphore, #tpu.memory_space<semaphore_mem>>
      %dma_start3A_835 = arith.constant 0 : i32
      %dma_start3A_836 = arith.constant 0 : i32
      %dma_start3A_837 = tpu.memref_slice %arg8[%run_scoped3A_789, %dma_start3A_835, %dma_start3A_836] : memref<16x32x128xf32, #tpu.memory_space<vmem>> -> memref<1x32x128xf32, #tpu.memory_space<vmem>>
      %dma_start3A_838 = tpu.memref_squeeze %dma_start3A_837 : memref<1x32x128xf32, #tpu.memory_space<vmem>> -> memref<32x128xf32, #tpu.memory_space<vmem>>
      %dma_start3A_839 = arith.constant 0 : i32
      %dma_start3A_840 = tpu.memref_slice %arg4[%run_scoped3A_790, %run_scoped3A_791, %mul3A_2, %dma_start3A_839] : memref<4x4x1024x128xf32, #tpu.memory_space<hbm>> -> memref<1x1x32x128xf32, #tpu.memory_space<hbm>>
      %dma_start3A_841 = tpu.memref_squeeze %dma_start3A_840 : memref<1x1x32x128xf32, #tpu.memory_space<hbm>> -> memref<32x128xf32, #tpu.memory_space<hbm>>
      %dma_start3A_842 = arith.constant 0 : i32
      %dma_start3A_843 = tpu.memref_slice %arg4[%run_scoped3A_790, %run_scoped3A_791, %mul3A_2, %dma_start3A_842] : memref<4x4x1024x128xf32, #tpu.memory_space<hbm>> -> memref<1x1x32x128xf32, #tpu.memory_space<hbm>>
      %dma_start3A_844 = tpu.memref_squeeze %dma_start3A_843 : memref<1x1x32x128xf32, #tpu.memory_space<hbm>> -> memref<32x128xf32, #tpu.memory_space<hbm>>
      %dma_start3A_845 = arith.constant 0 : i32
      %dma_start3A_846 = arith.constant 0 : i32
      %dma_start3A_847 = tpu.memref_slice %arg8[%run_scoped3A_789, %dma_start3A_845, %dma_start3A_846] : memref<16x32x128xf32, #tpu.memory_space<vmem>> -> memref<1x32x128xf32, #tpu.memory_space<vmem>>
      %dma_start3A_848 = tpu.memref_squeeze %dma_start3A_847 : memref<1x32x128xf32, #tpu.memory_space<vmem>> -> memref<32x128xf32, #tpu.memory_space<vmem>>
      tpu.enqueue_dma source(%dma_start3A_848 : memref<32x128xf32, #tpu.memory_space<vmem>>) target(%dma_start3A_844 : memref<32x128xf32, #tpu.memory_space<hbm>>) target_semaphore(%run_scoped3A_834 : memref<!tpu.dma_semaphore, #tpu.memory_space<semaphore_mem>>)
      %dma_wait3A_849 = arith.constant 0 : i32
      %dma_wait3A_850 = arith.constant 0 : i32
      %dma_wait3A_851 = tpu.memref_slice %arg8[%run_scoped3A_789, %dma_wait3A_849, %dma_wait3A_850] : memref<16x32x128xf32, #tpu.memory_space<vmem>> -> memref<1x32x128xf32, #tpu.memory_space<vmem>>
      %dma_wait3A_852 = tpu.memref_squeeze %dma_wait3A_851 : memref<1x32x128xf32, #tpu.memory_space<vmem>> -> memref<32x128xf32, #tpu.memory_space<vmem>>
      %dma_wait3A_853 = arith.constant 0 : i32
      %dma_wait3A_854 = tpu.memref_slice %arg4[%run_scoped3A_790, %run_scoped3A_791, %mul3A_2, %dma_wait3A_853] : memref<4x4x1024x128xf32, #tpu.memory_space<hbm>> -> memref<1x1x32x128xf32, #tpu.memory_space<hbm>>
      %dma_wait3A_855 = tpu.memref_squeeze %dma_wait3A_854 : memref<1x1x32x128xf32, #tpu.memory_space<hbm>> -> memref<32x128xf32, #tpu.memory_space<hbm>>
      %dma_wait3A_856 = arith.constant 0 : i32
      %dma_wait3A_857 = tpu.memref_slice %arg4[%run_scoped3A_790, %run_scoped3A_791, %mul3A_2, %dma_wait3A_856] : memref<4x4x1024x128xf32, #tpu.memory_space<hbm>> -> memref<1x1x32x128xf32, #tpu.memory_space<hbm>>
      %dma_wait3A_858 = tpu.memref_squeeze %dma_wait3A_857 : memref<1x1x32x128xf32, #tpu.memory_space<hbm>> -> memref<32x128xf32, #tpu.memory_space<hbm>>
      %dma_wait3A_859 = arith.constant 0 : i32
      %dma_wait3A_860 = arith.constant 0 : i32
      %dma_wait3A_861 = tpu.memref_slice %arg8[%run_scoped3A_789, %dma_wait3A_859, %dma_wait3A_860] : memref<16x32x128xf32, #tpu.memory_space<vmem>> -> memref<1x32x128xf32, #tpu.memory_space<vmem>>
      %dma_wait3A_862 = tpu.memref_squeeze %dma_wait3A_861 : memref<1x32x128xf32, #tpu.memory_space<vmem>> -> memref<32x128xf32, #tpu.memory_space<vmem>>
      tpu.wait_dma2 semaphore(%run_scoped3A_834 : memref<!tpu.dma_semaphore, #tpu.memory_space<semaphore_mem>>) src(%dma_wait3A_862 : memref<32x128xf32, #tpu.memory_space<vmem>>) dst(%dma_wait3A_858 : memref<32x128xf32, #tpu.memory_space<hbm>>)
      tpu.yield
    }) : () -> ()
    %run_scoped3A_792 = arith.constant 2 : i32
    %run_scoped3A_793 = arith.constant 0 : i32
    %run_scoped3A_794 = arith.constant 2 : i32
    "tpu.region"() ({
      %run_scoped3A_834 = tpu.sem_alloc : memref<!tpu.dma_semaphore, #tpu.memory_space<semaphore_mem>>
      %dma_start3A_835 = arith.constant 0 : i32
      %dma_start3A_836 = arith.constant 0 : i32
      %dma_start3A_837 = tpu.memref_slice %arg8[%run_scoped3A_792, %dma_start3A_835, %dma_start3A_836] : memref<16x32x128xf32, #tpu.memory_space<vmem>> -> memref<1x32x128xf32, #tpu.memory_space<vmem>>
      %dma_start3A_838 = tpu.memref_squeeze %dma_start3A_837 : memref<1x32x128xf32, #tpu.memory_space<vmem>> -> memref<32x128xf32, #tpu.memory_space<vmem>>
      %dma_start3A_839 = arith.constant 0 : i32
      %dma_start3A_840 = tpu.memref_slice %arg4[%run_scoped3A_793, %run_scoped3A_794, %mul3A_2, %dma_start3A_839] : memref<4x4x1024x128xf32, #tpu.memory_space<hbm>> -> memref<1x1x32x128xf32, #tpu.memory_space<hbm>>
      %dma_start3A_841 = tpu.memref_squeeze %dma_start3A_840 : memref<1x1x32x128xf32, #tpu.memory_space<hbm>> -> memref<32x128xf32, #tpu.memory_space<hbm>>
      %dma_start3A_842 = arith.constant 0 : i32
      %dma_start3A_843 = tpu.memref_slice %arg4[%run_scoped3A_793, %run_scoped3A_794, %mul3A_2, %dma_start3A_842] : memref<4x4x1024x128xf32, #tpu.memory_space<hbm>> -> memref<1x1x32x128xf32, #tpu.memory_space<hbm>>
      %dma_start3A_844 = tpu.memref_squeeze %dma_start3A_843 : memref<1x1x32x128xf32, #tpu.memory_space<hbm>> -> memref<32x128xf32, #tpu.memory_space<hbm>>
      %dma_start3A_845 = arith.constant 0 : i32
      %dma_start3A_846 = arith.constant 0 : i32
      %dma_start3A_847 = tpu.memref_slice %arg8[%run_scoped3A_792, %dma_start3A_845, %dma_start3A_846] : memref<16x32x128xf32, #tpu.memory_space<vmem>> -> memref<1x32x128xf32, #tpu.memory_space<vmem>>
      %dma_start3A_848 = tpu.memref_squeeze %dma_start3A_847 : memref<1x32x128xf32, #tpu.memory_space<vmem>> -> memref<32x128xf32, #tpu.memory_space<vmem>>
      tpu.enqueue_dma source(%dma_start3A_848 : memref<32x128xf32, #tpu.memory_space<vmem>>) target(%dma_start3A_844 : memref<32x128xf32, #tpu.memory_space<hbm>>) target_semaphore(%run_scoped3A_834 : memref<!tpu.dma_semaphore, #tpu.memory_space<semaphore_mem>>)
      %dma_wait3A_849 = arith.constant 0 : i32
      %dma_wait3A_850 = arith.constant 0 : i32
      %dma_wait3A_851 = tpu.memref_slice %arg8[%run_scoped3A_792, %dma_wait3A_849, %dma_wait3A_850] : memref<16x32x128xf32, #tpu.memory_space<vmem>> -> memref<1x32x128xf32, #tpu.memory_space<vmem>>
      %dma_wait3A_852 = tpu.memref_squeeze %dma_wait3A_851 : memref<1x32x128xf32, #tpu.memory_space<vmem>> -> memref<32x128xf32, #tpu.memory_space<vmem>>
      %dma_wait3A_853 = arith.constant 0 : i32
      %dma_wait3A_854 = tpu.memref_slice %arg4[%run_scoped3A_793, %run_scoped3A_794, %mul3A_2, %dma_wait3A_853] : memref<4x4x1024x128xf32, #tpu.memory_space<hbm>> -> memref<1x1x32x128xf32, #tpu.memory_space<hbm>>
      %dma_wait3A_855 = tpu.memref_squeeze %dma_wait3A_854 : memref<1x1x32x128xf32, #tpu.memory_space<hbm>> -> memref<32x128xf32, #tpu.memory_space<hbm>>
      %dma_wait3A_856 = arith.constant 0 : i32
      %dma_wait3A_857 = tpu.memref_slice %arg4[%run_scoped3A_793, %run_scoped3A_794, %mul3A_2, %dma_wait3A_856] : memref<4x4x1024x128xf32, #tpu.memory_space<hbm>> -> memref<1x1x32x128xf32, #tpu.memory_space<hbm>>
      %dma_wait3A_858 = tpu.memref_squeeze %dma_wait3A_857 : memref<1x1x32x128xf32, #tpu.memory_space<hbm>> -> memref<32x128xf32, #tpu.memory_space<hbm>>
      %dma_wait3A_859 = arith.constant 0 : i32
      %dma_wait3A_860 = arith.constant 0 : i32
      %dma_wait3A_861 = tpu.memref_slice %arg8[%run_scoped3A_792, %dma_wait3A_859, %dma_wait3A_860] : memref<16x32x128xf32, #tpu.memory_space<vmem>> -> memref<1x32x128xf32, #tpu.memory_space<vmem>>
      %dma_wait3A_862 = tpu.memref_squeeze %dma_wait3A_861 : memref<1x32x128xf32, #tpu.memory_space<vmem>> -> memref<32x128xf32, #tpu.memory_space<vmem>>
      tpu.wait_dma2 semaphore(%run_scoped3A_834 : memref<!tpu.dma_semaphore, #tpu.memory_space<semaphore_mem>>) src(%dma_wait3A_862 : memref<32x128xf32, #tpu.memory_space<vmem>>) dst(%dma_wait3A_858 : memref<32x128xf32, #tpu.memory_space<hbm>>)
      tpu.yield
    }) : () -> ()
    %run_scoped3A_795 = arith.constant 3 : i32
    %run_scoped3A_796 = arith.constant 0 : i32
    %run_scoped3A_797 = arith.constant 3 : i32
    "tpu.region"() ({
      %run_scoped3A_834 = tpu.sem_alloc : memref<!tpu.dma_semaphore, #tpu.memory_space<semaphore_mem>>
      %dma_start3A_835 = arith.constant 0 : i32
      %dma_start3A_836 = arith.constant 0 : i32
      %dma_start3A_837 = tpu.memref_slice %arg8[%run_scoped3A_795, %dma_start3A_835, %dma_start3A_836] : memref<16x32x128xf32, #tpu.memory_space<vmem>> -> memref<1x32x128xf32, #tpu.memory_space<vmem>>
      %dma_start3A_838 = tpu.memref_squeeze %dma_start3A_837 : memref<1x32x128xf32, #tpu.memory_space<vmem>> -> memref<32x128xf32, #tpu.memory_space<vmem>>
      %dma_start3A_839 = arith.constant 0 : i32
      %dma_start3A_840 = tpu.memref_slice %arg4[%run_scoped3A_796, %run_scoped3A_797, %mul3A_2, %dma_start3A_839] : memref<4x4x1024x128xf32, #tpu.memory_space<hbm>> -> memref<1x1x32x128xf32, #tpu.memory_space<hbm>>
      %dma_start3A_841 = tpu.memref_squeeze %dma_start3A_840 : memref<1x1x32x128xf32, #tpu.memory_space<hbm>> -> memref<32x128xf32, #tpu.memory_space<hbm>>
      %dma_start3A_842 = arith.constant 0 : i32
      %dma_start3A_843 = tpu.memref_slice %arg4[%run_scoped3A_796, %run_scoped3A_797, %mul3A_2, %dma_start3A_842] : memref<4x4x1024x128xf32, #tpu.memory_space<hbm>> -> memref<1x1x32x128xf32, #tpu.memory_space<hbm>>
      %dma_start3A_844 = tpu.memref_squeeze %dma_start3A_843 : memref<1x1x32x128xf32, #tpu.memory_space<hbm>> -> memref<32x128xf32, #tpu.memory_space<hbm>>
      %dma_start3A_845 = arith.constant 0 : i32
      %dma_start3A_846 = arith.constant 0 : i32
      %dma_start3A_847 = tpu.memref_slice %arg8[%run_scoped3A_795, %dma_start3A_845, %dma_start3A_846] : memref<16x32x128xf32, #tpu.memory_space<vmem>> -> memref<1x32x128xf32, #tpu.memory_space<vmem>>
      %dma_start3A_848 = tpu.memref_squeeze %dma_start3A_847 : memref<1x32x128xf32, #tpu.memory_space<vmem>> -> memref<32x128xf32, #tpu.memory_space<vmem>>
      tpu.enqueue_dma source(%dma_start3A_848 : memref<32x128xf32, #tpu.memory_space<vmem>>) target(%dma_start3A_844 : memref<32x128xf32, #tpu.memory_space<hbm>>) target_semaphore(%run_scoped3A_834 : memref<!tpu.dma_semaphore, #tpu.memory_space<semaphore_mem>>)
      %dma_wait3A_849 = arith.constant 0 : i32
      %dma_wait3A_850 = arith.constant 0 : i32
      %dma_wait3A_851 = tpu.memref_slice %arg8[%run_scoped3A_795, %dma_wait3A_849, %dma_wait3A_850] : memref<16x32x128xf32, #tpu.memory_space<vmem>> -> memref<1x32x128xf32, #tpu.memory_space<vmem>>
      %dma_wait3A_852 = tpu.memref_squeeze %dma_wait3A_851 : memref<1x32x128xf32, #tpu.memory_space<vmem>> -> memref<32x128xf32, #tpu.memory_space<vmem>>
      %dma_wait3A_853 = arith.constant 0 : i32
      %dma_wait3A_854 = tpu.memref_slice %arg4[%run_scoped3A_796, %run_scoped3A_797, %mul3A_2, %dma_wait3A_853] : memref<4x4x1024x128xf32, #tpu.memory_space<hbm>> -> memref<1x1x32x128xf32, #tpu.memory_space<hbm>>
      %dma_wait3A_855 = tpu.memref_squeeze %dma_wait3A_854 : memref<1x1x32x128xf32, #tpu.memory_space<hbm>> -> memref<32x128xf32, #tpu.memory_space<hbm>>
      %dma_wait3A_856 = arith.constant 0 : i32
      %dma_wait3A_857 = tpu.memref_slice %arg4[%run_scoped3A_796, %run_scoped3A_797, %mul3A_2, %dma_wait3A_856] : memref<4x4x1024x128xf32, #tpu.memory_space<hbm>> -> memref<1x1x32x128xf32, #tpu.memory_space<hbm>>
      %dma_wait3A_858 = tpu.memref_squeeze %dma_wait3A_857 : memref<1x1x32x128xf32, #tpu.memory_space<hbm>> -> memref<32x128xf32, #tpu.memory_space<hbm>>
      %dma_wait3A_859 = arith.constant 0 : i32
      %dma_wait3A_860 = arith.constant 0 : i32
      %dma_wait3A_861 = tpu.memref_slice %arg8[%run_scoped3A_795, %dma_wait3A_859, %dma_wait3A_860] : memref<16x32x128xf32, #tpu.memory_space<vmem>> -> memref<1x32x128xf32, #tpu.memory_space<vmem>>
      %dma_wait3A_862 = tpu.memref_squeeze %dma_wait3A_861 : memref<1x32x128xf32, #tpu.memory_space<vmem>> -> memref<32x128xf32, #tpu.memory_space<vmem>>
      tpu.wait_dma2 semaphore(%run_scoped3A_834 : memref<!tpu.dma_semaphore, #tpu.memory_space<semaphore_mem>>) src(%dma_wait3A_862 : memref<32x128xf32, #tpu.memory_space<vmem>>) dst(%dma_wait3A_858 : memref<32x128xf32, #tpu.memory_space<hbm>>)
      tpu.yield
    }) : () -> ()
    %run_scoped3A_798 = arith.constant 4 : i32
    %run_scoped3A_799 = arith.constant 1 : i32
    %run_scoped3A_800 = arith.constant 0 : i32
    "tpu.region"() ({
      %run_scoped3A_834 = tpu.sem_alloc : memref<!tpu.dma_semaphore, #tpu.memory_space<semaphore_mem>>
      %dma_start3A_835 = arith.constant 0 : i32
      %dma_start3A_836 = arith.constant 0 : i32
      %dma_start3A_837 = tpu.memref_slice %arg8[%run_scoped3A_798, %dma_start3A_835, %dma_start3A_836] : memref<16x32x128xf32, #tpu.memory_space<vmem>> -> memref<1x32x128xf32, #tpu.memory_space<vmem>>
      %dma_start3A_838 = tpu.memref_squeeze %dma_start3A_837 : memref<1x32x128xf32, #tpu.memory_space<vmem>> -> memref<32x128xf32, #tpu.memory_space<vmem>>
      %dma_start3A_839 = arith.constant 0 : i32
      %dma_start3A_840 = tpu.memref_slice %arg4[%run_scoped3A_799, %run_scoped3A_800, %mul3A_2, %dma_start3A_839] : memref<4x4x1024x128xf32, #tpu.memory_space<hbm>> -> memref<1x1x32x128xf32, #tpu.memory_space<hbm>>
      %dma_start3A_841 = tpu.memref_squeeze %dma_start3A_840 : memref<1x1x32x128xf32, #tpu.memory_space<hbm>> -> memref<32x128xf32, #tpu.memory_space<hbm>>
      %dma_start3A_842 = arith.constant 0 : i32
      %dma_start3A_843 = tpu.memref_slice %arg4[%run_scoped3A_799, %run_scoped3A_800, %mul3A_2, %dma_start3A_842] : memref<4x4x1024x128xf32, #tpu.memory_space<hbm>> -> memref<1x1x32x128xf32, #tpu.memory_space<hbm>>
      %dma_start3A_844 = tpu.memref_squeeze %dma_start3A_843 : memref<1x1x32x128xf32, #tpu.memory_space<hbm>> -> memref<32x128xf32, #tpu.memory_space<hbm>>
      %dma_start3A_845 = arith.constant 0 : i32
      %dma_start3A_846 = arith.constant 0 : i32
      %dma_start3A_847 = tpu.memref_slice %arg8[%run_scoped3A_798, %dma_start3A_845, %dma_start3A_846] : memref<16x32x128xf32, #tpu.memory_space<vmem>> -> memref<1x32x128xf32, #tpu.memory_space<vmem>>
      %dma_start3A_848 = tpu.memref_squeeze %dma_start3A_847 : memref<1x32x128xf32, #tpu.memory_space<vmem>> -> memref<32x128xf32, #tpu.memory_space<vmem>>
      tpu.enqueue_dma source(%dma_start3A_848 : memref<32x128xf32, #tpu.memory_space<vmem>>) target(%dma_start3A_844 : memref<32x128xf32, #tpu.memory_space<hbm>>) target_semaphore(%run_scoped3A_834 : memref<!tpu.dma_semaphore, #tpu.memory_space<semaphore_mem>>)
      %dma_wait3A_849 = arith.constant 0 : i32
      %dma_wait3A_850 = arith.constant 0 : i32
      %dma_wait3A_851 = tpu.memref_slice %arg8[%run_scoped3A_798, %dma_wait3A_849, %dma_wait3A_850] : memref<16x32x128xf32, #tpu.memory_space<vmem>> -> memref<1x32x128xf32, #tpu.memory_space<vmem>>
      %dma_wait3A_852 = tpu.memref_squeeze %dma_wait3A_851 : memref<1x32x128xf32, #tpu.memory_space<vmem>> -> memref<32x128xf32, #tpu.memory_space<vmem>>
      %dma_wait3A_853 = arith.constant 0 : i32
      %dma_wait3A_854 = tpu.memref_slice %arg4[%run_scoped3A_799, %run_scoped3A_800, %mul3A_2, %dma_wait3A_853] : memref<4x4x1024x128xf32, #tpu.memory_space<hbm>> -> memref<1x1x32x128xf32, #tpu.memory_space<hbm>>
      %dma_wait3A_855 = tpu.memref_squeeze %dma_wait3A_854 : memref<1x1x32x128xf32, #tpu.memory_space<hbm>> -> memref<32x128xf32, #tpu.memory_space<hbm>>
      %dma_wait3A_856 = arith.constant 0 : i32
      %dma_wait3A_857 = tpu.memref_slice %arg4[%run_scoped3A_799, %run_scoped3A_800, %mul3A_2, %dma_wait3A_856] : memref<4x4x1024x128xf32, #tpu.memory_space<hbm>> -> memref<1x1x32x128xf32, #tpu.memory_space<hbm>>
      %dma_wait3A_858 = tpu.memref_squeeze %dma_wait3A_857 : memref<1x1x32x128xf32, #tpu.memory_space<hbm>> -> memref<32x128xf32, #tpu.memory_space<hbm>>
      %dma_wait3A_859 = arith.constant 0 : i32
      %dma_wait3A_860 = arith.constant 0 : i32
      %dma_wait3A_861 = tpu.memref_slice %arg8[%run_scoped3A_798, %dma_wait3A_859, %dma_wait3A_860] : memref<16x32x128xf32, #tpu.memory_space<vmem>> -> memref<1x32x128xf32, #tpu.memory_space<vmem>>
      %dma_wait3A_862 = tpu.memref_squeeze %dma_wait3A_861 : memref<1x32x128xf32, #tpu.memory_space<vmem>> -> memref<32x128xf32, #tpu.memory_space<vmem>>
      tpu.wait_dma2 semaphore(%run_scoped3A_834 : memref<!tpu.dma_semaphore, #tpu.memory_space<semaphore_mem>>) src(%dma_wait3A_862 : memref<32x128xf32, #tpu.memory_space<vmem>>) dst(%dma_wait3A_858 : memref<32x128xf32, #tpu.memory_space<hbm>>)
      tpu.yield
    }) : () -> ()
    %run_scoped3A_801 = arith.constant 5 : i32
    %run_scoped3A_802 = arith.constant 1 : i32
    %run_scoped3A_803 = arith.constant 1 : i32
    "tpu.region"() ({
      %run_scoped3A_834 = tpu.sem_alloc : memref<!tpu.dma_semaphore, #tpu.memory_space<semaphore_mem>>
      %dma_start3A_835 = arith.constant 0 : i32
      %dma_start3A_836 = arith.constant 0 : i32
      %dma_start3A_837 = tpu.memref_slice %arg8[%run_scoped3A_801, %dma_start3A_835, %dma_start3A_836] : memref<16x32x128xf32, #tpu.memory_space<vmem>> -> memref<1x32x128xf32, #tpu.memory_space<vmem>>
      %dma_start3A_838 = tpu.memref_squeeze %dma_start3A_837 : memref<1x32x128xf32, #tpu.memory_space<vmem>> -> memref<32x128xf32, #tpu.memory_space<vmem>>
      %dma_start3A_839 = arith.constant 0 : i32
      %dma_start3A_840 = tpu.memref_slice %arg4[%run_scoped3A_802, %run_scoped3A_803, %mul3A_2, %dma_start3A_839] : memref<4x4x1024x128xf32, #tpu.memory_space<hbm>> -> memref<1x1x32x128xf32, #tpu.memory_space<hbm>>
      %dma_start3A_841 = tpu.memref_squeeze %dma_start3A_840 : memref<1x1x32x128xf32, #tpu.memory_space<hbm>> -> memref<32x128xf32, #tpu.memory_space<hbm>>
      %dma_start3A_842 = arith.constant 0 : i32
      %dma_start3A_843 = tpu.memref_slice %arg4[%run_scoped3A_802, %run_scoped3A_803, %mul3A_2, %dma_start3A_842] : memref<4x4x1024x128xf32, #tpu.memory_space<hbm>> -> memref<1x1x32x128xf32, #tpu.memory_space<hbm>>
      %dma_start3A_844 = tpu.memref_squeeze %dma_start3A_843 : memref<1x1x32x128xf32, #tpu.memory_space<hbm>> -> memref<32x128xf32, #tpu.memory_space<hbm>>
      %dma_start3A_845 = arith.constant 0 : i32
      %dma_start3A_846 = arith.constant 0 : i32
      %dma_start3A_847 = tpu.memref_slice %arg8[%run_scoped3A_801, %dma_start3A_845, %dma_start3A_846] : memref<16x32x128xf32, #tpu.memory_space<vmem>> -> memref<1x32x128xf32, #tpu.memory_space<vmem>>
      %dma_start3A_848 = tpu.memref_squeeze %dma_start3A_847 : memref<1x32x128xf32, #tpu.memory_space<vmem>> -> memref<32x128xf32, #tpu.memory_space<vmem>>
      tpu.enqueue_dma source(%dma_start3A_848 : memref<32x128xf32, #tpu.memory_space<vmem>>) target(%dma_start3A_844 : memref<32x128xf32, #tpu.memory_space<hbm>>) target_semaphore(%run_scoped3A_834 : memref<!tpu.dma_semaphore, #tpu.memory_space<semaphore_mem>>)
      %dma_wait3A_849 = arith.constant 0 : i32
      %dma_wait3A_850 = arith.constant 0 : i32
      %dma_wait3A_851 = tpu.memref_slice %arg8[%run_scoped3A_801, %dma_wait3A_849, %dma_wait3A_850] : memref<16x32x128xf32, #tpu.memory_space<vmem>> -> memref<1x32x128xf32, #tpu.memory_space<vmem>>
      %dma_wait3A_852 = tpu.memref_squeeze %dma_wait3A_851 : memref<1x32x128xf32, #tpu.memory_space<vmem>> -> memref<32x128xf32, #tpu.memory_space<vmem>>
      %dma_wait3A_853 = arith.constant 0 : i32
      %dma_wait3A_854 = tpu.memref_slice %arg4[%run_scoped3A_802, %run_scoped3A_803, %mul3A_2, %dma_wait3A_853] : memref<4x4x1024x128xf32, #tpu.memory_space<hbm>> -> memref<1x1x32x128xf32, #tpu.memory_space<hbm>>
      %dma_wait3A_855 = tpu.memref_squeeze %dma_wait3A_854 : memref<1x1x32x128xf32, #tpu.memory_space<hbm>> -> memref<32x128xf32, #tpu.memory_space<hbm>>
      %dma_wait3A_856 = arith.constant 0 : i32
      %dma_wait3A_857 = tpu.memref_slice %arg4[%run_scoped3A_802, %run_scoped3A_803, %mul3A_2, %dma_wait3A_856] : memref<4x4x1024x128xf32, #tpu.memory_space<hbm>> -> memref<1x1x32x128xf32, #tpu.memory_space<hbm>>
      %dma_wait3A_858 = tpu.memref_squeeze %dma_wait3A_857 : memref<1x1x32x128xf32, #tpu.memory_space<hbm>> -> memref<32x128xf32, #tpu.memory_space<hbm>>
      %dma_wait3A_859 = arith.constant 0 : i32
      %dma_wait3A_860 = arith.constant 0 : i32
      %dma_wait3A_861 = tpu.memref_slice %arg8[%run_scoped3A_801, %dma_wait3A_859, %dma_wait3A_860] : memref<16x32x128xf32, #tpu.memory_space<vmem>> -> memref<1x32x128xf32, #tpu.memory_space<vmem>>
      %dma_wait3A_862 = tpu.memref_squeeze %dma_wait3A_861 : memref<1x32x128xf32, #tpu.memory_space<vmem>> -> memref<32x128xf32, #tpu.memory_space<vmem>>
      tpu.wait_dma2 semaphore(%run_scoped3A_834 : memref<!tpu.dma_semaphore, #tpu.memory_space<semaphore_mem>>) src(%dma_wait3A_862 : memref<32x128xf32, #tpu.memory_space<vmem>>) dst(%dma_wait3A_858 : memref<32x128xf32, #tpu.memory_space<hbm>>)
      tpu.yield
    }) : () -> ()
    %run_scoped3A_804 = arith.constant 6 : i32
    %run_scoped3A_805 = arith.constant 1 : i32
    %run_scoped3A_806 = arith.constant 2 : i32
    "tpu.region"() ({
      %run_scoped3A_834 = tpu.sem_alloc : memref<!tpu.dma_semaphore, #tpu.memory_space<semaphore_mem>>
      %dma_start3A_835 = arith.constant 0 : i32
      %dma_start3A_836 = arith.constant 0 : i32
      %dma_start3A_837 = tpu.memref_slice %arg8[%run_scoped3A_804, %dma_start3A_835, %dma_start3A_836] : memref<16x32x128xf32, #tpu.memory_space<vmem>> -> memref<1x32x128xf32, #tpu.memory_space<vmem>>
      %dma_start3A_838 = tpu.memref_squeeze %dma_start3A_837 : memref<1x32x128xf32, #tpu.memory_space<vmem>> -> memref<32x128xf32, #tpu.memory_space<vmem>>
      %dma_start3A_839 = arith.constant 0 : i32
      %dma_start3A_840 = tpu.memref_slice %arg4[%run_scoped3A_805, %run_scoped3A_806, %mul3A_2, %dma_start3A_839] : memref<4x4x1024x128xf32, #tpu.memory_space<hbm>> -> memref<1x1x32x128xf32, #tpu.memory_space<hbm>>
      %dma_start3A_841 = tpu.memref_squeeze %dma_start3A_840 : memref<1x1x32x128xf32, #tpu.memory_space<hbm>> -> memref<32x128xf32, #tpu.memory_space<hbm>>
      %dma_start3A_842 = arith.constant 0 : i32
      %dma_start3A_843 = tpu.memref_slice %arg4[%run_scoped3A_805, %run_scoped3A_806, %mul3A_2, %dma_start3A_842] : memref<4x4x1024x128xf32, #tpu.memory_space<hbm>> -> memref<1x1x32x128xf32, #tpu.memory_space<hbm>>
      %dma_start3A_844 = tpu.memref_squeeze %dma_start3A_843 : memref<1x1x32x128xf32, #tpu.memory_space<hbm>> -> memref<32x128xf32, #tpu.memory_space<hbm>>
      %dma_start3A_845 = arith.constant 0 : i32
      %dma_start3A_846 = arith.constant 0 : i32
      %dma_start3A_847 = tpu.memref_slice %arg8[%run_scoped3A_804, %dma_start3A_845, %dma_start3A_846] : memref<16x32x128xf32, #tpu.memory_space<vmem>> -> memref<1x32x128xf32, #tpu.memory_space<vmem>>
      %dma_start3A_848 = tpu.memref_squeeze %dma_start3A_847 : memref<1x32x128xf32, #tpu.memory_space<vmem>> -> memref<32x128xf32, #tpu.memory_space<vmem>>
      tpu.enqueue_dma source(%dma_start3A_848 : memref<32x128xf32, #tpu.memory_space<vmem>>) target(%dma_start3A_844 : memref<32x128xf32, #tpu.memory_space<hbm>>) target_semaphore(%run_scoped3A_834 : memref<!tpu.dma_semaphore, #tpu.memory_space<semaphore_mem>>)
      %dma_wait3A_849 = arith.constant 0 : i32
      %dma_wait3A_850 = arith.constant 0 : i32
      %dma_wait3A_851 = tpu.memref_slice %arg8[%run_scoped3A_804, %dma_wait3A_849, %dma_wait3A_850] : memref<16x32x128xf32, #tpu.memory_space<vmem>> -> memref<1x32x128xf32, #tpu.memory_space<vmem>>
      %dma_wait3A_852 = tpu.memref_squeeze %dma_wait3A_851 : memref<1x32x128xf32, #tpu.memory_space<vmem>> -> memref<32x128xf32, #tpu.memory_space<vmem>>
      %dma_wait3A_853 = arith.constant 0 : i32
      %dma_wait3A_854 = tpu.memref_slice %arg4[%run_scoped3A_805, %run_scoped3A_806, %mul3A_2, %dma_wait3A_853] : memref<4x4x1024x128xf32, #tpu.memory_space<hbm>> -> memref<1x1x32x128xf32, #tpu.memory_space<hbm>>
      %dma_wait3A_855 = tpu.memref_squeeze %dma_wait3A_854 : memref<1x1x32x128xf32, #tpu.memory_space<hbm>> -> memref<32x128xf32, #tpu.memory_space<hbm>>
      %dma_wait3A_856 = arith.constant 0 : i32
      %dma_wait3A_857 = tpu.memref_slice %arg4[%run_scoped3A_805, %run_scoped3A_806, %mul3A_2, %dma_wait3A_856] : memref<4x4x1024x128xf32, #tpu.memory_space<hbm>> -> memref<1x1x32x128xf32, #tpu.memory_space<hbm>>
      %dma_wait3A_858 = tpu.memref_squeeze %dma_wait3A_857 : memref<1x1x32x128xf32, #tpu.memory_space<hbm>> -> memref<32x128xf32, #tpu.memory_space<hbm>>
      %dma_wait3A_859 = arith.constant 0 : i32
      %dma_wait3A_860 = arith.constant 0 : i32
      %dma_wait3A_861 = tpu.memref_slice %arg8[%run_scoped3A_804, %dma_wait3A_859, %dma_wait3A_860] : memref<16x32x128xf32, #tpu.memory_space<vmem>> -> memref<1x32x128xf32, #tpu.memory_space<vmem>>
      %dma_wait3A_862 = tpu.memref_squeeze %dma_wait3A_861 : memref<1x32x128xf32, #tpu.memory_space<vmem>> -> memref<32x128xf32, #tpu.memory_space<vmem>>
      tpu.wait_dma2 semaphore(%run_scoped3A_834 : memref<!tpu.dma_semaphore, #tpu.memory_space<semaphore_mem>>) src(%dma_wait3A_862 : memref<32x128xf32, #tpu.memory_space<vmem>>) dst(%dma_wait3A_858 : memref<32x128xf32, #tpu.memory_space<hbm>>)
      tpu.yield
    }) : () -> ()
    %run_scoped3A_807 = arith.constant 7 : i32
    %run_scoped3A_808 = arith.constant 1 : i32
    %run_scoped3A_809 = arith.constant 3 : i32
    "tpu.region"() ({
      %run_scoped3A_834 = tpu.sem_alloc : memref<!tpu.dma_semaphore, #tpu.memory_space<semaphore_mem>>
      %dma_start3A_835 = arith.constant 0 : i32
      %dma_start3A_836 = arith.constant 0 : i32
      %dma_start3A_837 = tpu.memref_slice %arg8[%run_scoped3A_807, %dma_start3A_835, %dma_start3A_836] : memref<16x32x128xf32, #tpu.memory_space<vmem>> -> memref<1x32x128xf32, #tpu.memory_space<vmem>>
      %dma_start3A_838 = tpu.memref_squeeze %dma_start3A_837 : memref<1x32x128xf32, #tpu.memory_space<vmem>> -> memref<32x128xf32, #tpu.memory_space<vmem>>
      %dma_start3A_839 = arith.constant 0 : i32
      %dma_start3A_840 = tpu.memref_slice %arg4[%run_scoped3A_808, %run_scoped3A_809, %mul3A_2, %dma_start3A_839] : memref<4x4x1024x128xf32, #tpu.memory_space<hbm>> -> memref<1x1x32x128xf32, #tpu.memory_space<hbm>>
      %dma_start3A_841 = tpu.memref_squeeze %dma_start3A_840 : memref<1x1x32x128xf32, #tpu.memory_space<hbm>> -> memref<32x128xf32, #tpu.memory_space<hbm>>
      %dma_start3A_842 = arith.constant 0 : i32
      %dma_start3A_843 = tpu.memref_slice %arg4[%run_scoped3A_808, %run_scoped3A_809, %mul3A_2, %dma_start3A_842] : memref<4x4x1024x128xf32, #tpu.memory_space<hbm>> -> memref<1x1x32x128xf32, #tpu.memory_space<hbm>>
      %dma_start3A_844 = tpu.memref_squeeze %dma_start3A_843 : memref<1x1x32x128xf32, #tpu.memory_space<hbm>> -> memref<32x128xf32, #tpu.memory_space<hbm>>
      %dma_start3A_845 = arith.constant 0 : i32
      %dma_start3A_846 = arith.constant 0 : i32
      %dma_start3A_847 = tpu.memref_slice %arg8[%run_scoped3A_807, %dma_start3A_845, %dma_start3A_846] : memref<16x32x128xf32, #tpu.memory_space<vmem>> -> memref<1x32x128xf32, #tpu.memory_space<vmem>>
      %dma_start3A_848 = tpu.memref_squeeze %dma_start3A_847 : memref<1x32x128xf32, #tpu.memory_space<vmem>> -> memref<32x128xf32, #tpu.memory_space<vmem>>
      tpu.enqueue_dma source(%dma_start3A_848 : memref<32x128xf32, #tpu.memory_space<vmem>>) target(%dma_start3A_844 : memref<32x128xf32, #tpu.memory_space<hbm>>) target_semaphore(%run_scoped3A_834 : memref<!tpu.dma_semaphore, #tpu.memory_space<semaphore_mem>>)
      %dma_wait3A_849 = arith.constant 0 : i32
      %dma_wait3A_850 = arith.constant 0 : i32
      %dma_wait3A_851 = tpu.memref_slice %arg8[%run_scoped3A_807, %dma_wait3A_849, %dma_wait3A_850] : memref<16x32x128xf32, #tpu.memory_space<vmem>> -> memref<1x32x128xf32, #tpu.memory_space<vmem>>
      %dma_wait3A_852 = tpu.memref_squeeze %dma_wait3A_851 : memref<1x32x128xf32, #tpu.memory_space<vmem>> -> memref<32x128xf32, #tpu.memory_space<vmem>>
      %dma_wait3A_853 = arith.constant 0 : i32
      %dma_wait3A_854 = tpu.memref_slice %arg4[%run_scoped3A_808, %run_scoped3A_809, %mul3A_2, %dma_wait3A_853] : memref<4x4x1024x128xf32, #tpu.memory_space<hbm>> -> memref<1x1x32x128xf32, #tpu.memory_space<hbm>>
      %dma_wait3A_855 = tpu.memref_squeeze %dma_wait3A_854 : memref<1x1x32x128xf32, #tpu.memory_space<hbm>> -> memref<32x128xf32, #tpu.memory_space<hbm>>
      %dma_wait3A_856 = arith.constant 0 : i32
      %dma_wait3A_857 = tpu.memref_slice %arg4[%run_scoped3A_808, %run_scoped3A_809, %mul3A_2, %dma_wait3A_856] : memref<4x4x1024x128xf32, #tpu.memory_space<hbm>> -> memref<1x1x32x128xf32, #tpu.memory_space<hbm>>
      %dma_wait3A_858 = tpu.memref_squeeze %dma_wait3A_857 : memref<1x1x32x128xf32, #tpu.memory_space<hbm>> -> memref<32x128xf32, #tpu.memory_space<hbm>>
      %dma_wait3A_859 = arith.constant 0 : i32
      %dma_wait3A_860 = arith.constant 0 : i32
      %dma_wait3A_861 = tpu.memref_slice %arg8[%run_scoped3A_807, %dma_wait3A_859, %dma_wait3A_860] : memref<16x32x128xf32, #tpu.memory_space<vmem>> -> memref<1x32x128xf32, #tpu.memory_space<vmem>>
      %dma_wait3A_862 = tpu.memref_squeeze %dma_wait3A_861 : memref<1x32x128xf32, #tpu.memory_space<vmem>> -> memref<32x128xf32, #tpu.memory_space<vmem>>
      tpu.wait_dma2 semaphore(%run_scoped3A_834 : memref<!tpu.dma_semaphore, #tpu.memory_space<semaphore_mem>>) src(%dma_wait3A_862 : memref<32x128xf32, #tpu.memory_space<vmem>>) dst(%dma_wait3A_858 : memref<32x128xf32, #tpu.memory_space<hbm>>)
      tpu.yield
    }) : () -> ()
    %run_scoped3A_810 = arith.constant 8 : i32
    %run_scoped3A_811 = arith.constant 2 : i32
    %run_scoped3A_812 = arith.constant 0 : i32
    "tpu.region"() ({
      %run_scoped3A_834 = tpu.sem_alloc : memref<!tpu.dma_semaphore, #tpu.memory_space<semaphore_mem>>
      %dma_start3A_835 = arith.constant 0 : i32
      %dma_start3A_836 = arith.constant 0 : i32
      %dma_start3A_837 = tpu.memref_slice %arg8[%run_scoped3A_810, %dma_start3A_835, %dma_start3A_836] : memref<16x32x128xf32, #tpu.memory_space<vmem>> -> memref<1x32x128xf32, #tpu.memory_space<vmem>>
      %dma_start3A_838 = tpu.memref_squeeze %dma_start3A_837 : memref<1x32x128xf32, #tpu.memory_space<vmem>> -> memref<32x128xf32, #tpu.memory_space<vmem>>
      %dma_start3A_839 = arith.constant 0 : i32
      %dma_start3A_840 = tpu.memref_slice %arg4[%run_scoped3A_811, %run_scoped3A_812, %mul3A_2, %dma_start3A_839] : memref<4x4x1024x128xf32, #tpu.memory_space<hbm>> -> memref<1x1x32x128xf32, #tpu.memory_space<hbm>>
      %dma_start3A_841 = tpu.memref_squeeze %dma_start3A_840 : memref<1x1x32x128xf32, #tpu.memory_space<hbm>> -> memref<32x128xf32, #tpu.memory_space<hbm>>
      %dma_start3A_842 = arith.constant 0 : i32
      %dma_start3A_843 = tpu.memref_slice %arg4[%run_scoped3A_811, %run_scoped3A_812, %mul3A_2, %dma_start3A_842] : memref<4x4x1024x128xf32, #tpu.memory_space<hbm>> -> memref<1x1x32x128xf32, #tpu.memory_space<hbm>>
      %dma_start3A_844 = tpu.memref_squeeze %dma_start3A_843 : memref<1x1x32x128xf32, #tpu.memory_space<hbm>> -> memref<32x128xf32, #tpu.memory_space<hbm>>
      %dma_start3A_845 = arith.constant 0 : i32
      %dma_start3A_846 = arith.constant 0 : i32
      %dma_start3A_847 = tpu.memref_slice %arg8[%run_scoped3A_810, %dma_start3A_845, %dma_start3A_846] : memref<16x32x128xf32, #tpu.memory_space<vmem>> -> memref<1x32x128xf32, #tpu.memory_space<vmem>>
      %dma_start3A_848 = tpu.memref_squeeze %dma_start3A_847 : memref<1x32x128xf32, #tpu.memory_space<vmem>> -> memref<32x128xf32, #tpu.memory_space<vmem>>
      tpu.enqueue_dma source(%dma_start3A_848 : memref<32x128xf32, #tpu.memory_space<vmem>>) target(%dma_start3A_844 : memref<32x128xf32, #tpu.memory_space<hbm>>) target_semaphore(%run_scoped3A_834 : memref<!tpu.dma_semaphore, #tpu.memory_space<semaphore_mem>>)
      %dma_wait3A_849 = arith.constant 0 : i32
      %dma_wait3A_850 = arith.constant 0 : i32
      %dma_wait3A_851 = tpu.memref_slice %arg8[%run_scoped3A_810, %dma_wait3A_849, %dma_wait3A_850] : memref<16x32x128xf32, #tpu.memory_space<vmem>> -> memref<1x32x128xf32, #tpu.memory_space<vmem>>
      %dma_wait3A_852 = tpu.memref_squeeze %dma_wait3A_851 : memref<1x32x128xf32, #tpu.memory_space<vmem>> -> memref<32x128xf32, #tpu.memory_space<vmem>>
      %dma_wait3A_853 = arith.constant 0 : i32
      %dma_wait3A_854 = tpu.memref_slice %arg4[%run_scoped3A_811, %run_scoped3A_812, %mul3A_2, %dma_wait3A_853] : memref<4x4x1024x128xf32, #tpu.memory_space<hbm>> -> memref<1x1x32x128xf32, #tpu.memory_space<hbm>>
      %dma_wait3A_855 = tpu.memref_squeeze %dma_wait3A_854 : memref<1x1x32x128xf32, #tpu.memory_space<hbm>> -> memref<32x128xf32, #tpu.memory_space<hbm>>
      %dma_wait3A_856 = arith.constant 0 : i32
      %dma_wait3A_857 = tpu.memref_slice %arg4[%run_scoped3A_811, %run_scoped3A_812, %mul3A_2, %dma_wait3A_856] : memref<4x4x1024x128xf32, #tpu.memory_space<hbm>> -> memref<1x1x32x128xf32, #tpu.memory_space<hbm>>
      %dma_wait3A_858 = tpu.memref_squeeze %dma_wait3A_857 : memref<1x1x32x128xf32, #tpu.memory_space<hbm>> -> memref<32x128xf32, #tpu.memory_space<hbm>>
      %dma_wait3A_859 = arith.constant 0 : i32
      %dma_wait3A_860 = arith.constant 0 : i32
      %dma_wait3A_861 = tpu.memref_slice %arg8[%run_scoped3A_810, %dma_wait3A_859, %dma_wait3A_860] : memref<16x32x128xf32, #tpu.memory_space<vmem>> -> memref<1x32x128xf32, #tpu.memory_space<vmem>>
      %dma_wait3A_862 = tpu.memref_squeeze %dma_wait3A_861 : memref<1x32x128xf32, #tpu.memory_space<vmem>> -> memref<32x128xf32, #tpu.memory_space<vmem>>
      tpu.wait_dma2 semaphore(%run_scoped3A_834 : memref<!tpu.dma_semaphore, #tpu.memory_space<semaphore_mem>>) src(%dma_wait3A_862 : memref<32x128xf32, #tpu.memory_space<vmem>>) dst(%dma_wait3A_858 : memref<32x128xf32, #tpu.memory_space<hbm>>)
      tpu.yield
    }) : () -> ()
    %run_scoped3A_813 = arith.constant 9 : i32
    %run_scoped3A_814 = arith.constant 2 : i32
    %run_scoped3A_815 = arith.constant 1 : i32
    "tpu.region"() ({
      %run_scoped3A_834 = tpu.sem_alloc : memref<!tpu.dma_semaphore, #tpu.memory_space<semaphore_mem>>
      %dma_start3A_835 = arith.constant 0 : i32
      %dma_start3A_836 = arith.constant 0 : i32
      %dma_start3A_837 = tpu.memref_slice %arg8[%run_scoped3A_813, %dma_start3A_835, %dma_start3A_836] : memref<16x32x128xf32, #tpu.memory_space<vmem>> -> memref<1x32x128xf32, #tpu.memory_space<vmem>>
      %dma_start3A_838 = tpu.memref_squeeze %dma_start3A_837 : memref<1x32x128xf32, #tpu.memory_space<vmem>> -> memref<32x128xf32, #tpu.memory_space<vmem>>
      %dma_start3A_839 = arith.constant 0 : i32
      %dma_start3A_840 = tpu.memref_slice %arg4[%run_scoped3A_814, %run_scoped3A_815, %mul3A_2, %dma_start3A_839] : memref<4x4x1024x128xf32, #tpu.memory_space<hbm>> -> memref<1x1x32x128xf32, #tpu.memory_space<hbm>>
      %dma_start3A_841 = tpu.memref_squeeze %dma_start3A_840 : memref<1x1x32x128xf32, #tpu.memory_space<hbm>> -> memref<32x128xf32, #tpu.memory_space<hbm>>
      %dma_start3A_842 = arith.constant 0 : i32
      %dma_start3A_843 = tpu.memref_slice %arg4[%run_scoped3A_814, %run_scoped3A_815, %mul3A_2, %dma_start3A_842] : memref<4x4x1024x128xf32, #tpu.memory_space<hbm>> -> memref<1x1x32x128xf32, #tpu.memory_space<hbm>>
      %dma_start3A_844 = tpu.memref_squeeze %dma_start3A_843 : memref<1x1x32x128xf32, #tpu.memory_space<hbm>> -> memref<32x128xf32, #tpu.memory_space<hbm>>
      %dma_start3A_845 = arith.constant 0 : i32
      %dma_start3A_846 = arith.constant 0 : i32
      %dma_start3A_847 = tpu.memref_slice %arg8[%run_scoped3A_813, %dma_start3A_845, %dma_start3A_846] : memref<16x32x128xf32, #tpu.memory_space<vmem>> -> memref<1x32x128xf32, #tpu.memory_space<vmem>>
      %dma_start3A_848 = tpu.memref_squeeze %dma_start3A_847 : memref<1x32x128xf32, #tpu.memory_space<vmem>> -> memref<32x128xf32, #tpu.memory_space<vmem>>
      tpu.enqueue_dma source(%dma_start3A_848 : memref<32x128xf32, #tpu.memory_space<vmem>>) target(%dma_start3A_844 : memref<32x128xf32, #tpu.memory_space<hbm>>) target_semaphore(%run_scoped3A_834 : memref<!tpu.dma_semaphore, #tpu.memory_space<semaphore_mem>>)
      %dma_wait3A_849 = arith.constant 0 : i32
      %dma_wait3A_850 = arith.constant 0 : i32
      %dma_wait3A_851 = tpu.memref_slice %arg8[%run_scoped3A_813, %dma_wait3A_849, %dma_wait3A_850] : memref<16x32x128xf32, #tpu.memory_space<vmem>> -> memref<1x32x128xf32, #tpu.memory_space<vmem>>
      %dma_wait3A_852 = tpu.memref_squeeze %dma_wait3A_851 : memref<1x32x128xf32, #tpu.memory_space<vmem>> -> memref<32x128xf32, #tpu.memory_space<vmem>>
      %dma_wait3A_853 = arith.constant 0 : i32
      %dma_wait3A_854 = tpu.memref_slice %arg4[%run_scoped3A_814, %run_scoped3A_815, %mul3A_2, %dma_wait3A_853] : memref<4x4x1024x128xf32, #tpu.memory_space<hbm>> -> memref<1x1x32x128xf32, #tpu.memory_space<hbm>>
      %dma_wait3A_855 = tpu.memref_squeeze %dma_wait3A_854 : memref<1x1x32x128xf32, #tpu.memory_space<hbm>> -> memref<32x128xf32, #tpu.memory_space<hbm>>
      %dma_wait3A_856 = arith.constant 0 : i32
      %dma_wait3A_857 = tpu.memref_slice %arg4[%run_scoped3A_814, %run_scoped3A_815, %mul3A_2, %dma_wait3A_856] : memref<4x4x1024x128xf32, #tpu.memory_space<hbm>> -> memref<1x1x32x128xf32, #tpu.memory_space<hbm>>
      %dma_wait3A_858 = tpu.memref_squeeze %dma_wait3A_857 : memref<1x1x32x128xf32, #tpu.memory_space<hbm>> -> memref<32x128xf32, #tpu.memory_space<hbm>>
      %dma_wait3A_859 = arith.constant 0 : i32
      %dma_wait3A_860 = arith.constant 0 : i32
      %dma_wait3A_861 = tpu.memref_slice %arg8[%run_scoped3A_813, %dma_wait3A_859, %dma_wait3A_860] : memref<16x32x128xf32, #tpu.memory_space<vmem>> -> memref<1x32x128xf32, #tpu.memory_space<vmem>>
      %dma_wait3A_862 = tpu.memref_squeeze %dma_wait3A_861 : memref<1x32x128xf32, #tpu.memory_space<vmem>> -> memref<32x128xf32, #tpu.memory_space<vmem>>
      tpu.wait_dma2 semaphore(%run_scoped3A_834 : memref<!tpu.dma_semaphore, #tpu.memory_space<semaphore_mem>>) src(%dma_wait3A_862 : memref<32x128xf32, #tpu.memory_space<vmem>>) dst(%dma_wait3A_858 : memref<32x128xf32, #tpu.memory_space<hbm>>)
      tpu.yield
    }) : () -> ()
    %run_scoped3A_816 = arith.constant 10 : i32
    %run_scoped3A_817 = arith.constant 2 : i32
    %run_scoped3A_818 = arith.constant 2 : i32
    "tpu.region"() ({
      %run_scoped3A_834 = tpu.sem_alloc : memref<!tpu.dma_semaphore, #tpu.memory_space<semaphore_mem>>
      %dma_start3A_835 = arith.constant 0 : i32
      %dma_start3A_836 = arith.constant 0 : i32
      %dma_start3A_837 = tpu.memref_slice %arg8[%run_scoped3A_816, %dma_start3A_835, %dma_start3A_836] : memref<16x32x128xf32, #tpu.memory_space<vmem>> -> memref<1x32x128xf32, #tpu.memory_space<vmem>>
      %dma_start3A_838 = tpu.memref_squeeze %dma_start3A_837 : memref<1x32x128xf32, #tpu.memory_space<vmem>> -> memref<32x128xf32, #tpu.memory_space<vmem>>
      %dma_start3A_839 = arith.constant 0 : i32
      %dma_start3A_840 = tpu.memref_slice %arg4[%run_scoped3A_817, %run_scoped3A_818, %mul3A_2, %dma_start3A_839] : memref<4x4x1024x128xf32, #tpu.memory_space<hbm>> -> memref<1x1x32x128xf32, #tpu.memory_space<hbm>>
      %dma_start3A_841 = tpu.memref_squeeze %dma_start3A_840 : memref<1x1x32x128xf32, #tpu.memory_space<hbm>> -> memref<32x128xf32, #tpu.memory_space<hbm>>
      %dma_start3A_842 = arith.constant 0 : i32
      %dma_start3A_843 = tpu.memref_slice %arg4[%run_scoped3A_817, %run_scoped3A_818, %mul3A_2, %dma_start3A_842] : memref<4x4x1024x128xf32, #tpu.memory_space<hbm>> -> memref<1x1x32x128xf32, #tpu.memory_space<hbm>>
      %dma_start3A_844 = tpu.memref_squeeze %dma_start3A_843 : memref<1x1x32x128xf32, #tpu.memory_space<hbm>> -> memref<32x128xf32, #tpu.memory_space<hbm>>
      %dma_start3A_845 = arith.constant 0 : i32
      %dma_start3A_846 = arith.constant 0 : i32
      %dma_start3A_847 = tpu.memref_slice %arg8[%run_scoped3A_816, %dma_start3A_845, %dma_start3A_846] : memref<16x32x128xf32, #tpu.memory_space<vmem>> -> memref<1x32x128xf32, #tpu.memory_space<vmem>>
      %dma_start3A_848 = tpu.memref_squeeze %dma_start3A_847 : memref<1x32x128xf32, #tpu.memory_space<vmem>> -> memref<32x128xf32, #tpu.memory_space<vmem>>
      tpu.enqueue_dma source(%dma_start3A_848 : memref<32x128xf32, #tpu.memory_space<vmem>>) target(%dma_start3A_844 : memref<32x128xf32, #tpu.memory_space<hbm>>) target_semaphore(%run_scoped3A_834 : memref<!tpu.dma_semaphore, #tpu.memory_space<semaphore_mem>>)
      %dma_wait3A_849 = arith.constant 0 : i32
      %dma_wait3A_850 = arith.constant 0 : i32
      %dma_wait3A_851 = tpu.memref_slice %arg8[%run_scoped3A_816, %dma_wait3A_849, %dma_wait3A_850] : memref<16x32x128xf32, #tpu.memory_space<vmem>> -> memref<1x32x128xf32, #tpu.memory_space<vmem>>
      %dma_wait3A_852 = tpu.memref_squeeze %dma_wait3A_851 : memref<1x32x128xf32, #tpu.memory_space<vmem>> -> memref<32x128xf32, #tpu.memory_space<vmem>>
      %dma_wait3A_853 = arith.constant 0 : i32
      %dma_wait3A_854 = tpu.memref_slice %arg4[%run_scoped3A_817, %run_scoped3A_818, %mul3A_2, %dma_wait3A_853] : memref<4x4x1024x128xf32, #tpu.memory_space<hbm>> -> memref<1x1x32x128xf32, #tpu.memory_space<hbm>>
      %dma_wait3A_855 = tpu.memref_squeeze %dma_wait3A_854 : memref<1x1x32x128xf32, #tpu.memory_space<hbm>> -> memref<32x128xf32, #tpu.memory_space<hbm>>
      %dma_wait3A_856 = arith.constant 0 : i32
      %dma_wait3A_857 = tpu.memref_slice %arg4[%run_scoped3A_817, %run_scoped3A_818, %mul3A_2, %dma_wait3A_856] : memref<4x4x1024x128xf32, #tpu.memory_space<hbm>> -> memref<1x1x32x128xf32, #tpu.memory_space<hbm>>
      %dma_wait3A_858 = tpu.memref_squeeze %dma_wait3A_857 : memref<1x1x32x128xf32, #tpu.memory_space<hbm>> -> memref<32x128xf32, #tpu.memory_space<hbm>>
      %dma_wait3A_859 = arith.constant 0 : i32
      %dma_wait3A_860 = arith.constant 0 : i32
      %dma_wait3A_861 = tpu.memref_slice %arg8[%run_scoped3A_816, %dma_wait3A_859, %dma_wait3A_860] : memref<16x32x128xf32, #tpu.memory_space<vmem>> -> memref<1x32x128xf32, #tpu.memory_space<vmem>>
      %dma_wait3A_862 = tpu.memref_squeeze %dma_wait3A_861 : memref<1x32x128xf32, #tpu.memory_space<vmem>> -> memref<32x128xf32, #tpu.memory_space<vmem>>
      tpu.wait_dma2 semaphore(%run_scoped3A_834 : memref<!tpu.dma_semaphore, #tpu.memory_space<semaphore_mem>>) src(%dma_wait3A_862 : memref<32x128xf32, #tpu.memory_space<vmem>>) dst(%dma_wait3A_858 : memref<32x128xf32, #tpu.memory_space<hbm>>)
      tpu.yield
    }) : () -> ()
    %run_scoped3A_819 = arith.constant 11 : i32
    %run_scoped3A_820 = arith.constant 2 : i32
    %run_scoped3A_821 = arith.constant 3 : i32
    "tpu.region"() ({
      %run_scoped3A_834 = tpu.sem_alloc : memref<!tpu.dma_semaphore, #tpu.memory_space<semaphore_mem>>
      %dma_start3A_835 = arith.constant 0 : i32
      %dma_start3A_836 = arith.constant 0 : i32
      %dma_start3A_837 = tpu.memref_slice %arg8[%run_scoped3A_819, %dma_start3A_835, %dma_start3A_836] : memref<16x32x128xf32, #tpu.memory_space<vmem>> -> memref<1x32x128xf32, #tpu.memory_space<vmem>>
      %dma_start3A_838 = tpu.memref_squeeze %dma_start3A_837 : memref<1x32x128xf32, #tpu.memory_space<vmem>> -> memref<32x128xf32, #tpu.memory_space<vmem>>
      %dma_start3A_839 = arith.constant 0 : i32
      %dma_start3A_840 = tpu.memref_slice %arg4[%run_scoped3A_820, %run_scoped3A_821, %mul3A_2, %dma_start3A_839] : memref<4x4x1024x128xf32, #tpu.memory_space<hbm>> -> memref<1x1x32x128xf32, #tpu.memory_space<hbm>>
      %dma_start3A_841 = tpu.memref_squeeze %dma_start3A_840 : memref<1x1x32x128xf32, #tpu.memory_space<hbm>> -> memref<32x128xf32, #tpu.memory_space<hbm>>
      %dma_start3A_842 = arith.constant 0 : i32
      %dma_start3A_843 = tpu.memref_slice %arg4[%run_scoped3A_820, %run_scoped3A_821, %mul3A_2, %dma_start3A_842] : memref<4x4x1024x128xf32, #tpu.memory_space<hbm>> -> memref<1x1x32x128xf32, #tpu.memory_space<hbm>>
      %dma_start3A_844 = tpu.memref_squeeze %dma_start3A_843 : memref<1x1x32x128xf32, #tpu.memory_space<hbm>> -> memref<32x128xf32, #tpu.memory_space<hbm>>
      %dma_start3A_845 = arith.constant 0 : i32
      %dma_start3A_846 = arith.constant 0 : i32
      %dma_start3A_847 = tpu.memref_slice %arg8[%run_scoped3A_819, %dma_start3A_845, %dma_start3A_846] : memref<16x32x128xf32, #tpu.memory_space<vmem>> -> memref<1x32x128xf32, #tpu.memory_space<vmem>>
      %dma_start3A_848 = tpu.memref_squeeze %dma_start3A_847 : memref<1x32x128xf32, #tpu.memory_space<vmem>> -> memref<32x128xf32, #tpu.memory_space<vmem>>
      tpu.enqueue_dma source(%dma_start3A_848 : memref<32x128xf32, #tpu.memory_space<vmem>>) target(%dma_start3A_844 : memref<32x128xf32, #tpu.memory_space<hbm>>) target_semaphore(%run_scoped3A_834 : memref<!tpu.dma_semaphore, #tpu.memory_space<semaphore_mem>>)
      %dma_wait3A_849 = arith.constant 0 : i32
      %dma_wait3A_850 = arith.constant 0 : i32
      %dma_wait3A_851 = tpu.memref_slice %arg8[%run_scoped3A_819, %dma_wait3A_849, %dma_wait3A_850] : memref<16x32x128xf32, #tpu.memory_space<vmem>> -> memref<1x32x128xf32, #tpu.memory_space<vmem>>
      %dma_wait3A_852 = tpu.memref_squeeze %dma_wait3A_851 : memref<1x32x128xf32, #tpu.memory_space<vmem>> -> memref<32x128xf32, #tpu.memory_space<vmem>>
      %dma_wait3A_853 = arith.constant 0 : i32
      %dma_wait3A_854 = tpu.memref_slice %arg4[%run_scoped3A_820, %run_scoped3A_821, %mul3A_2, %dma_wait3A_853] : memref<4x4x1024x128xf32, #tpu.memory_space<hbm>> -> memref<1x1x32x128xf32, #tpu.memory_space<hbm>>
      %dma_wait3A_855 = tpu.memref_squeeze %dma_wait3A_854 : memref<1x1x32x128xf32, #tpu.memory_space<hbm>> -> memref<32x128xf32, #tpu.memory_space<hbm>>
      %dma_wait3A_856 = arith.constant 0 : i32
      %dma_wait3A_857 = tpu.memref_slice %arg4[%run_scoped3A_820, %run_scoped3A_821, %mul3A_2, %dma_wait3A_856] : memref<4x4x1024x128xf32, #tpu.memory_space<hbm>> -> memref<1x1x32x128xf32, #tpu.memory_space<hbm>>
      %dma_wait3A_858 = tpu.memref_squeeze %dma_wait3A_857 : memref<1x1x32x128xf32, #tpu.memory_space<hbm>> -> memref<32x128xf32, #tpu.memory_space<hbm>>
      %dma_wait3A_859 = arith.constant 0 : i32
      %dma_wait3A_860 = arith.constant 0 : i32
      %dma_wait3A_861 = tpu.memref_slice %arg8[%run_scoped3A_819, %dma_wait3A_859, %dma_wait3A_860] : memref<16x32x128xf32, #tpu.memory_space<vmem>> -> memref<1x32x128xf32, #tpu.memory_space<vmem>>
      %dma_wait3A_862 = tpu.memref_squeeze %dma_wait3A_861 : memref<1x32x128xf32, #tpu.memory_space<vmem>> -> memref<32x128xf32, #tpu.memory_space<vmem>>
      tpu.wait_dma2 semaphore(%run_scoped3A_834 : memref<!tpu.dma_semaphore, #tpu.memory_space<semaphore_mem>>) src(%dma_wait3A_862 : memref<32x128xf32, #tpu.memory_space<vmem>>) dst(%dma_wait3A_858 : memref<32x128xf32, #tpu.memory_space<hbm>>)
      tpu.yield
    }) : () -> ()
    %run_scoped3A_822 = arith.constant 12 : i32
    %run_scoped3A_823 = arith.constant 3 : i32
    %run_scoped3A_824 = arith.constant 0 : i32
    "tpu.region"() ({
      %run_scoped3A_834 = tpu.sem_alloc : memref<!tpu.dma_semaphore, #tpu.memory_space<semaphore_mem>>
      %dma_start3A_835 = arith.constant 0 : i32
      %dma_start3A_836 = arith.constant 0 : i32
      %dma_start3A_837 = tpu.memref_slice %arg8[%run_scoped3A_822, %dma_start3A_835, %dma_start3A_836] : memref<16x32x128xf32, #tpu.memory_space<vmem>> -> memref<1x32x128xf32, #tpu.memory_space<vmem>>
      %dma_start3A_838 = tpu.memref_squeeze %dma_start3A_837 : memref<1x32x128xf32, #tpu.memory_space<vmem>> -> memref<32x128xf32, #tpu.memory_space<vmem>>
      %dma_start3A_839 = arith.constant 0 : i32
      %dma_start3A_840 = tpu.memref_slice %arg4[%run_scoped3A_823, %run_scoped3A_824, %mul3A_2, %dma_start3A_839] : memref<4x4x1024x128xf32, #tpu.memory_space<hbm>> -> memref<1x1x32x128xf32, #tpu.memory_space<hbm>>
      %dma_start3A_841 = tpu.memref_squeeze %dma_start3A_840 : memref<1x1x32x128xf32, #tpu.memory_space<hbm>> -> memref<32x128xf32, #tpu.memory_space<hbm>>
      %dma_start3A_842 = arith.constant 0 : i32
      %dma_start3A_843 = tpu.memref_slice %arg4[%run_scoped3A_823, %run_scoped3A_824, %mul3A_2, %dma_start3A_842] : memref<4x4x1024x128xf32, #tpu.memory_space<hbm>> -> memref<1x1x32x128xf32, #tpu.memory_space<hbm>>
      %dma_start3A_844 = tpu.memref_squeeze %dma_start3A_843 : memref<1x1x32x128xf32, #tpu.memory_space<hbm>> -> memref<32x128xf32, #tpu.memory_space<hbm>>
      %dma_start3A_845 = arith.constant 0 : i32
      %dma_start3A_846 = arith.constant 0 : i32
      %dma_start3A_847 = tpu.memref_slice %arg8[%run_scoped3A_822, %dma_start3A_845, %dma_start3A_846] : memref<16x32x128xf32, #tpu.memory_space<vmem>> -> memref<1x32x128xf32, #tpu.memory_space<vmem>>
      %dma_start3A_848 = tpu.memref_squeeze %dma_start3A_847 : memref<1x32x128xf32, #tpu.memory_space<vmem>> -> memref<32x128xf32, #tpu.memory_space<vmem>>
      tpu.enqueue_dma source(%dma_start3A_848 : memref<32x128xf32, #tpu.memory_space<vmem>>) target(%dma_start3A_844 : memref<32x128xf32, #tpu.memory_space<hbm>>) target_semaphore(%run_scoped3A_834 : memref<!tpu.dma_semaphore, #tpu.memory_space<semaphore_mem>>)
      %dma_wait3A_849 = arith.constant 0 : i32
      %dma_wait3A_850 = arith.constant 0 : i32
      %dma_wait3A_851 = tpu.memref_slice %arg8[%run_scoped3A_822, %dma_wait3A_849, %dma_wait3A_850] : memref<16x32x128xf32, #tpu.memory_space<vmem>> -> memref<1x32x128xf32, #tpu.memory_space<vmem>>
      %dma_wait3A_852 = tpu.memref_squeeze %dma_wait3A_851 : memref<1x32x128xf32, #tpu.memory_space<vmem>> -> memref<32x128xf32, #tpu.memory_space<vmem>>
      %dma_wait3A_853 = arith.constant 0 : i32
      %dma_wait3A_854 = tpu.memref_slice %arg4[%run_scoped3A_823, %run_scoped3A_824, %mul3A_2, %dma_wait3A_853] : memref<4x4x1024x128xf32, #tpu.memory_space<hbm>> -> memref<1x1x32x128xf32, #tpu.memory_space<hbm>>
      %dma_wait3A_855 = tpu.memref_squeeze %dma_wait3A_854 : memref<1x1x32x128xf32, #tpu.memory_space<hbm>> -> memref<32x128xf32, #tpu.memory_space<hbm>>
      %dma_wait3A_856 = arith.constant 0 : i32
      %dma_wait3A_857 = tpu.memref_slice %arg4[%run_scoped3A_823, %run_scoped3A_824, %mul3A_2, %dma_wait3A_856] : memref<4x4x1024x128xf32, #tpu.memory_space<hbm>> -> memref<1x1x32x128xf32, #tpu.memory_space<hbm>>
      %dma_wait3A_858 = tpu.memref_squeeze %dma_wait3A_857 : memref<1x1x32x128xf32, #tpu.memory_space<hbm>> -> memref<32x128xf32, #tpu.memory_space<hbm>>
      %dma_wait3A_859 = arith.constant 0 : i32
      %dma_wait3A_860 = arith.constant 0 : i32
      %dma_wait3A_861 = tpu.memref_slice %arg8[%run_scoped3A_822, %dma_wait3A_859, %dma_wait3A_860] : memref<16x32x128xf32, #tpu.memory_space<vmem>> -> memref<1x32x128xf32, #tpu.memory_space<vmem>>
      %dma_wait3A_862 = tpu.memref_squeeze %dma_wait3A_861 : memref<1x32x128xf32, #tpu.memory_space<vmem>> -> memref<32x128xf32, #tpu.memory_space<vmem>>
      tpu.wait_dma2 semaphore(%run_scoped3A_834 : memref<!tpu.dma_semaphore, #tpu.memory_space<semaphore_mem>>) src(%dma_wait3A_862 : memref<32x128xf32, #tpu.memory_space<vmem>>) dst(%dma_wait3A_858 : memref<32x128xf32, #tpu.memory_space<hbm>>)
      tpu.yield
    }) : () -> ()
    %run_scoped3A_825 = arith.constant 13 : i32
    %run_scoped3A_826 = arith.constant 3 : i32
    %run_scoped3A_827 = arith.constant 1 : i32
    "tpu.region"() ({
      %run_scoped3A_834 = tpu.sem_alloc : memref<!tpu.dma_semaphore, #tpu.memory_space<semaphore_mem>>
      %dma_start3A_835 = arith.constant 0 : i32
      %dma_start3A_836 = arith.constant 0 : i32
      %dma_start3A_837 = tpu.memref_slice %arg8[%run_scoped3A_825, %dma_start3A_835, %dma_start3A_836] : memref<16x32x128xf32, #tpu.memory_space<vmem>> -> memref<1x32x128xf32, #tpu.memory_space<vmem>>
      %dma_start3A_838 = tpu.memref_squeeze %dma_start3A_837 : memref<1x32x128xf32, #tpu.memory_space<vmem>> -> memref<32x128xf32, #tpu.memory_space<vmem>>
      %dma_start3A_839 = arith.constant 0 : i32
      %dma_start3A_840 = tpu.memref_slice %arg4[%run_scoped3A_826, %run_scoped3A_827, %mul3A_2, %dma_start3A_839] : memref<4x4x1024x128xf32, #tpu.memory_space<hbm>> -> memref<1x1x32x128xf32, #tpu.memory_space<hbm>>
      %dma_start3A_841 = tpu.memref_squeeze %dma_start3A_840 : memref<1x1x32x128xf32, #tpu.memory_space<hbm>> -> memref<32x128xf32, #tpu.memory_space<hbm>>
      %dma_start3A_842 = arith.constant 0 : i32
      %dma_start3A_843 = tpu.memref_slice %arg4[%run_scoped3A_826, %run_scoped3A_827, %mul3A_2, %dma_start3A_842] : memref<4x4x1024x128xf32, #tpu.memory_space<hbm>> -> memref<1x1x32x128xf32, #tpu.memory_space<hbm>>
      %dma_start3A_844 = tpu.memref_squeeze %dma_start3A_843 : memref<1x1x32x128xf32, #tpu.memory_space<hbm>> -> memref<32x128xf32, #tpu.memory_space<hbm>>
      %dma_start3A_845 = arith.constant 0 : i32
      %dma_start3A_846 = arith.constant 0 : i32
      %dma_start3A_847 = tpu.memref_slice %arg8[%run_scoped3A_825, %dma_start3A_845, %dma_start3A_846] : memref<16x32x128xf32, #tpu.memory_space<vmem>> -> memref<1x32x128xf32, #tpu.memory_space<vmem>>
      %dma_start3A_848 = tpu.memref_squeeze %dma_start3A_847 : memref<1x32x128xf32, #tpu.memory_space<vmem>> -> memref<32x128xf32, #tpu.memory_space<vmem>>
      tpu.enqueue_dma source(%dma_start3A_848 : memref<32x128xf32, #tpu.memory_space<vmem>>) target(%dma_start3A_844 : memref<32x128xf32, #tpu.memory_space<hbm>>) target_semaphore(%run_scoped3A_834 : memref<!tpu.dma_semaphore, #tpu.memory_space<semaphore_mem>>)
      %dma_wait3A_849 = arith.constant 0 : i32
      %dma_wait3A_850 = arith.constant 0 : i32
      %dma_wait3A_851 = tpu.memref_slice %arg8[%run_scoped3A_825, %dma_wait3A_849, %dma_wait3A_850] : memref<16x32x128xf32, #tpu.memory_space<vmem>> -> memref<1x32x128xf32, #tpu.memory_space<vmem>>
      %dma_wait3A_852 = tpu.memref_squeeze %dma_wait3A_851 : memref<1x32x128xf32, #tpu.memory_space<vmem>> -> memref<32x128xf32, #tpu.memory_space<vmem>>
      %dma_wait3A_853 = arith.constant 0 : i32
      %dma_wait3A_854 = tpu.memref_slice %arg4[%run_scoped3A_826, %run_scoped3A_827, %mul3A_2, %dma_wait3A_853] : memref<4x4x1024x128xf32, #tpu.memory_space<hbm>> -> memref<1x1x32x128xf32, #tpu.memory_space<hbm>>
      %dma_wait3A_855 = tpu.memref_squeeze %dma_wait3A_854 : memref<1x1x32x128xf32, #tpu.memory_space<hbm>> -> memref<32x128xf32, #tpu.memory_space<hbm>>
      %dma_wait3A_856 = arith.constant 0 : i32
      %dma_wait3A_857 = tpu.memref_slice %arg4[%run_scoped3A_826, %run_scoped3A_827, %mul3A_2, %dma_wait3A_856] : memref<4x4x1024x128xf32, #tpu.memory_space<hbm>> -> memref<1x1x32x128xf32, #tpu.memory_space<hbm>>
      %dma_wait3A_858 = tpu.memref_squeeze %dma_wait3A_857 : memref<1x1x32x128xf32, #tpu.memory_space<hbm>> -> memref<32x128xf32, #tpu.memory_space<hbm>>
      %dma_wait3A_859 = arith.constant 0 : i32
      %dma_wait3A_860 = arith.constant 0 : i32
      %dma_wait3A_861 = tpu.memref_slice %arg8[%run_scoped3A_825, %dma_wait3A_859, %dma_wait3A_860] : memref<16x32x128xf32, #tpu.memory_space<vmem>> -> memref<1x32x128xf32, #tpu.memory_space<vmem>>
      %dma_wait3A_862 = tpu.memref_squeeze %dma_wait3A_861 : memref<1x32x128xf32, #tpu.memory_space<vmem>> -> memref<32x128xf32, #tpu.memory_space<vmem>>
      tpu.wait_dma2 semaphore(%run_scoped3A_834 : memref<!tpu.dma_semaphore, #tpu.memory_space<semaphore_mem>>) src(%dma_wait3A_862 : memref<32x128xf32, #tpu.memory_space<vmem>>) dst(%dma_wait3A_858 : memref<32x128xf32, #tpu.memory_space<hbm>>)
      tpu.yield
    }) : () -> ()
    %run_scoped3A_828 = arith.constant 14 : i32
    %run_scoped3A_829 = arith.constant 3 : i32
    %run_scoped3A_830 = arith.constant 2 : i32
    "tpu.region"() ({
      %run_scoped3A_834 = tpu.sem_alloc : memref<!tpu.dma_semaphore, #tpu.memory_space<semaphore_mem>>
      %dma_start3A_835 = arith.constant 0 : i32
      %dma_start3A_836 = arith.constant 0 : i32
      %dma_start3A_837 = tpu.memref_slice %arg8[%run_scoped3A_828, %dma_start3A_835, %dma_start3A_836] : memref<16x32x128xf32, #tpu.memory_space<vmem>> -> memref<1x32x128xf32, #tpu.memory_space<vmem>>
      %dma_start3A_838 = tpu.memref_squeeze %dma_start3A_837 : memref<1x32x128xf32, #tpu.memory_space<vmem>> -> memref<32x128xf32, #tpu.memory_space<vmem>>
      %dma_start3A_839 = arith.constant 0 : i32
      %dma_start3A_840 = tpu.memref_slice %arg4[%run_scoped3A_829, %run_scoped3A_830, %mul3A_2, %dma_start3A_839] : memref<4x4x1024x128xf32, #tpu.memory_space<hbm>> -> memref<1x1x32x128xf32, #tpu.memory_space<hbm>>
      %dma_start3A_841 = tpu.memref_squeeze %dma_start3A_840 : memref<1x1x32x128xf32, #tpu.memory_space<hbm>> -> memref<32x128xf32, #tpu.memory_space<hbm>>
      %dma_start3A_842 = arith.constant 0 : i32
      %dma_start3A_843 = tpu.memref_slice %arg4[%run_scoped3A_829, %run_scoped3A_830, %mul3A_2, %dma_start3A_842] : memref<4x4x1024x128xf32, #tpu.memory_space<hbm>> -> memref<1x1x32x128xf32, #tpu.memory_space<hbm>>
      %dma_start3A_844 = tpu.memref_squeeze %dma_start3A_843 : memref<1x1x32x128xf32, #tpu.memory_space<hbm>> -> memref<32x128xf32, #tpu.memory_space<hbm>>
      %dma_start3A_845 = arith.constant 0 : i32
      %dma_start3A_846 = arith.constant 0 : i32
      %dma_start3A_847 = tpu.memref_slice %arg8[%run_scoped3A_828, %dma_start3A_845, %dma_start3A_846] : memref<16x32x128xf32, #tpu.memory_space<vmem>> -> memref<1x32x128xf32, #tpu.memory_space<vmem>>
      %dma_start3A_848 = tpu.memref_squeeze %dma_start3A_847 : memref<1x32x128xf32, #tpu.memory_space<vmem>> -> memref<32x128xf32, #tpu.memory_space<vmem>>
      tpu.enqueue_dma source(%dma_start3A_848 : memref<32x128xf32, #tpu.memory_space<vmem>>) target(%dma_start3A_844 : memref<32x128xf32, #tpu.memory_space<hbm>>) target_semaphore(%run_scoped3A_834 : memref<!tpu.dma_semaphore, #tpu.memory_space<semaphore_mem>>)
      %dma_wait3A_849 = arith.constant 0 : i32
      %dma_wait3A_850 = arith.constant 0 : i32
      %dma_wait3A_851 = tpu.memref_slice %arg8[%run_scoped3A_828, %dma_wait3A_849, %dma_wait3A_850] : memref<16x32x128xf32, #tpu.memory_space<vmem>> -> memref<1x32x128xf32, #tpu.memory_space<vmem>>
      %dma_wait3A_852 = tpu.memref_squeeze %dma_wait3A_851 : memref<1x32x128xf32, #tpu.memory_space<vmem>> -> memref<32x128xf32, #tpu.memory_space<vmem>>
      %dma_wait3A_853 = arith.constant 0 : i32
      %dma_wait3A_854 = tpu.memref_slice %arg4[%run_scoped3A_829, %run_scoped3A_830, %mul3A_2, %dma_wait3A_853] : memref<4x4x1024x128xf32, #tpu.memory_space<hbm>> -> memref<1x1x32x128xf32, #tpu.memory_space<hbm>>
      %dma_wait3A_855 = tpu.memref_squeeze %dma_wait3A_854 : memref<1x1x32x128xf32, #tpu.memory_space<hbm>> -> memref<32x128xf32, #tpu.memory_space<hbm>>
      %dma_wait3A_856 = arith.constant 0 : i32
      %dma_wait3A_857 = tpu.memref_slice %arg4[%run_scoped3A_829, %run_scoped3A_830, %mul3A_2, %dma_wait3A_856] : memref<4x4x1024x128xf32, #tpu.memory_space<hbm>> -> memref<1x1x32x128xf32, #tpu.memory_space<hbm>>
      %dma_wait3A_858 = tpu.memref_squeeze %dma_wait3A_857 : memref<1x1x32x128xf32, #tpu.memory_space<hbm>> -> memref<32x128xf32, #tpu.memory_space<hbm>>
      %dma_wait3A_859 = arith.constant 0 : i32
      %dma_wait3A_860 = arith.constant 0 : i32
      %dma_wait3A_861 = tpu.memref_slice %arg8[%run_scoped3A_828, %dma_wait3A_859, %dma_wait3A_860] : memref<16x32x128xf32, #tpu.memory_space<vmem>> -> memref<1x32x128xf32, #tpu.memory_space<vmem>>
      %dma_wait3A_862 = tpu.memref_squeeze %dma_wait3A_861 : memref<1x32x128xf32, #tpu.memory_space<vmem>> -> memref<32x128xf32, #tpu.memory_space<vmem>>
      tpu.wait_dma2 semaphore(%run_scoped3A_834 : memref<!tpu.dma_semaphore, #tpu.memory_space<semaphore_mem>>) src(%dma_wait3A_862 : memref<32x128xf32, #tpu.memory_space<vmem>>) dst(%dma_wait3A_858 : memref<32x128xf32, #tpu.memory_space<hbm>>)
      tpu.yield
    }) : () -> ()
    %run_scoped3A_831 = arith.constant 15 : i32
    %run_scoped3A_832 = arith.constant 3 : i32
    %run_scoped3A_833 = arith.constant 3 : i32
    "tpu.region"() ({
      %run_scoped3A_834 = tpu.sem_alloc : memref<!tpu.dma_semaphore, #tpu.memory_space<semaphore_mem>>
      %dma_start3A_835 = arith.constant 0 : i32
      %dma_start3A_836 = arith.constant 0 : i32
      %dma_start3A_837 = tpu.memref_slice %arg8[%run_scoped3A_831, %dma_start3A_835, %dma_start3A_836] : memref<16x32x128xf32, #tpu.memory_space<vmem>> -> memref<1x32x128xf32, #tpu.memory_space<vmem>>
      %dma_start3A_838 = tpu.memref_squeeze %dma_start3A_837 : memref<1x32x128xf32, #tpu.memory_space<vmem>> -> memref<32x128xf32, #tpu.memory_space<vmem>>
      %dma_start3A_839 = arith.constant 0 : i32
      %dma_start3A_840 = tpu.memref_slice %arg4[%run_scoped3A_832, %run_scoped3A_833, %mul3A_2, %dma_start3A_839] : memref<4x4x1024x128xf32, #tpu.memory_space<hbm>> -> memref<1x1x32x128xf32, #tpu.memory_space<hbm>>
      %dma_start3A_841 = tpu.memref_squeeze %dma_start3A_840 : memref<1x1x32x128xf32, #tpu.memory_space<hbm>> -> memref<32x128xf32, #tpu.memory_space<hbm>>
      %dma_start3A_842 = arith.constant 0 : i32
      %dma_start3A_843 = tpu.memref_slice %arg4[%run_scoped3A_832, %run_scoped3A_833, %mul3A_2, %dma_start3A_842] : memref<4x4x1024x128xf32, #tpu.memory_space<hbm>> -> memref<1x1x32x128xf32, #tpu.memory_space<hbm>>
      %dma_start3A_844 = tpu.memref_squeeze %dma_start3A_843 : memref<1x1x32x128xf32, #tpu.memory_space<hbm>> -> memref<32x128xf32, #tpu.memory_space<hbm>>
      %dma_start3A_845 = arith.constant 0 : i32
      %dma_start3A_846 = arith.constant 0 : i32
      %dma_start3A_847 = tpu.memref_slice %arg8[%run_scoped3A_831, %dma_start3A_845, %dma_start3A_846] : memref<16x32x128xf32, #tpu.memory_space<vmem>> -> memref<1x32x128xf32, #tpu.memory_space<vmem>>
      %dma_start3A_848 = tpu.memref_squeeze %dma_start3A_847 : memref<1x32x128xf32, #tpu.memory_space<vmem>> -> memref<32x128xf32, #tpu.memory_space<vmem>>
      tpu.enqueue_dma source(%dma_start3A_848 : memref<32x128xf32, #tpu.memory_space<vmem>>) target(%dma_start3A_844 : memref<32x128xf32, #tpu.memory_space<hbm>>) target_semaphore(%run_scoped3A_834 : memref<!tpu.dma_semaphore, #tpu.memory_space<semaphore_mem>>)
      %dma_wait3A_849 = arith.constant 0 : i32
      %dma_wait3A_850 = arith.constant 0 : i32
      %dma_wait3A_851 = tpu.memref_slice %arg8[%run_scoped3A_831, %dma_wait3A_849, %dma_wait3A_850] : memref<16x32x128xf32, #tpu.memory_space<vmem>> -> memref<1x32x128xf32, #tpu.memory_space<vmem>>
      %dma_wait3A_852 = tpu.memref_squeeze %dma_wait3A_851 : memref<1x32x128xf32, #tpu.memory_space<vmem>> -> memref<32x128xf32, #tpu.memory_space<vmem>>
      %dma_wait3A_853 = arith.constant 0 : i32
      %dma_wait3A_854 = tpu.memref_slice %arg4[%run_scoped3A_832, %run_scoped3A_833, %mul3A_2, %dma_wait3A_853] : memref<4x4x1024x128xf32, #tpu.memory_space<hbm>> -> memref<1x1x32x128xf32, #tpu.memory_space<hbm>>
      %dma_wait3A_855 = tpu.memref_squeeze %dma_wait3A_854 : memref<1x1x32x128xf32, #tpu.memory_space<hbm>> -> memref<32x128xf32, #tpu.memory_space<hbm>>
      %dma_wait3A_856 = arith.constant 0 : i32
      %dma_wait3A_857 = tpu.memref_slice %arg4[%run_scoped3A_832, %run_scoped3A_833, %mul3A_2, %dma_wait3A_856] : memref<4x4x1024x128xf32, #tpu.memory_space<hbm>> -> memref<1x1x32x128xf32, #tpu.memory_space<hbm>>
      %dma_wait3A_858 = tpu.memref_squeeze %dma_wait3A_857 : memref<1x1x32x128xf32, #tpu.memory_space<hbm>> -> memref<32x128xf32, #tpu.memory_space<hbm>>
      %dma_wait3A_859 = arith.constant 0 : i32
      %dma_wait3A_860 = arith.constant 0 : i32
      %dma_wait3A_861 = tpu.memref_slice %arg8[%run_scoped3A_831, %dma_wait3A_859, %dma_wait3A_860] : memref<16x32x128xf32, #tpu.memory_space<vmem>> -> memref<1x32x128xf32, #tpu.memory_space<vmem>>
      %dma_wait3A_862 = tpu.memref_squeeze %dma_wait3A_861 : memref<1x32x128xf32, #tpu.memory_space<vmem>> -> memref<32x128xf32, #tpu.memory_space<vmem>>
      tpu.wait_dma2 semaphore(%run_scoped3A_834 : memref<!tpu.dma_semaphore, #tpu.memory_space<semaphore_mem>>) src(%dma_wait3A_862 : memref<32x128xf32, #tpu.memory_space<vmem>>) dst(%dma_wait3A_858 : memref<32x128xf32, #tpu.memory_space<hbm>>)
      tpu.yield
    }) : () -> ()
    return
  }
}

module attributes {stable_mosaic.version = 14 : i64} {
  func.func @_presuf_body(%arg0: i32, %arg1: memref<1x1x512xf32, #tpu.memory_space<vmem>>, %arg2: memref<1x1x512xf32, #tpu.memory_space<vmem>>, %arg3: memref<1x1024x512xf32, #tpu.memory_space<vmem>>) attributes {dimension_semantics = [#tpu.dimension_semantics<arbitrary>], iteration_bounds = array<i64: 73>, scalar_prefetch = 0 : i64, scratch_operands = 0 : i64, tpu.core_type = #tpu.core_type<tc>, window_params = [{transform_indices = @transform_0, window_bounds = array<i64: 1, 1, 512>}, {transform_indices = @transform_1, window_bounds = array<i64: 1, 1, 512>}, {transform_indices = @transform_2, window_bounds = array<i64: 1, 1024, 512>}]} {
    %lt3A = arith.constant 5 : i32
    %lt3A_0 = arith.cmpi slt, %arg0, %lt3A : i32
    %convert_element_type3A = arith.extui %lt3A_0 : i1 to i32
    %cond3A = arith.constant 0 : i32
    %cond3A_1 = arith.cmpi ne, %convert_element_type3A, %cond3A : i32
    scf.if %cond3A_1 {
      %get3A = arith.constant 0 : index
      %get3A_6 = arith.constant 0 : index
      %get3A_7 = arith.constant 0 : index
      %get3A_8 = vector.load %arg1[%get3A, %get3A_6, %get3A_7] : memref<1x1x512xf32, #tpu.memory_space<vmem>>, vector<1x1x512xf32>
      %get3A_9 = vector.shape_cast %get3A_8 : vector<1x1x512xf32> to vector<1x512xf32>
      %broadcast_in_dim3A = vector.shape_cast %get3A_9 : vector<1x512xf32> to vector<1x512xf32>
      %broadcast_in_dim3A_10 = vector.broadcast %broadcast_in_dim3A : vector<1x512xf32> to vector<1024x512xf32>
      %swap3A = arith.constant 0 : index
      %swap3A_11 = arith.constant 0 : index
      %swap3A_12 = arith.constant 0 : index
      %swap3A_13 = vector.load %arg3[%swap3A, %swap3A_11, %swap3A_12] : memref<1x1024x512xf32, #tpu.memory_space<vmem>>, vector<1x1024x512xf32>
      %swap3A_14 = vector.shape_cast %swap3A_13 : vector<1x1024x512xf32> to vector<1024x512xf32>
      %swap3A_15 = vector.shape_cast %broadcast_in_dim3A_10 : vector<1024x512xf32> to vector<1x1024x512xf32>
      tpu.vector_store %arg3[%swap3A, %swap3A_11, %swap3A_12], %swap3A_15 {strides = array<i32>} : memref<1x1024x512xf32, #tpu.memory_space<vmem>>, vector<1x1024x512xf32>,
    } else {
    }
    %ge3A = arith.constant 5 : i32
    %ge3A_2 = arith.cmpi sge, %arg0, %ge3A : i32
    %convert_element_type3A_3 = arith.extui %ge3A_2 : i1 to i32
    %cond3A_4 = arith.constant 0 : i32
    %cond3A_5 = arith.cmpi ne, %convert_element_type3A_3, %cond3A_4 : i32
    scf.if %cond3A_5 {
      %get3A = arith.constant 0 : index
      %get3A_6 = arith.constant 0 : index
      %get3A_7 = arith.constant 0 : index
      %get3A_8 = vector.load %arg2[%get3A, %get3A_6, %get3A_7] : memref<1x1x512xf32, #tpu.memory_space<vmem>>, vector<1x1x512xf32>
      %get3A_9 = vector.shape_cast %get3A_8 : vector<1x1x512xf32> to vector<1x512xf32>
      %broadcast_in_dim3A = vector.shape_cast %get3A_9 : vector<1x512xf32> to vector<1x512xf32>
      %broadcast_in_dim3A_10 = vector.broadcast %broadcast_in_dim3A : vector<1x512xf32> to vector<1024x512xf32>
      %swap3A = arith.constant 0 : index
      %swap3A_11 = arith.constant 0 : index
      %swap3A_12 = arith.constant 0 : index
      %swap3A_13 = vector.load %arg3[%swap3A, %swap3A_11, %swap3A_12] : memref<1x1024x512xf32, #tpu.memory_space<vmem>>, vector<1x1024x512xf32>
      %swap3A_14 = vector.shape_cast %swap3A_13 : vector<1x1024x512xf32> to vector<1024x512xf32>
      %swap3A_15 = vector.shape_cast %broadcast_in_dim3A_10 : vector<1024x512xf32> to vector<1x1024x512xf32>
      tpu.vector_store %arg3[%swap3A, %swap3A_11, %swap3A_12], %swap3A_15 {strides = array<i32>} : memref<1x1024x512xf32, #tpu.memory_space<vmem>>, vector<1x1024x512xf32>,
    } else {
    }
    return
  }
  func.func @transform_0(%arg0: i32) -> (i32, i32, i32) {
    %jit3A = arith.constant 0 : i32
    %jit3A_0 = arith.constant 4 : i32
    %max3A = arith.maxsi %jit3A, %arg0 : i32
    %min3A = arith.minsi %jit3A_0, %max3A : i32
    %c0_i32 = arith.constant 0 : i32
    %c0_i32_1 = arith.constant 0 : i32
    %c0_i32_2 = arith.constant 0 : i32
    return %min3A, %c0_i32, %c0_i32_1 : i32, i32, i32
  }
  func.func @transform_1(%arg0: i32) -> (i32, i32, i32) {
    %sub3A = arith.constant 5 : i32
    %sub3A_0 = arith.subi %arg0, %sub3A : i32
    %jit3A = arith.constant 0 : i32
    %jit3A_1 = arith.constant 67 : i32
    %max3A = arith.maxsi %jit3A, %sub3A_0 : i32
    %min3A = arith.minsi %jit3A_1, %max3A : i32
    %c0_i32 = arith.constant 0 : i32
    %c0_i32_2 = arith.constant 0 : i32
    %c0_i32_3 = arith.constant 0 : i32
    return %min3A, %c0_i32, %c0_i32_2 : i32, i32, i32
  }
  func.func @transform_2(%arg0: i32) -> (i32, i32, i32) {
    %lt3A = arith.constant 5 : i32
    %lt3A_0 = arith.cmpi slt, %arg0, %lt3A : i32
    %add3A = arith.constant 4 : i32
    %add3A_1 = arith.addi %arg0, %add3A : i32
    %select_n3A = arith.select %lt3A_0, %arg0, %add3A_1 : i32
    %c0_i32 = arith.constant 0 : i32
    %c0_i32_2 = arith.constant 0 : i32
    %c0_i32_3 = arith.constant 0 : i32
    return %select_n3A, %c0_i32, %c0_i32_2 : i32, i32, i32
  }
}

module attributes {stable_mosaic.version = 14 : i64} {
  func.func @_cls_body(%arg0: i32, %arg1: memref<77x1024x512xf32, #tpu.memory_space<any>>, %arg2: memref<1x4x1024x128xf32, #tpu.memory_space<vmem>>, %arg3: memref<1x1024x512xf32, #tpu.memory_space<vmem>>) attributes {dimension_semantics = [#tpu.dimension_semantics<arbitrary>], iteration_bounds = array<i64: 4>, scalar_prefetch = 0 : i64, scratch_operands = 0 : i64, tpu.core_type = #tpu.core_type<tc>, window_params = [{}, {transform_indices = @transform_1, window_bounds = array<i64: 1, 4, 1024, 128>}, {transform_indices = @transform_2, window_bounds = array<i64: 1, 1024, 512>}]} {
    %get3A = arith.constant 0 : index
    %get3A_0 = arith.constant 0 : index
    %get3A_1 = arith.constant 0 : index
    %get3A_2 = arith.constant 0 : index
    %get3A_3 = vector.load %arg2[%get3A, %get3A_0, %get3A_1, %get3A_2] : memref<1x4x1024x128xf32, #tpu.memory_space<vmem>>, vector<1x1x1024x128xf32>
    %get3A_4 = vector.shape_cast %get3A_3 : vector<1x1x1024x128xf32> to vector<1024x128xf32>
    %swap3A = arith.constant 0 : index
    %swap3A_5 = arith.constant 0 : index
    %swap3A_6 = arith.constant 0 : index
    %swap3A_7 = vector.load %arg3[%swap3A, %swap3A_5, %swap3A_6] : memref<1x1024x512xf32, #tpu.memory_space<vmem>>, vector<1x1024x128xf32>
    %swap3A_8 = vector.shape_cast %swap3A_7 : vector<1x1024x128xf32> to vector<1024x128xf32>
    %swap3A_9 = vector.shape_cast %get3A_4 : vector<1024x128xf32> to vector<1x1024x128xf32>
    tpu.vector_store %arg3[%swap3A, %swap3A_5, %swap3A_6], %swap3A_9 {strides = array<i32>} : memref<1x1024x512xf32, #tpu.memory_space<vmem>>, vector<1x1024x128xf32>,
    %get3A_10 = arith.constant 0 : index
    %get3A_11 = arith.constant 1 : index
    %get3A_12 = arith.constant 0 : index
    %get3A_13 = arith.constant 0 : index
    %get3A_14 = vector.load %arg2[%get3A_10, %get3A_11, %get3A_12, %get3A_13] : memref<1x4x1024x128xf32, #tpu.memory_space<vmem>>, vector<1x1x1024x128xf32>
    %get3A_15 = vector.shape_cast %get3A_14 : vector<1x1x1024x128xf32> to vector<1024x128xf32>
    %swap3A_16 = arith.constant 0 : index
    %swap3A_17 = arith.constant 0 : index
    %swap3A_18 = arith.constant 128 : index
    %swap3A_19 = vector.load %arg3[%swap3A_16, %swap3A_17, %swap3A_18] : memref<1x1024x512xf32, #tpu.memory_space<vmem>>, vector<1x1024x128xf32>
    %swap3A_20 = vector.shape_cast %swap3A_19 : vector<1x1024x128xf32> to vector<1024x128xf32>
    %swap3A_21 = vector.shape_cast %get3A_15 : vector<1024x128xf32> to vector<1x1024x128xf32>
    tpu.vector_store %arg3[%swap3A_16, %swap3A_17, %swap3A_18], %swap3A_21 {strides = array<i32>} : memref<1x1024x512xf32, #tpu.memory_space<vmem>>, vector<1x1024x128xf32>,
    %get3A_22 = arith.constant 0 : index
    %get3A_23 = arith.constant 2 : index
    %get3A_24 = arith.constant 0 : index
    %get3A_25 = arith.constant 0 : index
    %get3A_26 = vector.load %arg2[%get3A_22, %get3A_23, %get3A_24, %get3A_25] : memref<1x4x1024x128xf32, #tpu.memory_space<vmem>>, vector<1x1x1024x128xf32>
    %get3A_27 = vector.shape_cast %get3A_26 : vector<1x1x1024x128xf32> to vector<1024x128xf32>
    %swap3A_28 = arith.constant 0 : index
    %swap3A_29 = arith.constant 0 : index
    %swap3A_30 = arith.constant 256 : index
    %swap3A_31 = vector.load %arg3[%swap3A_28, %swap3A_29, %swap3A_30] : memref<1x1024x512xf32, #tpu.memory_space<vmem>>, vector<1x1024x128xf32>
    %swap3A_32 = vector.shape_cast %swap3A_31 : vector<1x1024x128xf32> to vector<1024x128xf32>
    %swap3A_33 = vector.shape_cast %get3A_27 : vector<1024x128xf32> to vector<1x1024x128xf32>
    tpu.vector_store %arg3[%swap3A_28, %swap3A_29, %swap3A_30], %swap3A_33 {strides = array<i32>} : memref<1x1024x512xf32, #tpu.memory_space<vmem>>, vector<1x1024x128xf32>,
    %get3A_34 = arith.constant 0 : index
    %get3A_35 = arith.constant 3 : index
    %get3A_36 = arith.constant 0 : index
    %get3A_37 = arith.constant 0 : index
    %get3A_38 = vector.load %arg2[%get3A_34, %get3A_35, %get3A_36, %get3A_37] : memref<1x4x1024x128xf32, #tpu.memory_space<vmem>>, vector<1x1x1024x128xf32>
    %get3A_39 = vector.shape_cast %get3A_38 : vector<1x1x1024x128xf32> to vector<1024x128xf32>
    %swap3A_40 = arith.constant 0 : index
    %swap3A_41 = arith.constant 0 : index
    %swap3A_42 = arith.constant 384 : index
    %swap3A_43 = vector.load %arg3[%swap3A_40, %swap3A_41, %swap3A_42] : memref<1x1024x512xf32, #tpu.memory_space<vmem>>, vector<1x1024x128xf32>
    %swap3A_44 = vector.shape_cast %swap3A_43 : vector<1x1024x128xf32> to vector<1024x128xf32>
    %swap3A_45 = vector.shape_cast %get3A_39 : vector<1024x128xf32> to vector<1x1024x128xf32>
    tpu.vector_store %arg3[%swap3A_40, %swap3A_41, %swap3A_42], %swap3A_45 {strides = array<i32>} : memref<1x1024x512xf32, #tpu.memory_space<vmem>>, vector<1x1024x128xf32>,
    return
  }
  func.func @transform_1(%arg0: i32) -> (i32, i32, i32, i32) {
    %c0_i32 = arith.constant 0 : i32
    %c0_i32_0 = arith.constant 0 : i32
    %c0_i32_1 = arith.constant 0 : i32
    %c0_i32_2 = arith.constant 0 : i32
    return %arg0, %c0_i32, %c0_i32_0, %c0_i32_1 : i32, i32, i32, i32
  }
  func.func @transform_2(%arg0: i32) -> (i32, i32, i32) {
    %add3A = arith.constant 5 : i32
    %add3A_0 = arith.addi %arg0, %add3A : i32
    %c0_i32 = arith.constant 0 : i32
    %c0_i32_1 = arith.constant 0 : i32
    %c0_i32_2 = arith.constant 0 : i32
    return %add3A_0, %c0_i32, %c0_i32_1 : i32, i32, i32
  }
}

</mosaic_0001>

<sc_bundles>
// kernel: kernel.5.cloned.1.call-start
scs
__scs_entry_jumppad:
0x0: {  	(pc) =	sbr.rel $0x88, $3  }
0x1: {  	(tag) =	ssettag $0x0;
	lr =	simm.s32 $0x1  }
0x2: {  	[smem:$0x3F9D] =	sst lr;
	_ =	strace $0xD0000000  }
0x3: {  	_ = 	snop  }
0x4: {  	_ = 	snop  }
0x5: {  	_ = 	snop  }
0x6: {  	_ = 	snop  }
0x7: {  	_ = 	snop  }
__scs_overlays_trampoline_lowered:
0x8: {  	[smem:$0x3FAC] =	sst s0  }
0x9: {  	[smem:$0x3FAD] =	sst s1  }
0xa: {  	[smem:$0x3FAE] =	sst s2  }
0xb: {  	[smem:$0x3FAF] =	sst s3  }
0xc: {  	[smem:$0x3FB0] =	sst s4  }
0xd: {  	[smem:$0x3FB1] =	sst s5  }
0xe: {  	[smem:$0x3FB2] =	sst s6  }
0xf: {  	[smem:$0x3FB3] =	sst s7  }
0x10: {  	[smem:$0x3FB4] =	sst s8  }
0x11: {  	[smem:$0x3FB5] =	sst s9;
	s0 =	simm.s32 @!p0 $0x0  }
0x12: {  	s1 =	sld [smem:$0x3F9B];
	s0 =	simm.s32 @p0 $0x1  }
0x13: {  	[smem:$0x3FB6] =	sst s0;
	s0 =	simm.s32 @!p1 $0x0  }
0x14: {  	s2 =	sld [smem:$0x3F9A];
	s0 =	simm.s32 @p1 $0x1  }
0x15: {  	[smem:$0x3FB7] =	sst s0;
	s0 =	simm.s32 @!p2 $0x0  }
0x16: {  	s3 =	sld [smem:$0x3FDB];
	s0 =	simm.s32 @p2 $0x1  }
0x17: {  	s4 =	simm.s32 $0x1BF5;
	[smem:$0x3FB9] =	sst s0  }
0x18: {  	s0 =	sld [smem:$0x3F9C];
	_ =	swait.ge [sflag:s4], $0x0  }
0x19: {  	s7 =	sld [smem:$0x3F9D]  }
0x1a: {  	s8 =	sadd.s32 $0xFFFFE003, lr  }
0x1b: {  	s9 =	sadd.s32 $0xFFFFFEF7, lr;
	s5 =	simm.s32 $0xFFFFFFFF;
	p2 =	slt.u32 s8, $0xFFFFF086  }
0x1c: {  	p1 =	slt.u32 s9, $0xF7A;
	s5 =	simm.s32 @!p2 $0x0  }
0x1d: {  	s5 =	simm.s32 @p1 $0x1;
	p0 =	seq.s32 s7, s2  }
0x1e: {  	s7 =	smul.u32 @!p0 $0xF7A, s2;
	p2 =	seq.s32 @!p0 s5, $0x0  }
0x1f: {  	s9 =	smul.u32 $0xF7A, s1;
	s8 =	simm.s32 @!p0 $0x1BF5;
	p2 =	por !p2, p0  }
0x20: {  	[sflag:s8] =	ssyncset.s32 @!p0 $0xFFFFF086;
	s6 =	sadd.s32 @!p0 s3, s7;
	s7 =	simm.s32 @!p0 $0x108  }
0x21: {  	s3 =	sadd.s32 s3, s9;
	s6 =	sadd.s32 @!p0 $0x88, s6;
	s7 =	simm.s32 @p2 $0x1082  }
0x22: {  	[simem:s7], [sflag:s8] =	dma.local @!p0 [hbm:s6], $0xF7A  }
0x23: {  	s9 =	sor.u32 $0xD0000000, s2;
	s6 =	simm.s32 $0x108;
	_ =	swait.ge @!p0 [sflag:s8], $0x0  }
0x24: {  	s3 =	sadd.s32 $0x88, s3;
	s6 =	simm.s32 @!p1 $0x1082;
	[sflag:s4] =	ssyncset.s32 $0xFFFFF086  }
0x25: {  	[simem:s6], [sflag:s4] =	dma.local [hbm:s3], $0xF7A  }
0x26: {  	[smem:$0x3F9D] =	sst s1;
	(tag) =	ssettag s2;
	_ =	strace s9  }
0x27: {  	s1 =	sld [smem:$0x3FAD]  }
0x28: {  	s2 =	sld [smem:$0x3FAE]  }
0x29: {  	s4 =	sld [smem:$0x3FB0]  }
0x2a: {  	p0 =	seq.s32 s5, $0x0;
	s5 =	sld [smem:$0x3FB1]  }
0x2b: {  	s6 =	sld [smem:$0x3FB2]  }
0x2c: {  	s7 =	sld [smem:$0x3FB3]  }
0x2d: {  	s3 =	simm.s32 $0x108;
	s8 =	sld [smem:$0x3FB4]  }
0x2e: {  	s3 =	simm.s32 @!p0 $0x1082;
	s9 =	sld [smem:$0x3FB5]  }
0x2f: {  	lr =	sadd.s32 s0, s3;
	s0 =	sld [smem:$0x3FAC]  }
0x30: {  	s3 =	sld [smem:$0x3FAF]  }
0x31: {  	[smem:$0x3FB8] =	sst s10  }
0x32: {  	s10 =	sld [smem:$0x3FB6];
	_ =	sdelay $0x3  }
0x33: {  	p0 =	seq.s32 s10, $0x1;
	s10 =	sld [smem:$0x3FB8];
	_ =	sdelay $0x3  }
0x34: {  	[smem:$0x3FB8] =	sst s10  }
0x35: {  	s10 =	sld [smem:$0x3FB7];
	_ =	sdelay $0x3  }
0x36: {  	p1 =	seq.s32 s10, $0x1;
	s10 =	sld [smem:$0x3FB8];
	_ =	sdelay $0x3  }
0x37: {  	[smem:$0x3FB8] =	sst s10  }
0x38: {  	s10 =	sld [smem:$0x3FB9]  }
0x39: {  	_ = 	snop;
	(pc) =	sbr.ind lr, $3  }
0x3a: {  	_ = 	snop  }
0x3b: {  	_ = 	snop  }
0x3c: {  	p2 =	seq.s32 s10, $0x1;
	s10 =	sld [smem:$0x3FB8]  }
0x3d: {  	_ =	shalt  }
0x3e: {  	_ =	shalt  }
0x3f: {  	_ =	shalt  }
0x40: {  	_ =	shalt  }
0x41: {  	_ =	shalt  }
0x42: {  	_ =	shalt  }
0x43: {  	_ =	shalt  }
0x44: {  	_ =	shalt  }
0x45: {  	_ =	shalt  }
0x46: {  	_ =	shalt  }
0x47: {  	_ =	shalt  }
0x48: {  	_ =	shalt  }
0x49: {  	_ =	shalt  }
0x4a: {  	_ =	shalt  }
0x4b: {  	_ =	shalt  }
0x4c: {  	_ =	shalt  }
0x4d: {  	_ =	shalt  }
0x4e: {  	_ =	shalt  }
0x4f: {  	_ =	shalt  }
0x50: {  	_ =	shalt  }
0x51: {  	_ =	shalt  }
0x52: {  	_ =	shalt  }
0x53: {  	_ =	shalt  }
0x54: {  	_ =	shalt  }
0x55: {  	_ =	shalt  }
0x56: {  	_ =	shalt  }
0x57: {  	_ =	shalt  }
0x58: {  	_ =	shalt  }
0x59: {  	_ =	shalt  }
0x5a: {  	_ =	shalt  }
0x5b: {  	_ =	shalt  }
0x5c: {  	_ =	shalt  }
0x5d: {  	_ =	shalt  }
0x5e: {  	_ =	shalt  }
0x5f: {  	_ =	shalt  }
0x60: {  	_ =	shalt  }
0x61: {  	_ =	shalt  }
0x62: {  	_ =	shalt  }
0x63: {  	_ =	shalt  }
0x64: {  	_ =	shalt  }
0x65: {  	_ =	shalt  }
0x66: {  	_ =	shalt  }
0x67: {  	_ =	shalt  }
0x68: {  	_ =	shalt  }
0x69: {  	_ =	shalt  }
0x6a: {  	_ =	shalt  }
0x6b: {  	_ =	shalt  }
0x6c: {  	_ =	shalt  }
0x6d: {  	_ =	shalt  }
0x6e: {  	_ =	shalt  }
0x6f: {  	_ =	shalt  }
0x70: {  	_ =	shalt  }
0x71: {  	_ =	shalt  }
0x72: {  	_ =	shalt  }
0x73: {  	_ =	shalt  }
0x74: {  	_ =	shalt  }
0x75: {  	_ =	shalt  }
0x76: {  	_ =	shalt  }
0x77: {  	_ =	shalt  }
0x78: {  	_ =	shalt  }
0x79: {  	_ =	shalt  }
0x7a: {  	_ =	shalt  }
0x7b: {  	_ =	shalt  }
0x7c: {  	_ =	shalt  }
0x7d: {  	_ =	shalt  }
0x7e: {  	_ =	shalt  }
0x7f: {  	_ =	shalt  }
0x80: {  	_ =	shalt  }
0x81: {  	_ =	shalt  }
0x82: {  	_ =	shalt  }
0x83: {  	_ =	shalt  }
0x84: {  	_ =	shalt  }
0x85: {  	_ =	shalt  }
0x86: {  	_ =	shalt  }
0x87: {  	_ =	shalt  }
.Lfunc_end0:
.L_simem_size_0:
called_computation_lowered:
.L_overlay_start_0:
0x88: {  	s2 =	sld [smem:$0x3FD9]  }
0x89: {  	s3 =	sld [smem:$0x3FFE];
	_ =	sdelay $0x1  }
0x8a: {  	s1 =	srdreg.scid  }
0x8b: {  	s0 =	sand.u32 $0x1, s1  }
0x8c: {  	s17 =	sshll.u32 s0, $0xA;
	s2 =	sadd.s32 s3, s2  }
0x8d: {  	s2 =	sadd.s32 s2, s17  }
0x8e: {  	[smem:$0x3FC4] =	sst s2  }
0x8f: {  	_ = 	snop  }
0x90: {  	s2 =	sld [smem:$0x3FC9]  }
0x91: {  	s18 =	sld [smem:$0x3FC8];
	(tm) =	ssettm $0x1  }
0x92: {  	s4 =	sld [smem:$0x3FFB];
	_ =	sdelay $0x3  }
0x93: {  	_ =	strace s4  }
0x94: {  	s4 =	sld [smem:$0x3FFC];
	_ =	sdelay $0x3  }
0x95: {  	_ =	strace s4  }
0x96: {  	s4 =	sld [smem:$0x3FFD];
	_ =	sdelay $0x3  }
0x97: {  	_ =	strace s4  }
0x98: {  	_ =	strace $0x8FFFFFFF  }
0x99: {  	s19 =	sld [smem:$0x3FDB];
	_ =	sdelay $0x1  }
0x9a: {  	s5 =	simm.s32 $_scs_section_size  }
0x9b: {  	s6 =	simm.s32 $_size__tile_overlayer_lowered;
	s7 =	simm.s32 $_tile_overlayer_lowered  }
0x9c: {  	s22 =	simm.s32 $0x1BFF;
	s21 =	sshll.u32 s7, $0x1;
	s4 =	sadd.s32 s5, s19  }
0x9d: {  	s8 =	simm.s32 $0x0;
	s20 =	sshll.u32 s6, $0x1;
	s6 =	sadd.s32 s21, s4  }
0x9e: {  	[timem:s8], [sflag:s22] =	dma.local [hbm:s6], s20  }
0x9f: {  	_ =	swait.ge [sflag:s22], s20  }
0xa0: {  	s5 =	ssub.s32 $0x0, s20;
	[sflag:s22] =	ssyncset.done $0x0  }
0xa1: {  	[sflag:s22] =	ssyncadd.s32 s5;
	_ =	sdelay $0x1  }
0xa2: {  	s23 =	simm.s32 $0x1B8B  }
0xa3: {  	_ =	swait.ge [sflag:s23], $0x1  }
0xa4: {  	[sflag:s23] =	ssyncset.done $0x0  }
0xa5: {  	s25 =	simm.s32 $0x1B8E;
	s24 =	sld [smem:$0x3FFE];
	[sflag:s23] =	ssyncadd.s32 $0xFFFFFFFF  }
0xa6: {  	s26 =	simm.s32 $execute0_lowered;
	[smem:$0x3FD2] =	sst s25  }
0xa7: {  	s6 =	sshll.u32 s26, $0x1;
	_ =	strace $0x80000046;
	[dreg:$0x1] =	wrdreg $0xFFFFFFFF  }
0xa8: {  	s28 =	simm.s32 $_size_execute0_lowered;
	s4 =	sadd.s32 s4, s6;
	[dreg:$0x0] =	wrdreg $0x0  }
0xa9: {  	s6 =	sshll.u32 s28, $0x1;
	[dreg:$0x2] =	wrdreg s4  }
0xaa: {  	[dreg:$0x3] =	wrdreg s6  }
0xab: {  	[dreg:$0x4] =	wrdreg $0xC0  }
0xac: {  	_ =	task [dreg:s8], $0x5FFFF  }
0xad: {  	[dreg:$0x1] =	wrdreg $0xFFFFFFFF  }
0xae: {  	[dreg:$0x0] =	wrdreg $0x60  }
0xaf: {  	[dreg:$0x2] =	wrdreg s18  }
0xb0: {  	[dreg:$0x3] =	wrdreg s2  }
0xb1: {  	[dreg:$0x4] =	wrdreg s24  }
0xb2: {  	[dreg:$0x5] =	wrdreg $0x9  }
0xb3: {  	_ =	task.clear_ibuf [dreg:s8], $0x6FFFF;
	_ =	strace $0x90000046  }
0xb4: {  	s29 =	simm.s32 $0x9;
	_ =	strace $0x80000048  }
0xb5: {  	_ =	swait.ge [sflag:s29], $0x1  }
0xb6: {  	[sflag:s29] =	ssyncadd.s32 $0xFFFFFFFF  }
0xb7: {  	_ =	strace $0x90000048  }
0xb8: {  	_ =	sfence  }
0xb9: {  	s30 =	sld [smem:$0x0];
	_ =	sdelay $0x2  }
0xba: {  	s31 =	sshll.u32 s1, $0xD;
	s1 =	sshrl.u32 s1, $0x2  }
0xbb: {  	s3 =	sand.u32 $0x4000, s31;
	s1 =	sadd.s32 s1, s30  }
0xbc: {  	s0 =	sor.u32 s3, s0;
	s1 =	sshll.u32 s1, $0x11  }
0xbd: {  	s0 =	sor.u32 s1, s0  }
0xbe: {  	s0 =	sadd.s32 $0x8F2B, s0  }
0xbf: {  	[sflag:s0] =	ssyncadd.remote.s32 $0x1  }
0xc0: {  	_ =	sfence.sel $0xFFFF  }
0xc1: {  	[dreg:$0x0] =	wrdreg $0xFFFFFFFF;
	(pc) =	sbr.abs _section_cstart, $3  }
0xc2: {  	[dreg:$0x1] =	wrdreg $0xFFFFFFFF  }
0xc3: {  	_ =	task.clear_ibuf [dreg:s8], $0x2FFFF;
	_ =	strace $0x9FFFFFFF  }
0xc4: {  	(tm) =	ssettm $0x7FFFFFFF  }
0xc5: {  	_ =	shalt  }
tec
execute0_lowered:
.L_overlay_start_1:
0x0: {  	(tag) =	ssettag $0x1  }
0x1: {  	s3 =	rddreg [dreg:$0x0];
	s0 =	srdreg.scid  }
0x2: {  	s4 =	rddreg [dreg:$0x1];
	s2 =	stileid.u32  }
0x3: {  	s19 =	rddreg [dreg:$0x2];
	s5 =	sshll.u32 s2, $0x6;
	s2 =	simm.s32 $0x0  }
0x4: {  	s13 =	simm.s32 $0x100;
	s14 =	simm.s32 $0x180;
	[smem:$0x7FF] =	sst s2  }
0x5: {  	s15 =	simm.s32 $0x200;
	_ =	strace $0x80000047;
	[dreg:$0x15] =	wrdreg s13  }
0x6: {  	s16 =	simm.s32 $0x280;
	s1 =	sand.u32 $0x1, s0;
	[dreg:$0x16] =	wrdreg s14  }
0x7: {  	s17 =	simm.s32 $0x300;
	s6 =	sshll.u32 s1, $0x5;
	[dreg:$0x17] =	wrdreg s15  }
0x8: {  	s18 =	simm.s32 $0x380;
	s5 =	sor.u32 s6, s5;
	[dreg:$0x18] =	wrdreg s16  }
0x9: {  	[dreg:$0x19] =	wrdreg s17;
	s6 =	sshll.u32 s5, $0x4;
	s5 =	sshrl.u32 s5, $0x3  }
0xa: {  	[dreg:$0x1a] =	wrdreg s18;
	s4 =	sadd.s32 s4, s5  }
0xb: {  	s0 =	sadd.s32 s6, s19;
	s19 =	simm.s32 $0x400;
	[dreg:$0x4] =	wrdreg s4  }
0xc: {  	s20 =	sadd.s32 $0xA00, s0;
	[dreg:$0x1b] =	wrdreg s19  }
0xd: {  	s21 =	sadd.s32 $0x4A00, s0;
	[dreg:$0x5] =	wrdreg s20  }
0xe: {  	s22 =	sadd.s32 $0x8A00, s0;
	[dreg:$0x6] =	wrdreg s21  }
0xf: {  	s23 =	sadd.s32 $0xCA00, s0;
	[dreg:$0x7] =	wrdreg s22  }
0x10: {  	s24 =	sadd.s32 $0x10A00, s0;
	[dreg:$0x8] =	wrdreg s23  }
0x11: {  	s25 =	sadd.s32 $0x14A00, s0;
	[dreg:$0x9] =	wrdreg s24  }
0x12: {  	s26 =	sadd.s32 $0x18A00, s0;
	[dreg:$0xa] =	wrdreg s25  }
0x13: {  	s5 =	sadd.s32 $0x1CA00, s0;
	[dreg:$0xb] =	wrdreg s26  }
0x14: {  	s6 =	sadd.s32 $0x20A00, s0;
	[dreg:$0xc] =	wrdreg s5  }
0x15: {  	s7 =	sadd.s32 $0x24A00, s0;
	[dreg:$0xd] =	wrdreg s6  }
0x16: {  	s8 =	sadd.s32 $0x28A00, s0;
	[dreg:$0xe] =	wrdreg s7  }
0x17: {  	s9 =	sadd.s32 $0x2CA00, s0;
	[dreg:$0xf] =	wrdreg s8  }
0x18: {  	s10 =	sadd.s32 $0x30A00, s0;
	[dreg:$0x10] =	wrdreg s9  }
0x19: {  	s11 =	sadd.s32 $0x34A00, s0;
	[dreg:$0x11] =	wrdreg s10  }
0x1a: {  	s12 =	sadd.s32 $0x38A00, s0;
	[dreg:$0x12] =	wrdreg s11  }
0x1b: {  	s0 =	sadd.s32 $0x3CA00, s0;
	[dreg:$0x13] =	wrdreg s12  }
0x1c: {  	[dreg:$0x14] =	wrdreg s0  }
0x1d: {  	s20 =	rddreg [dreg:$0x4];
	s21 =	simm.s32 $0x480  }
0x1e: {  	s4 =	simm.s32 $0x2;
	[dreg:$0x1c] =	wrdreg s21  }
0x1f: {  	[tilespmem:s2], [sflag:$0x2] =	stream.linear.gather [hbm4b:s20+s2], $0x20, $0x38;
	[tilespmem:$0x10900] =	vst v63  }
0x20: {  	_ =	swait.ge [sflag:s4], $0x20  }
0x21: {  	[sflag:s4] =	ssyncset.done $0x0  }
0x22: {  	[sflag:s4] =	ssyncadd.s32 $0xFFFFFFE0  }
0x23: {  	v0 =	vld [tilespmem:$0x0]  }
0x24: {  	v1 =	vld [tilespmem:$0x10];
	_ =	sdelay $0x3  }
0x25: {  	v0 =	vshll.u32 v0, $0x4  }
0x26: {  	v1 =	vshll.u32 v1, $0x4;
	[tilespmem:$0x80] =	vst v0  }
0x27: {  	[tilespmem:$0x90] =	vst v1;
	v2 =	vld [tilespmem:$0x80]  }
0x28: {  	v59 =	vld [tilespmem:$0x90]  }
0x29: {  	v3 =	vld [tilespmem:$0x80]  }
0x2a: {  	v4 =	vld [tilespmem:$0x80]  }
0x2b: {  	v5 =	vld [tilespmem:$0x80]  }
0x2c: {  	[tilespmem:$0x100] =	vst v0;
	v30 =	vld [tilespmem:$0x80]  }
0x2d: {  	v32 =	vld [tilespmem:$0x80];
	v31 =	vadd.s32 $0x4, v2;
	[tilespmem:$0x110] =	vst v59  }
0x2e: {  	v33 =	vld [tilespmem:$0x80];
	v3 =	vadd.s32 $0x3, v3;
	[tilespmem:$0x180] =	vst v31  }
0x2f: {  	v6 =	vld [tilespmem:$0x80];
	v34 =	vadd.s32 $0xF, v4;
	[tilespmem:$0x700] =	vst v3  }
0x30: {  	v35 =	vld [tilespmem:$0x80];
	v5 =	vadd.s32 $0xB, v5;
	[tilespmem:$0x880] =	vst v34  }
0x31: {  	v41 =	vld [tilespmem:$0x80];
	v1 =	vadd.s32 $0x7, v30;
	[tilespmem:$0x800] =	vst v5  }
0x32: {  	v48 =	vld [tilespmem:$0x90];
	v2 =	vadd.s32 $0xE, v32;
	[tilespmem:$0x780] =	vst v1  }
0x33: {  	v55 =	vld [tilespmem:$0x90];
	v0 =	vadd.s32 $0xA, v33;
	[tilespmem:$0x680] =	vst v2  }
0x34: {  	v56 =	vld [tilespmem:$0x90];
	v6 =	vadd.s32 $0x6, v6;
	[tilespmem:$0x600] =	vst v0  }
0x35: {  	v57 =	vld [tilespmem:$0x90];
	v4 =	vadd.s32 $0x2, v35;
	[tilespmem:$0x580] =	vst v6  }
0x36: {  	v58 =	vld [tilespmem:$0x90];
	v46 =	vadd.s32 $0x8, v41;
	[tilespmem:$0x500] =	vst v4  }
0x37: {  	v36 =	vld [tilespmem:$0x80];
	v53 =	vadd.s32 $0xA, v48;
	[tilespmem:$0x200] =	vst v46  }
0x38: {  	v37 =	vld [tilespmem:$0x80];
	v60 =	vadd.s32 $0x1, v55;
	[tilespmem:$0x610] =	vst v53  }
0x39: {  	v38 =	vld [tilespmem:$0x80];
	v61 =	vadd.s32 $0xC, v56;
	[tilespmem:$0x310] =	vst v60  }
0x3a: {  	v39 =	vld [tilespmem:$0x80];
	v62 =	vadd.s32 $0x8, v57;
	[tilespmem:$0x290] =	vst v61  }
0x3b: {  	v40 =	vld [tilespmem:$0x80];
	v63 =	vadd.s32 $0x4, v58;
	[tilespmem:$0x210] =	vst v62  }
0x3c: {  	v42 =	vld [tilespmem:$0x90];
	v3 =	vadd.s32 $0xD, v36;
	[tilespmem:$0x190] =	vst v63  }
0x3d: {  	v50 =	vld [tilespmem:$0x90];
	v5 =	vadd.s32 $0x9, v37;
	[tilespmem:$0x480] =	vst v3  }
0x3e: {  	v43 =	vld [tilespmem:$0x90];
	v1 =	vadd.s32 $0x5, v38;
	[tilespmem:$0x400] =	vst v5  }
0x3f: {  	v44 =	vld [tilespmem:$0x90];
	v2 =	vadd.s32 $0x1, v39;
	[tilespmem:$0x380] =	vst v1  }
0x40: {  	v45 =	vld [tilespmem:$0x90];
	v0 =	vadd.s32 $0xC, v40;
	[tilespmem:$0x300] =	vst v2  }
0x41: {  	v47 =	vld [tilespmem:$0x90];
	v4 =	vadd.s32 $0x5, v42;
	[tilespmem:$0x280] =	vst v0  }
0x42: {  	v49 =	vld [tilespmem:$0x90];
	v6 =	vadd.s32 $0x2, v50;
	[tilespmem:$0x390] =	vst v4  }
0x43: {  	v51 =	vld [tilespmem:$0x90];
	v3 =	vadd.s32 $0xB, v43;
	[tilespmem:$0x510] =	vst v6  }
0x44: {  	v52 =	vld [tilespmem:$0x90];
	v1 =	vadd.s32 $0x7, v44;
	[tilespmem:$0x810] =	vst v3  }
0x45: {  	v54 =	vld [tilespmem:$0x90];
	v2 =	vadd.s32 $0x3, v45;
	[tilespmem:$0x790] =	vst v1  }
0x46: {  	v0 =	vadd.s32 $0xE, v47;
	[tilespmem:$0x710] =	vst v2  }
0x47: {  	v4 =	vadd.s32 $0x6, v49;
	[tilespmem:$0x690] =	vst v0  }
0x48: {  	[tilespmem:$0x590] =	vst v4;
	v3 =	vadd.s32 $0xD, v51  }
0x49: {  	v1 =	vadd.s32 $0x9, v52;
	[tilespmem:$0x490] =	vst v3  }
0x4a: {  	v0 =	vadd.s32 $0xF, v54;
	[tilespmem:$0x410] =	vst v1  }
0x4b: {  	s5 =	simm.s32 $0x20;
	s6 =	simm.s32 $0x900;
	s22 =	rddreg [dreg:$0x15];
	[tilespmem:$0x890] =	vst v0  }
0x4c: {  	[tilespmem:s6], [sflag:$0x1] =	stream.indirect.gather [hbm4b:s3+s5], $0x80, s22, s5, $0xb8;
	[tilespmem:$0x10900] =	vst v63  }
0x4d: {  	s7 =	simm.s32 $0x1900;
	s8 =	rddreg [dreg:$0x16]  }
0x4e: {  	[tilespmem:s7], [sflag:$0x1] =	stream.indirect.gather [hbm4b:s3+s5], $0x80, s8, s5, $0xb8;
	[tilespmem:$0x10900] =	vst v63  }
0x4f: {  	s23 =	rddreg [dreg:$0x17];
	s8 =	simm.s32 $0x2900  }
0x50: {  	[tilespmem:s8], [sflag:$0x1] =	stream.indirect.gather [hbm4b:s3+s5], $0x80, s23, s5, $0xb8;
	[tilespmem:$0x10900] =	vst v63  }
0x51: {  	s9 =	simm.s32 $0x3900;
	s10 =	rddreg [dreg:$0x18]  }
0x52: {  	[tilespmem:s9], [sflag:$0x1] =	stream.indirect.gather [hbm4b:s3+s5], $0x80, s10, s5, $0xb8;
	[tilespmem:$0x10900] =	vst v63  }
0x53: {  	s24 =	rddreg [dreg:$0x19];
	s10 =	simm.s32 $0x4900  }
0x54: {  	[tilespmem:s10], [sflag:$0x1] =	stream.indirect.gather [hbm4b:s3+s5], $0x80, s24, s5, $0xb8;
	[tilespmem:$0x10900] =	vst v63  }
0x55: {  	s11 =	simm.s32 $0x5900;
	s12 =	rddreg [dreg:$0x1a]  }
0x56: {  	[tilespmem:s11], [sflag:$0x1] =	stream.indirect.gather [hbm4b:s3+s5], $0x80, s12, s5, $0xb8;
	[tilespmem:$0x10900] =	vst v63  }
0x57: {  	s13 =	simm.s32 $0x6900;
	s25 =	rddreg [dreg:$0x1b]  }
0x58: {  	[tilespmem:s13], [sflag:$0x1] =	stream.indirect.gather [hbm4b:s3+s5], $0x80, s25, s5, $0xb8;
	[tilespmem:$0x10900] =	vst v63  }
0x59: {  	s15 =	simm.s32 $0x7900;
	s26 =	rddreg [dreg:$0x1c]  }
0x5a: {  	[tilespmem:s15], [sflag:$0x1] =	stream.indirect.gather [hbm4b:s3+s5], $0x80, s26, s5, $0xb8;
	[tilespmem:$0x10900] =	vst v63  }
0x5b: {  	s14 =	simm.s32 $0x500;
	s19 =	simm.s32 $0x8900  }
0x5c: {  	[tilespmem:s19], [sflag:$0x1] =	stream.indirect.gather [hbm4b:s3+s5], $0x80, s14, s5, $0xb8;
	[tilespmem:$0x10900] =	vst v63  }
0x5d: {  	s16 =	simm.s32 $0x580;
	s22 =	simm.s32 $0x9900  }
0x5e: {  	[tilespmem:s22], [sflag:$0x1] =	stream.indirect.gather [hbm4b:s3+s5], $0x80, s16, s5, $0xb8;
	[tilespmem:$0x10900] =	vst v63  }
0x5f: {  	s23 =	simm.s32 $0xA900;
	s24 =	simm.s32 $0x600  }
0x60: {  	[tilespmem:s23], [sflag:$0x1] =	stream.indirect.gather [hbm4b:s3+s5], $0x80, s24, s5, $0xb8;
	[tilespmem:$0x10900] =	vst v63  }
0x61: {  	s20 =	simm.s32 $0xB900;
	s25 =	simm.s32 $0x680  }
0x62: {  	[tilespmem:s20], [sflag:$0x1] =	stream.indirect.gather [hbm4b:s3+s5], $0x80, s25, s5, $0xb8;
	[tilespmem:$0x10900] =	vst v63  }
0x63: {  	s18 =	simm.s32 $0xC900;
	s26 =	simm.s32 $0x700  }
0x64: {  	[tilespmem:s18], [sflag:$0x1] =	stream.indirect.gather [hbm4b:s3+s5], $0x80, s26, s5, $0xb8;
	[tilespmem:$0x10900] =	vst v63  }
0x65: {  	s28 =	simm.s32 $0x780;
	s16 =	simm.s32 $0xD900  }
0x66: {  	[tilespmem:s16], [sflag:$0x1] =	stream.indirect.gather [hbm4b:s3+s5], $0x80, s28, s5, $0xb8;
	[tilespmem:$0x10900] =	vst v63  }
0x67: {  	s29 =	simm.s32 $0x800;
	s14 =	simm.s32 $0xE900  }
0x68: {  	[tilespmem:s14], [sflag:$0x1] =	stream.indirect.gather [hbm4b:s3+s5], $0x80, s29, s5, $0xb8;
	[tilespmem:$0x10900] =	vst v63  }
0x69: {  	s30 =	simm.s32 $0x880;
	s31 =	simm.s32 $0x1;
	s12 =	simm.s32 $0xF900  }
0x6a: {  	[tilespmem:s12], [sflag:$0x1] =	stream.indirect.gather [hbm4b:s3+s5], $0x80, s30, s5, $0xb8;
	[tilespmem:$0x10900] =	vst v63  }
0x6b: {  	_ =	swait.ge [sflag:s31], $0x1000  }
0x6c: {  	[sflag:s31] =	ssyncset.done $0x0  }
0x6d: {  	[sflag:s31] =	ssyncadd.s32 $0xFFFFF000  }
0x6e: {  	_ =	swait.ge [sflag:s31], $0x1000  }
0x6f: {  	[sflag:s31] =	ssyncset.done $0x0  }
0x70: {  	[sflag:s31] =	ssyncadd.s32 $0xFFFFF000  }
0x71: {  	_ =	swait.ge [sflag:s31], $0x1000  }
0x72: {  	[sflag:s31] =	ssyncset.done $0x0  }
0x73: {  	[sflag:s31] =	ssyncadd.s32 $0xFFFFF000  }
0x74: {  	_ =	swait.ge [sflag:s31], $0x1000  }
0x75: {  	[sflag:s31] =	ssyncset.done $0x0  }
0x76: {  	[sflag:s31] =	ssyncadd.s32 $0xFFFFF000  }
0x77: {  	_ =	swait.ge [sflag:s31], $0x1000  }
0x78: {  	[sflag:s31] =	ssyncset.done $0x0  }
0x79: {  	[sflag:s31] =	ssyncadd.s32 $0xFFFFF000  }
0x7a: {  	_ =	swait.ge [sflag:s31], $0x1000  }
0x7b: {  	[sflag:s31] =	ssyncset.done $0x0  }
0x7c: {  	[sflag:s31] =	ssyncadd.s32 $0xFFFFF000  }
0x7d: {  	_ =	swait.ge [sflag:s31], $0x1000  }
0x7e: {  	[sflag:s31] =	ssyncset.done $0x0  }
0x7f: {  	[sflag:s31] =	ssyncadd.s32 $0xFFFFF000  }
0x80: {  	_ =	swait.ge [sflag:s31], $0x1000  }
0x81: {  	[sflag:s31] =	ssyncset.done $0x0  }
0x82: {  	[sflag:s31] =	ssyncadd.s32 $0xFFFFF000  }
0x83: {  	_ =	swait.ge [sflag:s31], $0x1000  }
0x84: {  	[sflag:s31] =	ssyncset.done $0x0  }
0x85: {  	[sflag:s31] =	ssyncadd.s32 $0xFFFFF000  }
0x86: {  	_ =	swait.ge [sflag:s31], $0x1000  }
0x87: {  	[sflag:s31] =	ssyncset.done $0x0  }
0x88: {  	[sflag:s31] =	ssyncadd.s32 $0xFFFFF000  }
0x89: {  	_ =	swait.ge [sflag:s31], $0x1000  }
0x8a: {  	[sflag:s31] =	ssyncset.done $0x0  }
0x8b: {  	[sflag:s31] =	ssyncadd.s32 $0xFFFFF000  }
0x8c: {  	_ =	swait.ge [sflag:s31], $0x1000  }
0x8d: {  	[sflag:s31] =	ssyncset.done $0x0  }
0x8e: {  	[sflag:s31] =	ssyncadd.s32 $0xFFFFF000  }
0x8f: {  	_ =	swait.ge [sflag:s31], $0x1000  }
0x90: {  	[sflag:s31] =	ssyncset.done $0x0  }
0x91: {  	[sflag:s31] =	ssyncadd.s32 $0xFFFFF000  }
0x92: {  	_ =	swait.ge [sflag:s31], $0x1000  }
0x93: {  	[sflag:s31] =	ssyncset.done $0x0  }
0x94: {  	[sflag:s31] =	ssyncadd.s32 $0xFFFFF000  }
0x95: {  	_ =	swait.ge [sflag:s31], $0x1000  }
0x96: {  	[sflag:s31] =	ssyncset.done $0x0  }
0x97: {  	[sflag:s31] =	ssyncadd.s32 $0xFFFFF000  }
0x98: {  	_ =	swait.ge [sflag:s31], $0x1000  }
0x99: {  	[sflag:s31] =	ssyncset.done $0x0  }
0x9a: {  	s17 =	rddreg [dreg:$0x5];
	[sflag:s31] =	ssyncadd.s32 $0xFFFFF000  }
0x9b: {  	[hbm4b:s17+s2] =	stream.linear.scatter [tilespmem:s6], [sflag:$0x2], $0x1000, $0x38;
	[tilespmem:$0x10900] =	vst v63  }
0x9c: {  	_ =	swait.ge [sflag:s4], $0x1000  }
0x9d: {  	[sflag:s4] =	ssyncset.done $0x0  }
0x9e: {  	s21 =	rddreg [dreg:$0x6];
	[sflag:s4] =	ssyncadd.s32 $0xFFFFF000  }
0x9f: {  	[hbm4b:s21+s2] =	stream.linear.scatter [tilespmem:s7], [sflag:$0x2], $0x1000, $0x38;
	[tilespmem:$0x10900] =	vst v63  }
0xa0: {  	_ =	swait.ge [sflag:s4], $0x1000  }
0xa1: {  	[sflag:s4] =	ssyncset.done $0x0  }
0xa2: {  	s17 =	rddreg [dreg:$0x7];
	[sflag:s4] =	ssyncadd.s32 $0xFFFFF000  }
0xa3: {  	[hbm4b:s17+s2] =	stream.linear.scatter [tilespmem:s8], [sflag:$0x2], $0x1000, $0x38;
	[tilespmem:$0x10900] =	vst v63  }
0xa4: {  	_ =	swait.ge [sflag:s4], $0x1000  }
0xa5: {  	[sflag:s4] =	ssyncset.done $0x0  }
0xa6: {  	s21 =	rddreg [dreg:$0x8];
	[sflag:s4] =	ssyncadd.s32 $0xFFFFF000  }
0xa7: {  	[hbm4b:s21+s2] =	stream.linear.scatter [tilespmem:s9], [sflag:$0x2], $0x1000, $0x38;
	[tilespmem:$0x10900] =	vst v63  }
0xa8: {  	_ =	swait.ge [sflag:s4], $0x1000  }
0xa9: {  	[sflag:s4] =	ssyncset.done $0x0  }
0xaa: {  	s17 =	rddreg [dreg:$0x9];
	[sflag:s4] =	ssyncadd.s32 $0xFFFFF000  }
0xab: {  	[hbm4b:s17+s2] =	stream.linear.scatter [tilespmem:s10], [sflag:$0x2], $0x1000, $0x38;
	[tilespmem:$0x10900] =	vst v63  }
0xac: {  	_ =	swait.ge [sflag:s4], $0x1000  }
0xad: {  	[sflag:s4] =	ssyncset.done $0x0  }
0xae: {  	s21 =	rddreg [dreg:$0xa];
	[sflag:s4] =	ssyncadd.s32 $0xFFFFF000  }
0xaf: {  	[hbm4b:s21+s2] =	stream.linear.scatter [tilespmem:s11], [sflag:$0x2], $0x1000, $0x38;
	[tilespmem:$0x10900] =	vst v63  }
0xb0: {  	_ =	swait.ge [sflag:s4], $0x1000  }
0xb1: {  	[sflag:s4] =	ssyncset.done $0x0  }
0xb2: {  	s17 =	rddreg [dreg:$0xb];
	[sflag:s4] =	ssyncadd.s32 $0xFFFFF000  }
0xb3: {  	[hbm4b:s17+s2] =	stream.linear.scatter [tilespmem:s13], [sflag:$0x2], $0x1000, $0x38;
	[tilespmem:$0x10900] =	vst v63  }
0xb4: {  	_ =	swait.ge [sflag:s4], $0x1000  }
0xb5: {  	[sflag:s4] =	ssyncset.done $0x0  }
0xb6: {  	s21 =	rddreg [dreg:$0xc];
	[sflag:s4] =	ssyncadd.s32 $0xFFFFF000  }
0xb7: {  	[hbm4b:s21+s2] =	stream.linear.scatter [tilespmem:s15], [sflag:$0x2], $0x1000, $0x38;
	[tilespmem:$0x10900] =	vst v63  }
0xb8: {  	s21 =	ssub.s32 $0x2, s1  }
0xb9: {  	_ =	swait.ge [sflag:s4], $0x1000;
	s1 =	sshrl.u32 s21, $0x1  }
0xba: {  	[sflag:s4] =	ssyncset.done $0x0;
	s0 =	ssub.s32 s21, s1  }
0xbb: {  	s17 =	rddreg [dreg:$0xd];
	[sflag:s4] =	ssyncadd.s32 $0xFFFFF000;
	s0 =	smax.u32 s0, $0x1  }
0xbc: {  	[hbm4b:s17+s2] =	stream.linear.scatter [tilespmem:s19], [sflag:$0x2], $0x1000, $0x38;
	[tilespmem:$0x10900] =	vst v63  }
0xbd: {  	p0 =	sne.s32 s0, $0x1;
	_ =	swait.ge [sflag:s4], $0x1000  }
.Ltmp0:
0xbe: {  	[sflag:s4] =	ssyncset.done $0x0;
	(pc) =	sbr.rel @!p0 .LBB2_2-.Ltmp0, $4  }
0xbf: {  	s17 =	rddreg [dreg:$0xe];
	[sflag:s4] =	ssyncadd.s32 $0xFFFFF000  }
0xc0: {  	[hbm4b:s17+s2] =	stream.linear.scatter [tilespmem:s22], [sflag:$0x2], $0x1000, $0x38;
	[tilespmem:$0x10900] =	vst v63  }
0xc1: {  	_ =	swait.ge [sflag:s4], $0x1000  }
0xc2: {  	s1 =	sadd.s32 $0xFFFFFFFF, s0;
	[sflag:s4] =	ssyncset.done $0x0;
	s0 =	rddreg [dreg:$0xf]  }
.LBB2_1:
0xc3: {  	[sflag:s4] =	ssyncadd.s32 $0xFFFFF000  }
0xc4: {  	[hbm4b:s0+s2] =	stream.linear.scatter [tilespmem:s23], [sflag:$0x2], $0x1000, $0x38;
	[tilespmem:$0x10900] =	vst v63  }
0xc5: {  	_ =	swait.ge [sflag:s4], $0x1000  }
0xc6: {  	[sflag:s4] =	ssyncset.done $0x0  }
0xc7: {  	s17 =	rddreg [dreg:$0x10];
	[sflag:s4] =	ssyncadd.s32 $0xFFFFF000  }
0xc8: {  	[hbm4b:s17+s2] =	stream.linear.scatter [tilespmem:s20], [sflag:$0x2], $0x1000, $0x38;
	[tilespmem:$0x10900] =	vst v63  }
0xc9: {  	_ =	swait.ge [sflag:s4], $0x1000  }
0xca: {  	[sflag:s4] =	ssyncset.done $0x0  }
0xcb: {  	s21 =	rddreg [dreg:$0x11];
	[sflag:s4] =	ssyncadd.s32 $0xFFFFF000  }
0xcc: {  	[hbm4b:s21+s2] =	stream.linear.scatter [tilespmem:s18], [sflag:$0x2], $0x1000, $0x38;
	[tilespmem:$0x10900] =	vst v63  }
0xcd: {  	_ =	swait.ge [sflag:s4], $0x1000  }
0xce: {  	[sflag:s4] =	ssyncset.done $0x0  }
0xcf: {  	s17 =	rddreg [dreg:$0x12];
	[sflag:s4] =	ssyncadd.s32 $0xFFFFF000  }
0xd0: {  	[hbm4b:s17+s2] =	stream.linear.scatter [tilespmem:s16], [sflag:$0x2], $0x1000, $0x38;
	[tilespmem:$0x10900] =	vst v63  }
0xd1: {  	_ =	swait.ge [sflag:s4], $0x1000  }
0xd2: {  	[sflag:s4] =	ssyncset.done $0x0  }
0xd3: {  	s21 =	rddreg [dreg:$0x13];
	[sflag:s4] =	ssyncadd.s32 $0xFFFFF000  }
0xd4: {  	[hbm4b:s21+s2] =	stream.linear.scatter [tilespmem:s14], [sflag:$0x2], $0x1000, $0x38;
	[tilespmem:$0x10900] =	vst v63  }
0xd5: {  	_ =	swait.ge [sflag:s4], $0x1000  }
0xd6: {  	[sflag:s4] =	ssyncset.done $0x0  }
0xd7: {  	s17 =	rddreg [dreg:$0x14];
	[sflag:s4] =	ssyncadd.s32 $0xFFFFF000  }
0xd8: {  	[hbm4b:s17+s2] =	stream.linear.scatter [tilespmem:s12], [sflag:$0x2], $0x1000, $0x38;
	[tilespmem:$0x10900] =	vst v63  }
0xd9: {  	_ =	swait.ge [sflag:s4], $0x1000  }
0xda: {  	[sflag:s4] =	ssyncset.done $0x0  }
0xdb: {  	s21 =	rddreg [dreg:$0x4];
	[sflag:s4] =	ssyncadd.s32 $0xFFFFF000  }
0xdc: {  	[tilespmem:s2], [sflag:$0x2] =	stream.linear.gather [hbm4b:s21+s2], $0x20, $0x38;
	[tilespmem:$0x10900] =	vst v63  }
0xdd: {  	_ =	swait.ge [sflag:s4], $0x20  }
0xde: {  	[sflag:s4] =	ssyncset.done $0x0  }
0xdf: {  	[sflag:s4] =	ssyncadd.s32 $0xFFFFFFE0  }
0xe0: {  	v0 =	vld [tilespmem:$0x0]  }
0xe1: {  	v1 =	vld [tilespmem:$0x10];
	_ =	sdelay $0x3  }
0xe2: {  	v0 =	vshll.u32 v0, $0x4  }
0xe3: {  	v1 =	vshll.u32 v1, $0x4;
	[tilespmem:$0x80] =	vst v0  }
0xe4: {  	[tilespmem:$0x90] =	vst v1;
	v29 =	vld [tilespmem:$0x80]  }
0xe5: {  	v59 =	vld [tilespmem:$0x90]  }
0xe6: {  	v2 =	vld [tilespmem:$0x80]  }
0xe7: {  	v3 =	vld [tilespmem:$0x80]  }
0xe8: {  	v4 =	vld [tilespmem:$0x80]  }
0xe9: {  	[tilespmem:$0x100] =	vst v0;
	v5 =	vld [tilespmem:$0x80]  }
0xea: {  	v31 =	vld [tilespmem:$0x80];
	v30 =	vadd.s32 $0x4, v29;
	[tilespmem:$0x110] =	vst v59  }
0xeb: {  	v32 =	vld [tilespmem:$0x80];
	v2 =	vadd.s32 $0x3, v2;
	[tilespmem:$0x180] =	vst v30  }
0xec: {  	v6 =	vld [tilespmem:$0x80];
	v33 =	vadd.s32 $0xF, v3;
	[tilespmem:$0x700] =	vst v2  }
0xed: {  	v34 =	vld [tilespmem:$0x80];
	v4 =	vadd.s32 $0xB, v4;
	[tilespmem:$0x880] =	vst v33  }
0xee: {  	v37 =	vld [tilespmem:$0x80];
	v5 =	vadd.s32 $0x7, v5;
	[tilespmem:$0x800] =	vst v4  }
0xef: {  	v40 =	vld [tilespmem:$0x80];
	v1 =	vadd.s32 $0xE, v31;
	[tilespmem:$0x780] =	vst v5  }
0xf0: {  	v48 =	vld [tilespmem:$0x90];
	v0 =	vadd.s32 $0xA, v32;
	[tilespmem:$0x680] =	vst v1  }
0xf1: {  	v55 =	vld [tilespmem:$0x90];
	v6 =	vadd.s32 $0x6, v6;
	[tilespmem:$0x600] =	vst v0  }
0xf2: {  	v56 =	vld [tilespmem:$0x90];
	v3 =	vadd.s32 $0x2, v34;
	[tilespmem:$0x580] =	vst v6  }
0xf3: {  	v57 =	vld [tilespmem:$0x90];
	v42 =	vadd.s32 $0x5, v37;
	[tilespmem:$0x500] =	vst v3  }
0xf4: {  	v58 =	vld [tilespmem:$0x90];
	v46 =	vadd.s32 $0x8, v40;
	[tilespmem:$0x380] =	vst v42  }
0xf5: {  	v35 =	vld [tilespmem:$0x80];
	v53 =	vadd.s32 $0xA, v48;
	[tilespmem:$0x200] =	vst v46  }
0xf6: {  	v36 =	vld [tilespmem:$0x80];
	v60 =	vadd.s32 $0x1, v55;
	[tilespmem:$0x610] =	vst v53  }
0xf7: {  	v38 =	vld [tilespmem:$0x80];
	v61 =	vadd.s32 $0xC, v56;
	[tilespmem:$0x310] =	vst v60  }
0xf8: {  	v39 =	vld [tilespmem:$0x80];
	v62 =	vadd.s32 $0x8, v57;
	[tilespmem:$0x290] =	vst v61  }
0xf9: {  	v41 =	vld [tilespmem:$0x90];
	v63 =	vadd.s32 $0x4, v58;
	[tilespmem:$0x210] =	vst v62  }
0xfa: {  	v50 =	vld [tilespmem:$0x90];
	v2 =	vadd.s32 $0xD, v35;
	[tilespmem:$0x190] =	vst v63  }
0xfb: {  	v43 =	vld [tilespmem:$0x90];
	v4 =	vadd.s32 $0x9, v36;
	[tilespmem:$0x480] =	vst v2  }
0xfc: {  	v44 =	vld [tilespmem:$0x90];
	v1 =	vadd.s32 $0x1, v38;
	[tilespmem:$0x400] =	vst v4  }
0xfd: {  	v45 =	vld [tilespmem:$0x90];
	v0 =	vadd.s32 $0xC, v39;
	[tilespmem:$0x300] =	vst v1  }
0xfe: {  	v47 =	vld [tilespmem:$0x90];
	v3 =	vadd.s32 $0x5, v41;
	[tilespmem:$0x280] =	vst v0  }
0xff: {  	v49 =	vld [tilespmem:$0x90];
	v6 =	vadd.s32 $0x2, v50;
	[tilespmem:$0x390] =	vst v3  }
0x100: {  	v51 =	vld [tilespmem:$0x90];
	v4 =	vadd.s32 $0xB, v43;
	[tilespmem:$0x510] =	vst v6  }
0x101: {  	v52 =	vld [tilespmem:$0x90];
	v2 =	vadd.s32 $0x7, v44;
	[tilespmem:$0x810] =	vst v4  }
0x102: {  	v54 =	vld [tilespmem:$0x90];
	v1 =	vadd.s32 $0x3, v45;
	[tilespmem:$0x790] =	vst v2  }
0x103: {  	v0 =	vadd.s32 $0xE, v47;
	[tilespmem:$0x710] =	vst v1  }
0x104: {  	v3 =	vadd.s32 $0x6, v49;
	[tilespmem:$0x690] =	vst v0  }
0x105: {  	[tilespmem:$0x590] =	vst v3;
	v4 =	vadd.s32 $0xD, v51  }
0x106: {  	v2 =	vadd.s32 $0x9, v52;
	[tilespmem:$0x490] =	vst v4  }
0x107: {  	v0 =	vadd.s32 $0xF, v54;
	[tilespmem:$0x410] =	vst v2  }
0x108: {  	s0 =	rddreg [dreg:$0x15];
	[tilespmem:$0x890] =	vst v0  }
0x109: {  	[tilespmem:s6], [sflag:$0x1] =	stream.indirect.gather [hbm4b:s3+s5], $0x80, s0, s5, $0xb8;
	[tilespmem:$0x10900] =	vst v63  }
0x10a: {  	s17 =	rddreg [dreg:$0x16]  }
0x10b: {  	[tilespmem:s7], [sflag:$0x1] =	stream.indirect.gather [hbm4b:s3+s5], $0x80, s17, s5, $0xb8;
	[tilespmem:$0x10900] =	vst v63  }
0x10c: {  	s21 =	rddreg [dreg:$0x17]  }
0x10d: {  	[tilespmem:s8], [sflag:$0x1] =	stream.indirect.gather [hbm4b:s3+s5], $0x80, s21, s5, $0xb8;
	[tilespmem:$0x10900] =	vst v63  }
0x10e: {  	s0 =	rddreg [dreg:$0x18]  }
0x10f: {  	[tilespmem:s9], [sflag:$0x1] =	stream.indirect.gather [hbm4b:s3+s5], $0x80, s0, s5, $0xb8;
	[tilespmem:$0x10900] =	vst v63  }
0x110: {  	s17 =	rddreg [dreg:$0x19]  }
0x111: {  	[tilespmem:s10], [sflag:$0x1] =	stream.indirect.gather [hbm4b:s3+s5], $0x80, s17, s5, $0xb8;
	[tilespmem:$0x10900] =	vst v63  }
0x112: {  	s21 =	rddreg [dreg:$0x1a]  }
0x113: {  	[tilespmem:s11], [sflag:$0x1] =	stream.indirect.gather [hbm4b:s3+s5], $0x80, s21, s5, $0xb8;
	[tilespmem:$0x10900] =	vst v63  }
0x114: {  	s0 =	rddreg [dreg:$0x1b]  }
0x115: {  	[tilespmem:s13], [sflag:$0x1] =	stream.indirect.gather [hbm4b:s3+s5], $0x80, s0, s5, $0xb8;
	[tilespmem:$0x10900] =	vst v63  }
0x116: {  	s17 =	rddreg [dreg:$0x1c]  }
0x117: {  	[tilespmem:s15], [sflag:$0x1] =	stream.indirect.gather [hbm4b:s3+s5], $0x80, s17, s5, $0xb8;
	[tilespmem:$0x10900] =	vst v63  }
0x118: {  	s17 =	simm.s32 $0x500  }
0x119: {  	[tilespmem:s19], [sflag:$0x1] =	stream.indirect.gather [hbm4b:s3+s5], $0x80, s17, s5, $0xb8;
	[tilespmem:$0x10900] =	vst v63  }
0x11a: {  	s21 =	simm.s32 $0x580  }
0x11b: {  	[tilespmem:s22], [sflag:$0x1] =	stream.indirect.gather [hbm4b:s3+s5], $0x80, s21, s5, $0xb8;
	[tilespmem:$0x10900] =	vst v63  }
0x11c: {  	_ = 	snop  }
0x11d: {  	[tilespmem:s23], [sflag:$0x1] =	stream.indirect.gather [hbm4b:s3+s5], $0x80, s24, s5, $0xb8;
	[tilespmem:$0x10900] =	vst v63  }
0x11e: {  	_ = 	snop  }
0x11f: {  	[tilespmem:s20], [sflag:$0x1] =	stream.indirect.gather [hbm4b:s3+s5], $0x80, s25, s5, $0xb8;
	[tilespmem:$0x10900] =	vst v63  }
0x120: {  	_ = 	snop  }
0x121: {  	[tilespmem:s18], [sflag:$0x1] =	stream.indirect.gather [hbm4b:s3+s5], $0x80, s26, s5, $0xb8;
	[tilespmem:$0x10900] =	vst v63  }
0x122: {  	_ = 	snop  }
0x123: {  	[tilespmem:s16], [sflag:$0x1] =	stream.indirect.gather [hbm4b:s3+s5], $0x80, s28, s5, $0xb8;
	[tilespmem:$0x10900] =	vst v63  }
0x124: {  	_ = 	snop  }
0x125: {  	[tilespmem:s14], [sflag:$0x1] =	stream.indirect.gather [hbm4b:s3+s5], $0x80, s29, s5, $0xb8;
	[tilespmem:$0x10900] =	vst v63  }
0x126: {  	_ = 	snop  }
0x127: {  	[tilespmem:s12], [sflag:$0x1] =	stream.indirect.gather [hbm4b:s3+s5], $0x80, s30, s5, $0xb8;
	[tilespmem:$0x10900] =	vst v63  }
0x128: {  	_ =	swait.ge [sflag:s31], $0x1000  }
0x129: {  	[sflag:s31] =	ssyncset.done $0x0  }
0x12a: {  	[sflag:s31] =	ssyncadd.s32 $0xFFFFF000  }
0x12b: {  	_ =	swait.ge [sflag:s31], $0x1000  }
0x12c: {  	[sflag:s31] =	ssyncset.done $0x0  }
0x12d: {  	[sflag:s31] =	ssyncadd.s32 $0xFFFFF000  }
0x12e: {  	_ =	swait.ge [sflag:s31], $0x1000  }
0x12f: {  	[sflag:s31] =	ssyncset.done $0x0  }
0x130: {  	[sflag:s31] =	ssyncadd.s32 $0xFFFFF000  }
0x131: {  	_ =	swait.ge [sflag:s31], $0x1000  }
0x132: {  	[sflag:s31] =	ssyncset.done $0x0  }
0x133: {  	[sflag:s31] =	ssyncadd.s32 $0xFFFFF000  }
0x134: {  	_ =	swait.ge [sflag:s31], $0x1000  }
0x135: {  	[sflag:s31] =	ssyncset.done $0x0  }
0x136: {  	[sflag:s31] =	ssyncadd.s32 $0xFFFFF000  }
0x137: {  	_ =	swait.ge [sflag:s31], $0x1000  }
0x138: {  	[sflag:s31] =	ssyncset.done $0x0  }
0x139: {  	[sflag:s31] =	ssyncadd.s32 $0xFFFFF000  }
0x13a: {  	_ =	swait.ge [sflag:s31], $0x1000  }
0x13b: {  	[sflag:s31] =	ssyncset.done $0x0  }
0x13c: {  	[sflag:s31] =	ssyncadd.s32 $0xFFFFF000  }
0x13d: {  	_ =	swait.ge [sflag:s31], $0x1000  }
0x13e: {  	[sflag:s31] =	ssyncset.done $0x0  }
0x13f: {  	[sflag:s31] =	ssyncadd.s32 $0xFFFFF000  }
0x140: {  	_ =	swait.ge [sflag:s31], $0x1000  }
0x141: {  	[sflag:s31] =	ssyncset.done $0x0  }
0x142: {  	[sflag:s31] =	ssyncadd.s32 $0xFFFFF000  }
0x143: {  	_ =	swait.ge [sflag:s31], $0x1000  }
0x144: {  	[sflag:s31] =	ssyncset.done $0x0  }
0x145: {  	[sflag:s31] =	ssyncadd.s32 $0xFFFFF000  }
0x146: {  	_ =	swait.ge [sflag:s31], $0x1000  }
0x147: {  	[sflag:s31] =	ssyncset.done $0x0  }
0x148: {  	[sflag:s31] =	ssyncadd.s32 $0xFFFFF000  }
0x149: {  	_ =	swait.ge [sflag:s31], $0x1000  }
0x14a: {  	[sflag:s31] =	ssyncset.done $0x0  }
0x14b: {  	[sflag:s31] =	ssyncadd.s32 $0xFFFFF000  }
0x14c: {  	_ =	swait.ge [sflag:s31], $0x1000  }
0x14d: {  	[sflag:s31] =	ssyncset.done $0x0  }
0x14e: {  	[sflag:s31] =	ssyncadd.s32 $0xFFFFF000  }
0x14f: {  	_ =	swait.ge [sflag:s31], $0x1000  }
0x150: {  	[sflag:s31] =	ssyncset.done $0x0  }
0x151: {  	[sflag:s31] =	ssyncadd.s32 $0xFFFFF000  }
0x152: {  	_ =	swait.ge [sflag:s31], $0x1000  }
0x153: {  	[sflag:s31] =	ssyncset.done $0x0  }
0x154: {  	[sflag:s31] =	ssyncadd.s32 $0xFFFFF000  }
0x155: {  	_ =	swait.ge [sflag:s31], $0x1000  }
0x156: {  	[sflag:s31] =	ssyncset.done $0x0  }
0x157: {  	s17 =	rddreg [dreg:$0x5];
	[sflag:s31] =	ssyncadd.s32 $0xFFFFF000  }
0x158: {  	[hbm4b:s17+s2] =	stream.linear.scatter [tilespmem:s6], [sflag:$0x2], $0x1000, $0x38;
	[tilespmem:$0x10900] =	vst v63  }
0x159: {  	_ =	swait.ge [sflag:s4], $0x1000  }
0x15a: {  	[sflag:s4] =	ssyncset.done $0x0  }
0x15b: {  	s21 =	rddreg [dreg:$0x6];
	[sflag:s4] =	ssyncadd.s32 $0xFFFFF000  }
0x15c: {  	[hbm4b:s21+s2] =	stream.linear.scatter [tilespmem:s7], [sflag:$0x2], $0x1000, $0x38;
	[tilespmem:$0x10900] =	vst v63  }
0x15d: {  	_ =	swait.ge [sflag:s4], $0x1000  }
0x15e: {  	[sflag:s4] =	ssyncset.done $0x0  }
0x15f: {  	s17 =	rddreg [dreg:$0x7];
	[sflag:s4] =	ssyncadd.s32 $0xFFFFF000  }
0x160: {  	[hbm4b:s17+s2] =	stream.linear.scatter [tilespmem:s8], [sflag:$0x2], $0x1000, $0x38;
	[tilespmem:$0x10900] =	vst v63  }
0x161: {  	_ =	swait.ge [sflag:s4], $0x1000  }
0x162: {  	[sflag:s4] =	ssyncset.done $0x0  }
0x163: {  	s21 =	rddreg [dreg:$0x8];
	[sflag:s4] =	ssyncadd.s32 $0xFFFFF000  }
0x164: {  	[hbm4b:s21+s2] =	stream.linear.scatter [tilespmem:s9], [sflag:$0x2], $0x1000, $0x38;
	[tilespmem:$0x10900] =	vst v63  }
0x165: {  	_ =	swait.ge [sflag:s4], $0x1000  }
0x166: {  	[sflag:s4] =	ssyncset.done $0x0  }
0x167: {  	s17 =	rddreg [dreg:$0x9];
	[sflag:s4] =	ssyncadd.s32 $0xFFFFF000  }
0x168: {  	[hbm4b:s17+s2] =	stream.linear.scatter [tilespmem:s10], [sflag:$0x2], $0x1000, $0x38;
	[tilespmem:$0x10900] =	vst v63  }
0x169: {  	_ =	swait.ge [sflag:s4], $0x1000  }
0x16a: {  	[sflag:s4] =	ssyncset.done $0x0  }
0x16b: {  	s21 =	rddreg [dreg:$0xa];
	[sflag:s4] =	ssyncadd.s32 $0xFFFFF000  }
0x16c: {  	[hbm4b:s21+s2] =	stream.linear.scatter [tilespmem:s11], [sflag:$0x2], $0x1000, $0x38;
	[tilespmem:$0x10900] =	vst v63  }
0x16d: {  	_ =	swait.ge [sflag:s4], $0x1000  }
0x16e: {  	[sflag:s4] =	ssyncset.done $0x0  }
0x16f: {  	s17 =	rddreg [dreg:$0xb];
	[sflag:s4] =	ssyncadd.s32 $0xFFFFF000  }
0x170: {  	[hbm4b:s17+s2] =	stream.linear.scatter [tilespmem:s13], [sflag:$0x2], $0x1000, $0x38;
	[tilespmem:$0x10900] =	vst v63  }
0x171: {  	_ =	swait.ge [sflag:s4], $0x1000  }
0x172: {  	[sflag:s4] =	ssyncset.done $0x0  }
0x173: {  	s21 =	rddreg [dreg:$0xc];
	[sflag:s4] =	ssyncadd.s32 $0xFFFFF000  }
0x174: {  	[hbm4b:s21+s2] =	stream.linear.scatter [tilespmem:s15], [sflag:$0x2], $0x1000, $0x38;
	[tilespmem:$0x10900] =	vst v63  }
0x175: {  	_ =	swait.ge [sflag:s4], $0x1000  }
0x176: {  	[sflag:s4] =	ssyncset.done $0x0  }
0x177: {  	s17 =	rddreg [dreg:$0xd];
	[sflag:s4] =	ssyncadd.s32 $0xFFFFF000  }
0x178: {  	[hbm4b:s17+s2] =	stream.linear.scatter [tilespmem:s19], [sflag:$0x2], $0x1000, $0x38;
	[tilespmem:$0x10900] =	vst v63  }
0x179: {  	p0 =	sne.s32 s1, $0x1;
	_ =	swait.ge [sflag:s4], $0x1000  }
.Ltmp1:
0x17a: {  	[sflag:s4] =	ssyncset.done $0x0;
	(pc) =	sbr.rel @p0 .LBB2_1-.Ltmp1, $4  }
0x17b: {  	s21 =	rddreg [dreg:$0xe];
	[sflag:s4] =	ssyncadd.s32 $0xFFFFF000  }
0x17c: {  	[hbm4b:s21+s2] =	stream.linear.scatter [tilespmem:s22], [sflag:$0x2], $0x1000, $0x38;
	[tilespmem:$0x10900] =	vst v63  }
0x17d: {  	_ =	swait.ge [sflag:s4], $0x1000  }
0x17e: {  	s1 =	sadd.s32 $0xFFFFFFFF, s1;
	[sflag:s4] =	ssyncset.done $0x0;
	s0 =	rddreg [dreg:$0xf]  }
.LBB2_2:
0x17f: {  	[sflag:s4] =	ssyncadd.s32 $0xFFFFF000  }
0x180: {  	[hbm4b:s0+s2] =	stream.linear.scatter [tilespmem:s23], [sflag:$0x2], $0x1000, $0x38;
	[tilespmem:$0x10900] =	vst v63  }
0x181: {  	_ =	swait.ge [sflag:s4], $0x1000  }
0x182: {  	[sflag:s4] =	ssyncset.done $0x0  }
0x183: {  	s25 =	rddreg [dreg:$0x10];
	[sflag:s4] =	ssyncadd.s32 $0xFFFFF000  }
0x184: {  	[hbm4b:s25+s2] =	stream.linear.scatter [tilespmem:s20], [sflag:$0x2], $0x1000, $0x38;
	[tilespmem:$0x10900] =	vst v63  }
0x185: {  	_ =	swait.ge [sflag:s4], $0x1000  }
0x186: {  	[sflag:s4] =	ssyncset.done $0x0  }
0x187: {  	s26 =	rddreg [dreg:$0x11];
	[sflag:s4] =	ssyncadd.s32 $0xFFFFF000  }
0x188: {  	[hbm4b:s26+s2] =	stream.linear.scatter [tilespmem:s18], [sflag:$0x2], $0x1000, $0x38;
	[tilespmem:$0x10900] =	vst v63  }
0x189: {  	_ =	swait.ge [sflag:s4], $0x1000  }
0x18a: {  	[sflag:s4] =	ssyncset.done $0x0  }
0x18b: {  	s28 =	rddreg [dreg:$0x12];
	[sflag:s4] =	ssyncadd.s32 $0xFFFFF000  }
0x18c: {  	[hbm4b:s28+s2] =	stream.linear.scatter [tilespmem:s16], [sflag:$0x2], $0x1000, $0x38;
	[tilespmem:$0x10900] =	vst v63  }
0x18d: {  	_ =	swait.ge [sflag:s4], $0x1000  }
0x18e: {  	[sflag:s4] =	ssyncset.done $0x0  }
0x18f: {  	s29 =	rddreg [dreg:$0x13];
	[sflag:s4] =	ssyncadd.s32 $0xFFFFF000  }
0x190: {  	[hbm4b:s29+s2] =	stream.linear.scatter [tilespmem:s14], [sflag:$0x2], $0x1000, $0x38;
	[tilespmem:$0x10900] =	vst v63  }
0x191: {  	_ =	swait.ge [sflag:s4], $0x1000  }
0x192: {  	[sflag:s4] =	ssyncset.done $0x0  }
0x193: {  	s30 =	rddreg [dreg:$0x14];
	[sflag:s4] =	ssyncadd.s32 $0xFFFFF000  }
0x194: {  	[hbm4b:s30+s2] =	stream.linear.scatter [tilespmem:s12], [sflag:$0x2], $0x1000, $0x38;
	[tilespmem:$0x10900] =	vst v63  }
0x195: {  	_ =	swait.ge [sflag:s4], $0x1000  }
0x196: {  	[sflag:s4] =	ssyncset.done $0x0  }
0x197: {  	[sflag:s4] =	ssyncadd.s32 $0xFFFFF000  }
0x198: {  	_ =	sfence.sel $0x180000  }
0x199: {  	[bflag:$0x0] =	sbarrier.arrive $0xFFFF  }
0x19a: {  	_ =	strace $0x90000047  }
0x19b: {  	s31 =	stileid.u32;
	[bflag:$0x2] =	sbarrier.arrive $0xFFFF  }
0x19c: {  	p0 =	sne.s32 s31, $0x0;
	s0 =	rddreg [dreg:$0x3]  }
0x19d: {  	s0 =	sadd.s32 @!p0 $0x100000, s0  }
0x19e: {  	[sflag:s0] =	ssyncadd.tile.s32 @!p0 $0x1;
	_ =	shalt  }
.Lfunc_end2:
_tile_overlayer_lowered:
.L_overlay_start_2:
0x19f: {  	(tag) =	ssettag $0x2  }
0x1a0: {  	s0 =	rddreg [dreg:$0x0];
	s2 =	stileid.u32  }
0x1a1: {  	s1 =	rddreg [dreg:$0x1];
	p0 =	sne.s32 s2, $0x0  }
0x1a2: {  	s3 =	rddreg [dreg:$0x2];
	[bflag:$0x3] =	sbarrier.arrive $0xFFFF;
	s2 =	simm.s32 @!p0 $0x1C02  }
0x1a3: {  	[timem:s3], [sflag:s2] =	dma.local @!p0 [hbm:s0], s1  }
0x1a4: {  	s0 =	simm.s32 @!p0 $0x2  }
0x1a5: {  	_ =	swait.ge @!p0 [sflag:s0], s1  }
0x1a6: {  	s1 =	ssub.s32 @!p0 $0x0, s1;
	[sflag:s0] =	ssyncset.done @!p0 $0x0  }
0x1a7: {  	[sflag:s0] =	ssyncadd.s32 @!p0 s1  }
0x1a8: {  	[bflag:$0x3] =	sbarrier.arrive $0xFFFF  }
0x1a9: {  	_ =	shalt  }

</sc_bundles>
